<compile_context>
chip_gen: v7x
topology: tpu7x:2x2x1
jax: 0.10.2.dev20260603
libtpu: 0.0.44.dev20260713+nightly
codegen_flags: <defaults>
</compile_context>

<pallas_src>
import functools

import jax
import jax.numpy as jnp
from jax import lax
from jax.experimental import pallas as pl
from jax.experimental.pallas import tpu as pltpu
from jax.experimental.pallas import tpu_sc as plsc

D_MODEL = 1024
SEQ_LEN = 2048
NC, NS, L = 2, 16, 16
NW = NC * NS
B_TOTAL = 4 * SEQ_LEN
B_PER_W = B_TOTAL // NW
CHUNK = 32
N_CHUNKS = B_PER_W // CHUNK
SCALE = 32.0


def _body(seq_hbm, seg_hbm, tok_table, seg_table, pe_hbm, out_hbm,
          idx_v, sidx_v, tok_v, pe_v, seg_v, sem0, sem1, sem2, sem3):
    wid = lax.axis_index("s") * NC + lax.axis_index("c")
    base = wid * B_PER_W
    pos0 = (wid % (SEQ_LEN // B_PER_W)) * B_PER_W

    cp_i = pltpu.async_copy(seq_hbm.at[pl.ds(base, B_PER_W)], idx_v, sem0)
    cp_s = pltpu.async_copy(seg_hbm.at[pl.ds(base, B_PER_W)], sidx_v, sem1)
    cp_i.wait()
    cp_s.wait()

    for c in range(N_CHUNKS):
        off = c * CHUNK
        cp_tok = pltpu.async_copy(
            tok_table.at[idx_v.at[pl.ds(off, CHUNK)]], tok_v, sem0)
        cp_seg = pltpu.async_copy(
            seg_table.at[sidx_v.at[pl.ds(off, CHUNK)]], seg_v, sem1)
        cp_pe = pltpu.async_copy(
            pe_hbm.at[pl.ds(pos0 + off, CHUNK)], pe_v, sem2)
        cp_tok.wait()
        cp_seg.wait()
        cp_pe.wait()

        def row(t, _):
            def vec(j, _):
                sl = pl.ds(j * L, L)
                tok_v[t, sl] = (tok_v[t, sl] * SCALE + pe_v[t, sl]
                                + seg_v[t, sl])
                return 0
            lax.fori_loop(0, D_MODEL // L, vec, 0, unroll=4)
            return 0
        lax.fori_loop(0, CHUNK, row, 0)

        pltpu.async_copy(
            tok_v, out_hbm.at[pl.ds(base + off, CHUNK)], sem3).wait()


@jax.jit
def _embed(seq_flat, seg_flat, tok_table, seg_table, pe):
    mesh = plsc.VectorSubcoreMesh(
        core_axis_name="c", subcore_axis_name="s",
        num_cores=NC, num_subcores=NS)
    return pl.kernel(
        _body,
        out_type=jax.ShapeDtypeStruct((B_TOTAL, D_MODEL), jnp.float32),
        mesh=mesh,
        scratch_types=[
            pltpu.VMEM((B_PER_W,), jnp.int32),
            pltpu.VMEM((B_PER_W,), jnp.int32),
            pltpu.VMEM((CHUNK, D_MODEL), jnp.float32),
            pltpu.VMEM((CHUNK, D_MODEL), jnp.float32),
            pltpu.VMEM((CHUNK, D_MODEL), jnp.float32),
            pltpu.SemaphoreType.DMA,
            pltpu.SemaphoreType.DMA,
            pltpu.SemaphoreType.DMA,
            pltpu.SemaphoreType.DMA,
        ],
    )(seq_flat, seg_flat, tok_table, seg_table, pe)


def kernel(sequence, segment, tok_table, seg_table, pe):
    b, s = sequence.shape
    seq_flat = sequence.reshape(-1).astype(jnp.int32)
    seg_flat = segment.reshape(-1).astype(jnp.int32)
    out = _embed(seq_flat, seg_flat, tok_table, seg_table, pe)
    return out.reshape(b, s, D_MODEL)

# --- scband reference (transcript-rebuilt; emitter-appended) ---
"""Pipeline reference for scband-bertembeddings-80367428043421 (READ-ONLY COPY).

The authoritative reference and input builder live on the scoring server;
editing this copy changes nothing except your own understanding.
"""

import jax, jax.numpy as jnp
import numpy as np

VOCAB = 100000
D_MODEL = 1024
SEQ_LEN = 2048
PAD = 0

def _sinusoidal_pe(seq_len, d_model):
    pos = np.arange(seq_len)[:, None].astype(np.float32)
    i = np.arange(0, d_model, 2).astype(np.float32)
    div = np.exp(-np.log(10000.0) * i / d_model)[None, :]
    pe = np.zeros((seq_len, d_model), np.float32)
    pe[:, 0::2] = np.sin(pos * div)
    pe[:, 1::2] = np.cos(pos * div)
    return jnp.asarray(pe)

def setup_inputs(seed: int = 0) -> dict:
    key = jax.random.key(seed)
    k1, k2, k3, k4 = jax.random.split(key, 4)
    sequence = jax.random.randint(k1, (4, SEQ_LEN), 0, VOCAB, dtype=jnp.int64 if jax.config.jax_enable_x64 else jnp.int32)
    segment = jax.random.randint(k2, (4, SEQ_LEN), 0, 3, dtype=jnp.int64 if jax.config.jax_enable_x64 else jnp.int32)
    tok_table = (jax.random.normal(k3, (VOCAB, D_MODEL), dtype=jnp.float32) * 0.02).at[PAD].set(0.0)
    seg_table = (jax.random.normal(k4, (3, D_MODEL), dtype=jnp.float32) * 0.02).at[PAD].set(0.0)
    pe = _sinusoidal_pe(SEQ_LEN, D_MODEL)
    return {"sequence": sequence, "segment": segment, "tok_table": tok_table, "seg_table": seg_table, "pe": pe}

def reference(sequence, segment, tok_table, seg_table, pe):
    # InputEmbeddings: token embedding scaled by sqrt(d_model)
    tok = jnp.take(tok_table, sequence, axis=0) * jnp.sqrt(jnp.float32(D_MODEL))
    # PositionalEmbeddings: sinusoidal PE sliced to the sequence length (dropout = identity at eval)
    pos = pe[None, :sequence.shape[1], :]
    # Segment embeddings
    seg = jnp.take(seg_table, segment, axis=0)
    x = tok + pos + seg
    # outer dropout = identity in eval mode
    return x

if __name__ == "__main__":
    import jax
    _d = setup_inputs()
    print(jax.jit(kernel)(*tuple(_d.values())))

</pallas_src>

<mosaic_0001>
#map = affine_map<(d0, d1) -> (0)>
#map1 = affine_map<(d0, d1) -> (0, 0)>
module attributes {stable_mosaic.version = 14 : i64} {
  func.func @_body(%arg0: i32, %arg1: i32, %arg2: memref<8192xi32, #tpu.memory_space<hbm>>, %arg3: memref<8192xi32, #tpu.memory_space<hbm>>, %arg4: memref<100000x1024xf32, #tpu.memory_space<hbm>>, %arg5: memref<3x1024xf32, #tpu.memory_space<hbm>>, %arg6: memref<2048x1024xf32, #tpu.memory_space<hbm>>, %arg7: memref<8192x1024xf32, #tpu.memory_space<hbm>>, %arg8: memref<256xi32, #tpu.memory_space<vmem>>, %arg9: memref<256xi32, #tpu.memory_space<vmem>>, %arg10: memref<32x1024xf32, #tpu.memory_space<vmem>>, %arg11: memref<32x1024xf32, #tpu.memory_space<vmem>>, %arg12: memref<32x1024xf32, #tpu.memory_space<vmem>>, %arg13: memref<!tpu.dma_semaphore, #tpu.memory_space<semaphore_mem>>, %arg14: memref<!tpu.dma_semaphore, #tpu.memory_space<semaphore_mem>>, %arg15: memref<!tpu.dma_semaphore, #tpu.memory_space<semaphore_mem>>, %arg16: memref<!tpu.dma_semaphore, #tpu.memory_space<semaphore_mem>>) attributes {dimension_semantics = [#tpu.dimension_semantics<core_parallel>, #tpu.dimension_semantics<subcore_parallel>], iteration_bounds = array<i64: 2, 16>, scalar_prefetch = 0 : i64, scratch_operands = 9 : i64, tpu.core_type = #tpu.core_type<sc_vector_subcore>, window_params = [{transform_indices = #map}, {transform_indices = #map}, {transform_indices = #map1}, {transform_indices = #map1}, {transform_indices = #map1}, {transform_indices = #map1}]} {
    %mul3A = arith.constant 2 : i32
    %mul3A_0 = arith.muli %arg1, %mul3A : i32
    %add3A = arith.addi %mul3A_0, %arg0 : i32
    %mul3A_1 = arith.constant 256 : i32
    %mul3A_2 = arith.muli %add3A, %mul3A_1 : i32
    %jit3A = arith.constant 8 : i32
    %eq3A = arith.constant 0 : i32
    %eq3A_3 = arith.cmpi eq, %jit3A, %eq3A : i32
    %jit3A_4 = arith.constant 1 : i32
    %select_n3A = arith.select %eq3A_3, %jit3A_4, %jit3A : i32
    %rem3A = arith.remsi %add3A, %select_n3A : i32
    %ne3A = arith.constant 0 : i32
    %ne3A_5 = arith.cmpi ne, %rem3A, %ne3A : i32
    %lt3A = arith.constant 0 : i32
    %lt3A_6 = arith.cmpi slt, %rem3A, %lt3A : i32
    %lt3A_7 = arith.constant 0 : i32
    %lt3A_8 = arith.cmpi slt, %select_n3A, %lt3A_7 : i32
    %ne3A_9 = arith.xori %lt3A_6, %lt3A_8 : i1
    %and3A = arith.andi %ne3A_9, %ne3A_5 : i1
    %add3A_10 = arith.addi %rem3A, %select_n3A : i32
    %select_n3A_11 = arith.select %and3A, %add3A_10, %rem3A : i32
    %mul3A_12 = arith.constant 256 : i32
    %mul3A_13 = arith.muli %select_n3A_11, %mul3A_12 : i32
    %dma_start3A = tpu.memref_slice %arg2[%mul3A_2] : memref<8192xi32, #tpu.memory_space<hbm>> -> memref<256xi32, #tpu.memory_space<hbm>>
    %dma_start3A_14 = tpu.memref_slice %arg2[%mul3A_2] : memref<8192xi32, #tpu.memory_space<hbm>> -> memref<256xi32, #tpu.memory_space<hbm>>
    tpu.enqueue_dma source(%dma_start3A_14 : memref<256xi32, #tpu.memory_space<hbm>>) target(%arg8 : memref<256xi32, #tpu.memory_space<vmem>>) target_semaphore(%arg13 : memref<!tpu.dma_semaphore, #tpu.memory_space<semaphore_mem>>)
    %dma_start3A_15 = tpu.memref_slice %arg3[%mul3A_2] : memref<8192xi32, #tpu.memory_space<hbm>> -> memref<256xi32, #tpu.memory_space<hbm>>
    %dma_start3A_16 = tpu.memref_slice %arg3[%mul3A_2] : memref<8192xi32, #tpu.memory_space<hbm>> -> memref<256xi32, #tpu.memory_space<hbm>>
    tpu.enqueue_dma source(%dma_start3A_16 : memref<256xi32, #tpu.memory_space<hbm>>) target(%arg9 : memref<256xi32, #tpu.memory_space<vmem>>) target_semaphore(%arg14 : memref<!tpu.dma_semaphore, #tpu.memory_space<semaphore_mem>>)
    %dma_wait3A = tpu.memref_slice %arg2[%mul3A_2] : memref<8192xi32, #tpu.memory_space<hbm>> -> memref<256xi32, #tpu.memory_space<hbm>>
    %dma_wait3A_17 = tpu.memref_slice %arg2[%mul3A_2] : memref<8192xi32, #tpu.memory_space<hbm>> -> memref<256xi32, #tpu.memory_space<hbm>>
    tpu.wait_dma2 semaphore(%arg13 : memref<!tpu.dma_semaphore, #tpu.memory_space<semaphore_mem>>) src(%dma_wait3A_17 : memref<256xi32, #tpu.memory_space<hbm>>) dst(%arg8 : memref<256xi32, #tpu.memory_space<vmem>>)
    %dma_wait3A_18 = tpu.memref_slice %arg3[%mul3A_2] : memref<8192xi32, #tpu.memory_space<hbm>> -> memref<256xi32, #tpu.memory_space<hbm>>
    %dma_wait3A_19 = tpu.memref_slice %arg3[%mul3A_2] : memref<8192xi32, #tpu.memory_space<hbm>> -> memref<256xi32, #tpu.memory_space<hbm>>
    tpu.wait_dma2 semaphore(%arg14 : memref<!tpu.dma_semaphore, #tpu.memory_space<semaphore_mem>>) src(%dma_wait3A_19 : memref<256xi32, #tpu.memory_space<hbm>>) dst(%arg9 : memref<256xi32, #tpu.memory_space<vmem>>)
    %dma_start3A_20 = arith.constant 0 : i32
    %dma_start3A_21 = tpu.memref_slice %arg8[%dma_start3A_20] : memref<256xi32, #tpu.memory_space<vmem>> -> memref<32xi32, #tpu.memory_space<vmem>>
    %dma_start3A_22 = arith.constant 0 : i32
    %dma_start3A_23 = arith.constant 0 : i32
    %dma_start3A_24 = tpu.memref_slice %arg4[%dma_start3A_22, %dma_start3A_23] : memref<100000x1024xf32, #tpu.memory_space<hbm>> -> memref<100000x1024xf32, #tpu.memory_space<hbm>>
    tpu.enqueue_indirect_dma source(%dma_start3A_24 : memref<100000x1024xf32, #tpu.memory_space<hbm>>) target(%arg10 : memref<32x1024xf32, #tpu.memory_space<vmem>>) offsets(%dma_start3A_21 : memref<32xi32, #tpu.memory_space<vmem>>) semaphore(%arg13 : memref<!tpu.dma_semaphore, #tpu.memory_space<semaphore_mem>>)
    %dma_start3A_25 = arith.constant 0 : i32
    %dma_start3A_26 = tpu.memref_slice %arg9[%dma_start3A_25] : memref<256xi32, #tpu.memory_space<vmem>> -> memref<32xi32, #tpu.memory_space<vmem>>
    %dma_start3A_27 = arith.constant 0 : i32
    %dma_start3A_28 = arith.constant 0 : i32
    %dma_start3A_29 = tpu.memref_slice %arg5[%dma_start3A_27, %dma_start3A_28] : memref<3x1024xf32, #tpu.memory_space<hbm>> -> memref<3x1024xf32, #tpu.memory_space<hbm>>
    tpu.enqueue_indirect_dma source(%dma_start3A_29 : memref<3x1024xf32, #tpu.memory_space<hbm>>) target(%arg12 : memref<32x1024xf32, #tpu.memory_space<vmem>>) offsets(%dma_start3A_26 : memref<32xi32, #tpu.memory_space<vmem>>) semaphore(%arg14 : memref<!tpu.dma_semaphore, #tpu.memory_space<semaphore_mem>>)
    %add3A_30 = arith.constant 0 : i32
    %add3A_31 = arith.addi %mul3A_13, %add3A_30 : i32
    %dma_start3A_32 = arith.constant 0 : i32
    %dma_start3A_33 = tpu.memref_slice %arg6[%add3A_31, %dma_start3A_32] : memref<2048x1024xf32, #tpu.memory_space<hbm>> -> memref<32x1024xf32, #tpu.memory_space<hbm>>
    %dma_start3A_34 = arith.constant 0 : i32
    %dma_start3A_35 = tpu.memref_slice %arg6[%add3A_31, %dma_start3A_34] : memref<2048x1024xf32, #tpu.memory_space<hbm>> -> memref<32x1024xf32, #tpu.memory_space<hbm>>
    tpu.enqueue_dma source(%dma_start3A_35 : memref<32x1024xf32, #tpu.memory_space<hbm>>) target(%arg11 : memref<32x1024xf32, #tpu.memory_space<vmem>>) target_semaphore(%arg15 : memref<!tpu.dma_semaphore, #tpu.memory_space<semaphore_mem>>)
    %dma_wait3A_36 = arith.constant 0 : i32
    %dma_wait3A_37 = tpu.memref_slice %arg8[%dma_wait3A_36] : memref<256xi32, #tpu.memory_space<vmem>> -> memref<32xi32, #tpu.memory_space<vmem>>
    %dma_wait3A_38 = arith.constant 0 : i32
    %dma_wait3A_39 = arith.constant 0 : i32
    %dma_wait3A_40 = tpu.memref_slice %arg4[%dma_wait3A_38, %dma_wait3A_39] : memref<100000x1024xf32, #tpu.memory_space<hbm>> -> memref<100000x1024xf32, #tpu.memory_space<hbm>>
    tpu.wait_indirect_dma semaphore(%arg13 : memref<!tpu.dma_semaphore, #tpu.memory_space<semaphore_mem>>) src(%dma_wait3A_40 : memref<100000x1024xf32, #tpu.memory_space<hbm>>) dst(%arg10 : memref<32x1024xf32, #tpu.memory_space<vmem>>)
    %dma_wait3A_41 = arith.constant 0 : i32
    %dma_wait3A_42 = tpu.memref_slice %arg9[%dma_wait3A_41] : memref<256xi32, #tpu.memory_space<vmem>> -> memref<32xi32, #tpu.memory_space<vmem>>
    %dma_wait3A_43 = arith.constant 0 : i32
    %dma_wait3A_44 = arith.constant 0 : i32
    %dma_wait3A_45 = tpu.memref_slice %arg5[%dma_wait3A_43, %dma_wait3A_44] : memref<3x1024xf32, #tpu.memory_space<hbm>> -> memref<3x1024xf32, #tpu.memory_space<hbm>>
    tpu.wait_indirect_dma semaphore(%arg14 : memref<!tpu.dma_semaphore, #tpu.memory_space<semaphore_mem>>) src(%dma_wait3A_45 : memref<3x1024xf32, #tpu.memory_space<hbm>>) dst(%arg12 : memref<32x1024xf32, #tpu.memory_space<vmem>>)
    %dma_wait3A_46 = arith.constant 0 : i32
    %dma_wait3A_47 = tpu.memref_slice %arg6[%add3A_31, %dma_wait3A_46] : memref<2048x1024xf32, #tpu.memory_space<hbm>> -> memref<32x1024xf32, #tpu.memory_space<hbm>>
    %dma_wait3A_48 = arith.constant 0 : i32
    %dma_wait3A_49 = tpu.memref_slice %arg6[%add3A_31, %dma_wait3A_48] : memref<2048x1024xf32, #tpu.memory_space<hbm>> -> memref<32x1024xf32, #tpu.memory_space<hbm>>
    tpu.wait_dma2 semaphore(%arg15 : memref<!tpu.dma_semaphore, #tpu.memory_space<semaphore_mem>>) src(%dma_wait3A_49 : memref<32x1024xf32, #tpu.memory_space<hbm>>) dst(%arg11 : memref<32x1024xf32, #tpu.memory_space<vmem>>)
    %scan3A = arith.constant 0 : i32
    %scan3A_50 = arith.constant 0 : i32
    %scan3A_51 = arith.constant 32 : i32
    %scan3A_52 = arith.addi %scan3A_50, %scan3A_51 : i32
    %scan3A_53 = arith.constant 1 : i32
    %scan3A_54 = scf.for %scan3A_395 = %scan3A_50 to %scan3A_52 step %scan3A_53 iter_args(%scan3A_396 = %scan3A) -> (i32)  : i32 {
      %scan3A_397 = arith.constant 0 : i32
      %scan3A_398 = arith.constant 0 : i32
      %scan3A_399 = arith.constant 64 : i32
      %scan3A_400 = arith.addi %scan3A_398, %scan3A_399 : i32
      %scan3A_401 = arith.constant 4 : i32
      %scan3A_402 = scf.for %scan3A_405 = %scan3A_398 to %scan3A_400 step %scan3A_401 iter_args(%scan3A_406 = %scan3A_397) -> (i32)  : i32 {
        %mul3A_407 = arith.constant 16 : i32
        %mul3A_408 = arith.muli %scan3A_405, %mul3A_407 : i32
        %get3A = arith.index_cast %scan3A_395 : i32 to index
        %get3A_409 = arith.index_cast %mul3A_408 : i32 to index
        %get3A_410 = tpu.vector_load %arg10[%get3A, %get3A_409] {strides = array<i32>} : memref<32x1024xf32, #tpu.memory_space<vmem>>, vector<1x16xf32>,
        %get3A_411 = vector.shape_cast %get3A_410 : vector<1x16xf32> to vector<16xf32>
        %mul3A_412 = arith.constant 3.200000e+01 : f32
        %mul3A_413 = vector.broadcast %mul3A_412 : f32 to vector<16xf32>
        %mul3A_414 = arith.mulf %get3A_411, %mul3A_413 : vector<16xf32>
        %get3A_415 = arith.index_cast %scan3A_395 : i32 to index
        %get3A_416 = arith.index_cast %mul3A_408 : i32 to index
        %get3A_417 = tpu.vector_load %arg11[%get3A_415, %get3A_416] {strides = array<i32>} : memref<32x1024xf32, #tpu.memory_space<vmem>>, vector<1x16xf32>,
        %get3A_418 = vector.shape_cast %get3A_417 : vector<1x16xf32> to vector<16xf32>
        %add3A_419 = arith.addf %mul3A_414, %get3A_418 : vector<16xf32>
        %get3A_420 = arith.index_cast %scan3A_395 : i32 to index
        %get3A_421 = arith.index_cast %mul3A_408 : i32 to index
        %get3A_422 = tpu.vector_load %arg12[%get3A_420, %get3A_421] {strides = array<i32>} : memref<32x1024xf32, #tpu.memory_space<vmem>>, vector<1x16xf32>,
        %get3A_423 = vector.shape_cast %get3A_422 : vector<1x16xf32> to vector<16xf32>
        %add3A_424 = arith.addf %add3A_419, %get3A_423 : vector<16xf32>
        %swap3A = arith.index_cast %scan3A_395 : i32 to index
        %swap3A_425 = arith.index_cast %mul3A_408 : i32 to index
        %swap3A_426 = tpu.vector_load %arg10[%swap3A, %swap3A_425] {strides = array<i32>} : memref<32x1024xf32, #tpu.memory_space<vmem>>, vector<1x16xf32>,
        %swap3A_427 = vector.shape_cast %swap3A_426 : vector<1x16xf32> to vector<16xf32>
        %swap3A_428 = vector.shape_cast %add3A_424 : vector<16xf32> to vector<1x16xf32>
        tpu.vector_store %arg10[%swap3A, %swap3A_425], %swap3A_428 {strides = array<i32>} : memref<32x1024xf32, #tpu.memory_space<vmem>>, vector<1x16xf32>,
        %scan3A_429 = arith.constant 0 : i32
        %scan3A_430 = arith.constant 1 : i32
        %scan3A_431 = arith.addi %scan3A_405, %scan3A_430 : i32
        %mul3A_432 = arith.constant 16 : i32
        %mul3A_433 = arith.muli %scan3A_431, %mul3A_432 : i32
        %get3A_434 = arith.index_cast %scan3A_395 : i32 to index
        %get3A_435 = arith.index_cast %mul3A_433 : i32 to index
        %get3A_436 = tpu.vector_load %arg10[%get3A_434, %get3A_435] {strides = array<i32>} : memref<32x1024xf32, #tpu.memory_space<vmem>>, vector<1x16xf32>,
        %get3A_437 = vector.shape_cast %get3A_436 : vector<1x16xf32> to vector<16xf32>
        %mul3A_438 = arith.constant 3.200000e+01 : f32
        %mul3A_439 = vector.broadcast %mul3A_438 : f32 to vector<16xf32>
        %mul3A_440 = arith.mulf %get3A_437, %mul3A_439 : vector<16xf32>
        %get3A_441 = arith.index_cast %scan3A_395 : i32 to index
        %get3A_442 = arith.index_cast %mul3A_433 : i32 to index
        %get3A_443 = tpu.vector_load %arg11[%get3A_441, %get3A_442] {strides = array<i32>} : memref<32x1024xf32, #tpu.memory_space<vmem>>, vector<1x16xf32>,
        %get3A_444 = vector.shape_cast %get3A_443 : vector<1x16xf32> to vector<16xf32>
        %add3A_445 = arith.addf %mul3A_440, %get3A_444 : vector<16xf32>
        %get3A_446 = arith.index_cast %scan3A_395 : i32 to index
        %get3A_447 = arith.index_cast %mul3A_433 : i32 to index
        %get3A_448 = tpu.vector_load %arg12[%get3A_446, %get3A_447] {strides = array<i32>} : memref<32x1024xf32, #tpu.memory_space<vmem>>, vector<1x16xf32>,
        %get3A_449 = vector.shape_cast %get3A_448 : vector<1x16xf32> to vector<16xf32>
        %add3A_450 = arith.addf %add3A_445, %get3A_449 : vector<16xf32>
        %swap3A_451 = arith.index_cast %scan3A_395 : i32 to index
        %swap3A_452 = arith.index_cast %mul3A_433 : i32 to index
        %swap3A_453 = tpu.vector_load %arg10[%swap3A_451, %swap3A_452] {strides = array<i32>} : memref<32x1024xf32, #tpu.memory_space<vmem>>, vector<1x16xf32>,
        %swap3A_454 = vector.shape_cast %swap3A_453 : vector<1x16xf32> to vector<16xf32>
        %swap3A_455 = vector.shape_cast %add3A_450 : vector<16xf32> to vector<1x16xf32>
        tpu.vector_store %arg10[%swap3A_451, %swap3A_452], %swap3A_455 {strides = array<i32>} : memref<32x1024xf32, #tpu.memory_space<vmem>>, vector<1x16xf32>,
        %scan3A_456 = arith.constant 0 : i32
        %scan3A_457 = arith.constant 2 : i32
        %scan3A_458 = arith.addi %scan3A_405, %scan3A_457 : i32
        %mul3A_459 = arith.constant 16 : i32
        %mul3A_460 = arith.muli %scan3A_458, %mul3A_459 : i32
        %get3A_461 = arith.index_cast %scan3A_395 : i32 to index
        %get3A_462 = arith.index_cast %mul3A_460 : i32 to index
        %get3A_463 = tpu.vector_load %arg10[%get3A_461, %get3A_462] {strides = array<i32>} : memref<32x1024xf32, #tpu.memory_space<vmem>>, vector<1x16xf32>,
        %get3A_464 = vector.shape_cast %get3A_463 : vector<1x16xf32> to vector<16xf32>
        %mul3A_465 = arith.constant 3.200000e+01 : f32
        %mul3A_466 = vector.broadcast %mul3A_465 : f32 to vector<16xf32>
        %mul3A_467 = arith.mulf %get3A_464, %mul3A_466 : vector<16xf32>
        %get3A_468 = arith.index_cast %scan3A_395 : i32 to index
        %get3A_469 = arith.index_cast %mul3A_460 : i32 to index
        %get3A_470 = tpu.vector_load %arg11[%get3A_468, %get3A_469] {strides = array<i32>} : memref<32x1024xf32, #tpu.memory_space<vmem>>, vector<1x16xf32>,
        %get3A_471 = vector.shape_cast %get3A_470 : vector<1x16xf32> to vector<16xf32>
        %add3A_472 = arith.addf %mul3A_467, %get3A_471 : vector<16xf32>
        %get3A_473 = arith.index_cast %scan3A_395 : i32 to index
        %get3A_474 = arith.index_cast %mul3A_460 : i32 to index
        %get3A_475 = tpu.vector_load %arg12[%get3A_473, %get3A_474] {strides = array<i32>} : memref<32x1024xf32, #tpu.memory_space<vmem>>, vector<1x16xf32>,
        %get3A_476 = vector.shape_cast %get3A_475 : vector<1x16xf32> to vector<16xf32>
        %add3A_477 = arith.addf %add3A_472, %get3A_476 : vector<16xf32>
        %swap3A_478 = arith.index_cast %scan3A_395 : i32 to index
        %swap3A_479 = arith.index_cast %mul3A_460 : i32 to index
        %swap3A_480 = tpu.vector_load %arg10[%swap3A_478, %swap3A_479] {strides = array<i32>} : memref<32x1024xf32, #tpu.memory_space<vmem>>, vector<1x16xf32>,
        %swap3A_481 = vector.shape_cast %swap3A_480 : vector<1x16xf32> to vector<16xf32>
        %swap3A_482 = vector.shape_cast %add3A_477 : vector<16xf32> to vector<1x16xf32>
        tpu.vector_store %arg10[%swap3A_478, %swap3A_479], %swap3A_482 {strides = array<i32>} : memref<32x1024xf32, #tpu.memory_space<vmem>>, vector<1x16xf32>,
        %scan3A_483 = arith.constant 0 : i32
        %scan3A_484 = arith.constant 3 : i32
        %scan3A_485 = arith.addi %scan3A_405, %scan3A_484 : i32
        %mul3A_486 = arith.constant 16 : i32
        %mul3A_487 = arith.muli %scan3A_485, %mul3A_486 : i32
        %get3A_488 = arith.index_cast %scan3A_395 : i32 to index
        %get3A_489 = arith.index_cast %mul3A_487 : i32 to index
        %get3A_490 = tpu.vector_load %arg10[%get3A_488, %get3A_489] {strides = array<i32>} : memref<32x1024xf32, #tpu.memory_space<vmem>>, vector<1x16xf32>,
        %get3A_491 = vector.shape_cast %get3A_490 : vector<1x16xf32> to vector<16xf32>
        %mul3A_492 = arith.constant 3.200000e+01 : f32
        %mul3A_493 = vector.broadcast %mul3A_492 : f32 to vector<16xf32>
        %mul3A_494 = arith.mulf %get3A_491, %mul3A_493 : vector<16xf32>
        %get3A_495 = arith.index_cast %scan3A_395 : i32 to index
        %get3A_496 = arith.index_cast %mul3A_487 : i32 to index
        %get3A_497 = tpu.vector_load %arg11[%get3A_495, %get3A_496] {strides = array<i32>} : memref<32x1024xf32, #tpu.memory_space<vmem>>, vector<1x16xf32>,
        %get3A_498 = vector.shape_cast %get3A_497 : vector<1x16xf32> to vector<16xf32>
        %add3A_499 = arith.addf %mul3A_494, %get3A_498 : vector<16xf32>
        %get3A_500 = arith.index_cast %scan3A_395 : i32 to index
        %get3A_501 = arith.index_cast %mul3A_487 : i32 to index
        %get3A_502 = tpu.vector_load %arg12[%get3A_500, %get3A_501] {strides = array<i32>} : memref<32x1024xf32, #tpu.memory_space<vmem>>, vector<1x16xf32>,
        %get3A_503 = vector.shape_cast %get3A_502 : vector<1x16xf32> to vector<16xf32>
        %add3A_504 = arith.addf %add3A_499, %get3A_503 : vector<16xf32>
        %swap3A_505 = arith.index_cast %scan3A_395 : i32 to index
        %swap3A_506 = arith.index_cast %mul3A_487 : i32 to index
        %swap3A_507 = tpu.vector_load %arg10[%swap3A_505, %swap3A_506] {strides = array<i32>} : memref<32x1024xf32, #tpu.memory_space<vmem>>, vector<1x16xf32>,
        %swap3A_508 = vector.shape_cast %swap3A_507 : vector<1x16xf32> to vector<16xf32>
        %swap3A_509 = vector.shape_cast %add3A_504 : vector<16xf32> to vector<1x16xf32>
        tpu.vector_store %arg10[%swap3A_505, %swap3A_506], %swap3A_509 {strides = array<i32>} : memref<32x1024xf32, #tpu.memory_space<vmem>>, vector<1x16xf32>,
        %scan3A_510 = arith.constant 0 : i32
        scf.yield %scan3A_510 : i32
      }
      %scan3A_403 = arith.constant 64 : i32
      %scan3A_404 = arith.constant 0 : i32
      scf.yield %scan3A_404 : i32
    }
    %scan3A_55 = arith.constant 32 : i32
    %add3A_56 = arith.constant 0 : i32
    %add3A_57 = arith.addi %mul3A_2, %add3A_56 : i32
    %dma_start3A_58 = arith.constant 0 : i32
    %dma_start3A_59 = tpu.memref_slice %arg7[%add3A_57, %dma_start3A_58] : memref<8192x1024xf32, #tpu.memory_space<hbm>> -> memref<32x1024xf32, #tpu.memory_space<hbm>>
    %dma_start3A_60 = arith.constant 0 : i32
    %dma_start3A_61 = tpu.memref_slice %arg7[%add3A_57, %dma_start3A_60] : memref<8192x1024xf32, #tpu.memory_space<hbm>> -> memref<32x1024xf32, #tpu.memory_space<hbm>>
    tpu.enqueue_dma source(%arg10 : memref<32x1024xf32, #tpu.memory_space<vmem>>) target(%dma_start3A_61 : memref<32x1024xf32, #tpu.memory_space<hbm>>) target_semaphore(%arg16 : memref<!tpu.dma_semaphore, #tpu.memory_space<semaphore_mem>>)
    %dma_wait3A_62 = arith.constant 0 : i32
    %dma_wait3A_63 = tpu.memref_slice %arg7[%add3A_57, %dma_wait3A_62] : memref<8192x1024xf32, #tpu.memory_space<hbm>> -> memref<32x1024xf32, #tpu.memory_space<hbm>>
    %dma_wait3A_64 = arith.constant 0 : i32
    %dma_wait3A_65 = tpu.memref_slice %arg7[%add3A_57, %dma_wait3A_64] : memref<8192x1024xf32, #tpu.memory_space<hbm>> -> memref<32x1024xf32, #tpu.memory_space<hbm>>
    tpu.wait_dma2 semaphore(%arg16 : memref<!tpu.dma_semaphore, #tpu.memory_space<semaphore_mem>>) src(%arg10 : memref<32x1024xf32, #tpu.memory_space<vmem>>) dst(%dma_wait3A_65 : memref<32x1024xf32, #tpu.memory_space<hbm>>)
    %dma_start3A_66 = arith.constant 32 : i32
    %dma_start3A_67 = tpu.memref_slice %arg8[%dma_start3A_66] : memref<256xi32, #tpu.memory_space<vmem>> -> memref<32xi32, #tpu.memory_space<vmem>>
    %dma_start3A_68 = arith.constant 0 : i32
    %dma_start3A_69 = arith.constant 0 : i32
    %dma_start3A_70 = tpu.memref_slice %arg4[%dma_start3A_68, %dma_start3A_69] : memref<100000x1024xf32, #tpu.memory_space<hbm>> -> memref<100000x1024xf32, #tpu.memory_space<hbm>>
    tpu.enqueue_indirect_dma source(%dma_start3A_70 : memref<100000x1024xf32, #tpu.memory_space<hbm>>) target(%arg10 : memref<32x1024xf32, #tpu.memory_space<vmem>>) offsets(%dma_start3A_67 : memref<32xi32, #tpu.memory_space<vmem>>) semaphore(%arg13 : memref<!tpu.dma_semaphore, #tpu.memory_space<semaphore_mem>>)
    %dma_start3A_71 = arith.constant 32 : i32
    %dma_start3A_72 = tpu.memref_slice %arg9[%dma_start3A_71] : memref<256xi32, #tpu.memory_space<vmem>> -> memref<32xi32, #tpu.memory_space<vmem>>
    %dma_start3A_73 = arith.constant 0 : i32
    %dma_start3A_74 = arith.constant 0 : i32
    %dma_start3A_75 = tpu.memref_slice %arg5[%dma_start3A_73, %dma_start3A_74] : memref<3x1024xf32, #tpu.memory_space<hbm>> -> memref<3x1024xf32, #tpu.memory_space<hbm>>
    tpu.enqueue_indirect_dma source(%dma_start3A_75 : memref<3x1024xf32, #tpu.memory_space<hbm>>) target(%arg12 : memref<32x1024xf32, #tpu.memory_space<vmem>>) offsets(%dma_start3A_72 : memref<32xi32, #tpu.memory_space<vmem>>) semaphore(%arg14 : memref<!tpu.dma_semaphore, #tpu.memory_space<semaphore_mem>>)
    %add3A_76 = arith.constant 32 : i32
    %add3A_77 = arith.addi %mul3A_13, %add3A_76 : i32
    %dma_start3A_78 = arith.constant 0 : i32
    %dma_start3A_79 = tpu.memref_slice %arg6[%add3A_77, %dma_start3A_78] : memref<2048x1024xf32, #tpu.memory_space<hbm>> -> memref<32x1024xf32, #tpu.memory_space<hbm>>
    %dma_start3A_80 = arith.constant 0 : i32
    %dma_start3A_81 = tpu.memref_slice %arg6[%add3A_77, %dma_start3A_80] : memref<2048x1024xf32, #tpu.memory_space<hbm>> -> memref<32x1024xf32, #tpu.memory_space<hbm>>
    tpu.enqueue_dma source(%dma_start3A_81 : memref<32x1024xf32, #tpu.memory_space<hbm>>) target(%arg11 : memref<32x1024xf32, #tpu.memory_space<vmem>>) target_semaphore(%arg15 : memref<!tpu.dma_semaphore, #tpu.memory_space<semaphore_mem>>)
    %dma_wait3A_82 = arith.constant 32 : i32
    %dma_wait3A_83 = tpu.memref_slice %arg8[%dma_wait3A_82] : memref<256xi32, #tpu.memory_space<vmem>> -> memref<32xi32, #tpu.memory_space<vmem>>
    %dma_wait3A_84 = arith.constant 0 : i32
    %dma_wait3A_85 = arith.constant 0 : i32
    %dma_wait3A_86 = tpu.memref_slice %arg4[%dma_wait3A_84, %dma_wait3A_85] : memref<100000x1024xf32, #tpu.memory_space<hbm>> -> memref<100000x1024xf32, #tpu.memory_space<hbm>>
    tpu.wait_indirect_dma semaphore(%arg13 : memref<!tpu.dma_semaphore, #tpu.memory_space<semaphore_mem>>) src(%dma_wait3A_86 : memref<100000x1024xf32, #tpu.memory_space<hbm>>) dst(%arg10 : memref<32x1024xf32, #tpu.memory_space<vmem>>)
    %dma_wait3A_87 = arith.constant 32 : i32
    %dma_wait3A_88 = tpu.memref_slice %arg9[%dma_wait3A_87] : memref<256xi32, #tpu.memory_space<vmem>> -> memref<32xi32, #tpu.memory_space<vmem>>
    %dma_wait3A_89 = arith.constant 0 : i32
    %dma_wait3A_90 = arith.constant 0 : i32
    %dma_wait3A_91 = tpu.memref_slice %arg5[%dma_wait3A_89, %dma_wait3A_90] : memref<3x1024xf32, #tpu.memory_space<hbm>> -> memref<3x1024xf32, #tpu.memory_space<hbm>>
    tpu.wait_indirect_dma semaphore(%arg14 : memref<!tpu.dma_semaphore, #tpu.memory_space<semaphore_mem>>) src(%dma_wait3A_91 : memref<3x1024xf32, #tpu.memory_space<hbm>>) dst(%arg12 : memref<32x1024xf32, #tpu.memory_space<vmem>>)
    %dma_wait3A_92 = arith.constant 0 : i32
    %dma_wait3A_93 = tpu.memref_slice %arg6[%add3A_77, %dma_wait3A_92] : memref<2048x1024xf32, #tpu.memory_space<hbm>> -> memref<32x1024xf32, #tpu.memory_space<hbm>>
    %dma_wait3A_94 = arith.constant 0 : i32
    %dma_wait3A_95 = tpu.memref_slice %arg6[%add3A_77, %dma_wait3A_94] : memref<2048x1024xf32, #tpu.memory_space<hbm>> -> memref<32x1024xf32, #tpu.memory_space<hbm>>
    tpu.wait_dma2 semaphore(%arg15 : memref<!tpu.dma_semaphore, #tpu.memory_space<semaphore_mem>>) src(%dma_wait3A_95 : memref<32x1024xf32, #tpu.memory_space<hbm>>) dst(%arg11 : memref<32x1024xf32, #tpu.memory_space<vmem>>)
    %scan3A_96 = arith.constant 0 : i32
    %scan3A_97 = arith.constant 0 : i32
    %scan3A_98 = arith.constant 32 : i32
    %scan3A_99 = arith.addi %scan3A_97, %scan3A_98 : i32
    %scan3A_100 = arith.constant 1 : i32
    %scan3A_101 = scf.for %scan3A_395 = %scan3A_97 to %scan3A_99 step %scan3A_100 iter_args(%scan3A_396 = %scan3A_96) -> (i32)  : i32 {
      %scan3A_397 = arith.constant 0 : i32
      %scan3A_398 = arith.constant 0 : i32
      %scan3A_399 = arith.constant 64 : i32
      %scan3A_400 = arith.addi %scan3A_398, %scan3A_399 : i32
      %scan3A_401 = arith.constant 4 : i32
      %scan3A_402 = scf.for %scan3A_405 = %scan3A_398 to %scan3A_400 step %scan3A_401 iter_args(%scan3A_406 = %scan3A_397) -> (i32)  : i32 {
        %mul3A_407 = arith.constant 16 : i32
        %mul3A_408 = arith.muli %scan3A_405, %mul3A_407 : i32
        %get3A = arith.index_cast %scan3A_395 : i32 to index
        %get3A_409 = arith.index_cast %mul3A_408 : i32 to index
        %get3A_410 = tpu.vector_load %arg10[%get3A, %get3A_409] {strides = array<i32>} : memref<32x1024xf32, #tpu.memory_space<vmem>>, vector<1x16xf32>,
        %get3A_411 = vector.shape_cast %get3A_410 : vector<1x16xf32> to vector<16xf32>
        %mul3A_412 = arith.constant 3.200000e+01 : f32
        %mul3A_413 = vector.broadcast %mul3A_412 : f32 to vector<16xf32>
        %mul3A_414 = arith.mulf %get3A_411, %mul3A_413 : vector<16xf32>
        %get3A_415 = arith.index_cast %scan3A_395 : i32 to index
        %get3A_416 = arith.index_cast %mul3A_408 : i32 to index
        %get3A_417 = tpu.vector_load %arg11[%get3A_415, %get3A_416] {strides = array<i32>} : memref<32x1024xf32, #tpu.memory_space<vmem>>, vector<1x16xf32>,
        %get3A_418 = vector.shape_cast %get3A_417 : vector<1x16xf32> to vector<16xf32>
        %add3A_419 = arith.addf %mul3A_414, %get3A_418 : vector<16xf32>
        %get3A_420 = arith.index_cast %scan3A_395 : i32 to index
        %get3A_421 = arith.index_cast %mul3A_408 : i32 to index
        %get3A_422 = tpu.vector_load %arg12[%get3A_420, %get3A_421] {strides = array<i32>} : memref<32x1024xf32, #tpu.memory_space<vmem>>, vector<1x16xf32>,
        %get3A_423 = vector.shape_cast %get3A_422 : vector<1x16xf32> to vector<16xf32>
        %add3A_424 = arith.addf %add3A_419, %get3A_423 : vector<16xf32>
        %swap3A = arith.index_cast %scan3A_395 : i32 to index
        %swap3A_425 = arith.index_cast %mul3A_408 : i32 to index
        %swap3A_426 = tpu.vector_load %arg10[%swap3A, %swap3A_425] {strides = array<i32>} : memref<32x1024xf32, #tpu.memory_space<vmem>>, vector<1x16xf32>,
        %swap3A_427 = vector.shape_cast %swap3A_426 : vector<1x16xf32> to vector<16xf32>
        %swap3A_428 = vector.shape_cast %add3A_424 : vector<16xf32> to vector<1x16xf32>
        tpu.vector_store %arg10[%swap3A, %swap3A_425], %swap3A_428 {strides = array<i32>} : memref<32x1024xf32, #tpu.memory_space<vmem>>, vector<1x16xf32>,
        %scan3A_429 = arith.constant 0 : i32
        %scan3A_430 = arith.constant 1 : i32
        %scan3A_431 = arith.addi %scan3A_405, %scan3A_430 : i32
        %mul3A_432 = arith.constant 16 : i32
        %mul3A_433 = arith.muli %scan3A_431, %mul3A_432 : i32
        %get3A_434 = arith.index_cast %scan3A_395 : i32 to index
        %get3A_435 = arith.index_cast %mul3A_433 : i32 to index
        %get3A_436 = tpu.vector_load %arg10[%get3A_434, %get3A_435] {strides = array<i32>} : memref<32x1024xf32, #tpu.memory_space<vmem>>, vector<1x16xf32>,
        %get3A_437 = vector.shape_cast %get3A_436 : vector<1x16xf32> to vector<16xf32>
        %mul3A_438 = arith.constant 3.200000e+01 : f32
        %mul3A_439 = vector.broadcast %mul3A_438 : f32 to vector<16xf32>
        %mul3A_440 = arith.mulf %get3A_437, %mul3A_439 : vector<16xf32>
        %get3A_441 = arith.index_cast %scan3A_395 : i32 to index
        %get3A_442 = arith.index_cast %mul3A_433 : i32 to index
        %get3A_443 = tpu.vector_load %arg11[%get3A_441, %get3A_442] {strides = array<i32>} : memref<32x1024xf32, #tpu.memory_space<vmem>>, vector<1x16xf32>,
        %get3A_444 = vector.shape_cast %get3A_443 : vector<1x16xf32> to vector<16xf32>
        %add3A_445 = arith.addf %mul3A_440, %get3A_444 : vector<16xf32>
        %get3A_446 = arith.index_cast %scan3A_395 : i32 to index
        %get3A_447 = arith.index_cast %mul3A_433 : i32 to index
        %get3A_448 = tpu.vector_load %arg12[%get3A_446, %get3A_447] {strides = array<i32>} : memref<32x1024xf32, #tpu.memory_space<vmem>>, vector<1x16xf32>,
        %get3A_449 = vector.shape_cast %get3A_448 : vector<1x16xf32> to vector<16xf32>
        %add3A_450 = arith.addf %add3A_445, %get3A_449 : vector<16xf32>
        %swap3A_451 = arith.index_cast %scan3A_395 : i32 to index
        %swap3A_452 = arith.index_cast %mul3A_433 : i32 to index
        %swap3A_453 = tpu.vector_load %arg10[%swap3A_451, %swap3A_452] {strides = array<i32>} : memref<32x1024xf32, #tpu.memory_space<vmem>>, vector<1x16xf32>,
        %swap3A_454 = vector.shape_cast %swap3A_453 : vector<1x16xf32> to vector<16xf32>
        %swap3A_455 = vector.shape_cast %add3A_450 : vector<16xf32> to vector<1x16xf32>
        tpu.vector_store %arg10[%swap3A_451, %swap3A_452], %swap3A_455 {strides = array<i32>} : memref<32x1024xf32, #tpu.memory_space<vmem>>, vector<1x16xf32>,
        %scan3A_456 = arith.constant 0 : i32
        %scan3A_457 = arith.constant 2 : i32
        %scan3A_458 = arith.addi %scan3A_405, %scan3A_457 : i32
        %mul3A_459 = arith.constant 16 : i32
        %mul3A_460 = arith.muli %scan3A_458, %mul3A_459 : i32
        %get3A_461 = arith.index_cast %scan3A_395 : i32 to index
        %get3A_462 = arith.index_cast %mul3A_460 : i32 to index
        %get3A_463 = tpu.vector_load %arg10[%get3A_461, %get3A_462] {strides = array<i32>} : memref<32x1024xf32, #tpu.memory_space<vmem>>, vector<1x16xf32>,
        %get3A_464 = vector.shape_cast %get3A_463 : vector<1x16xf32> to vector<16xf32>
        %mul3A_465 = arith.constant 3.200000e+01 : f32
        %mul3A_466 = vector.broadcast %mul3A_465 : f32 to vector<16xf32>
        %mul3A_467 = arith.mulf %get3A_464, %mul3A_466 : vector<16xf32>
        %get3A_468 = arith.index_cast %scan3A_395 : i32 to index
        %get3A_469 = arith.index_cast %mul3A_460 : i32 to index
        %get3A_470 = tpu.vector_load %arg11[%get3A_468, %get3A_469] {strides = array<i32>} : memref<32x1024xf32, #tpu.memory_space<vmem>>, vector<1x16xf32>,
        %get3A_471 = vector.shape_cast %get3A_470 : vector<1x16xf32> to vector<16xf32>
        %add3A_472 = arith.addf %mul3A_467, %get3A_471 : vector<16xf32>
        %get3A_473 = arith.index_cast %scan3A_395 : i32 to index
        %get3A_474 = arith.index_cast %mul3A_460 : i32 to index
        %get3A_475 = tpu.vector_load %arg12[%get3A_473, %get3A_474] {strides = array<i32>} : memref<32x1024xf32, #tpu.memory_space<vmem>>, vector<1x16xf32>,
        %get3A_476 = vector.shape_cast %get3A_475 : vector<1x16xf32> to vector<16xf32>
        %add3A_477 = arith.addf %add3A_472, %get3A_476 : vector<16xf32>
        %swap3A_478 = arith.index_cast %scan3A_395 : i32 to index
        %swap3A_479 = arith.index_cast %mul3A_460 : i32 to index
        %swap3A_480 = tpu.vector_load %arg10[%swap3A_478, %swap3A_479] {strides = array<i32>} : memref<32x1024xf32, #tpu.memory_space<vmem>>, vector<1x16xf32>,
        %swap3A_481 = vector.shape_cast %swap3A_480 : vector<1x16xf32> to vector<16xf32>
        %swap3A_482 = vector.shape_cast %add3A_477 : vector<16xf32> to vector<1x16xf32>
        tpu.vector_store %arg10[%swap3A_478, %swap3A_479], %swap3A_482 {strides = array<i32>} : memref<32x1024xf32, #tpu.memory_space<vmem>>, vector<1x16xf32>,
        %scan3A_483 = arith.constant 0 : i32
        %scan3A_484 = arith.constant 3 : i32
        %scan3A_485 = arith.addi %scan3A_405, %scan3A_484 : i32
        %mul3A_486 = arith.constant 16 : i32
        %mul3A_487 = arith.muli %scan3A_485, %mul3A_486 : i32
        %get3A_488 = arith.index_cast %scan3A_395 : i32 to index
        %get3A_489 = arith.index_cast %mul3A_487 : i32 to index
        %get3A_490 = tpu.vector_load %arg10[%get3A_488, %get3A_489] {strides = array<i32>} : memref<32x1024xf32, #tpu.memory_space<vmem>>, vector<1x16xf32>,
        %get3A_491 = vector.shape_cast %get3A_490 : vector<1x16xf32> to vector<16xf32>
        %mul3A_492 = arith.constant 3.200000e+01 : f32
        %mul3A_493 = vector.broadcast %mul3A_492 : f32 to vector<16xf32>
        %mul3A_494 = arith.mulf %get3A_491, %mul3A_493 : vector<16xf32>
        %get3A_495 = arith.index_cast %scan3A_395 : i32 to index
        %get3A_496 = arith.index_cast %mul3A_487 : i32 to index
        %get3A_497 = tpu.vector_load %arg11[%get3A_495, %get3A_496] {strides = array<i32>} : memref<32x1024xf32, #tpu.memory_space<vmem>>, vector<1x16xf32>,
        %get3A_498 = vector.shape_cast %get3A_497 : vector<1x16xf32> to vector<16xf32>
        %add3A_499 = arith.addf %mul3A_494, %get3A_498 : vector<16xf32>
        %get3A_500 = arith.index_cast %scan3A_395 : i32 to index
        %get3A_501 = arith.index_cast %mul3A_487 : i32 to index
        %get3A_502 = tpu.vector_load %arg12[%get3A_500, %get3A_501] {strides = array<i32>} : memref<32x1024xf32, #tpu.memory_space<vmem>>, vector<1x16xf32>,
        %get3A_503 = vector.shape_cast %get3A_502 : vector<1x16xf32> to vector<16xf32>
        %add3A_504 = arith.addf %add3A_499, %get3A_503 : vector<16xf32>
        %swap3A_505 = arith.index_cast %scan3A_395 : i32 to index
        %swap3A_506 = arith.index_cast %mul3A_487 : i32 to index
        %swap3A_507 = tpu.vector_load %arg10[%swap3A_505, %swap3A_506] {strides = array<i32>} : memref<32x1024xf32, #tpu.memory_space<vmem>>, vector<1x16xf32>,
        %swap3A_508 = vector.shape_cast %swap3A_507 : vector<1x16xf32> to vector<16xf32>
        %swap3A_509 = vector.shape_cast %add3A_504 : vector<16xf32> to vector<1x16xf32>
        tpu.vector_store %arg10[%swap3A_505, %swap3A_506], %swap3A_509 {strides = array<i32>} : memref<32x1024xf32, #tpu.memory_space<vmem>>, vector<1x16xf32>,
        %scan3A_510 = arith.constant 0 : i32
        scf.yield %scan3A_510 : i32
      }
      %scan3A_403 = arith.constant 64 : i32
      %scan3A_404 = arith.constant 0 : i32
      scf.yield %scan3A_404 : i32
    }
    %scan3A_102 = arith.constant 32 : i32
    %add3A_103 = arith.constant 32 : i32
    %add3A_104 = arith.addi %mul3A_2, %add3A_103 : i32
    %dma_start3A_105 = arith.constant 0 : i32
    %dma_start3A_106 = tpu.memref_slice %arg7[%add3A_104, %dma_start3A_105] : memref<8192x1024xf32, #tpu.memory_space<hbm>> -> memref<32x1024xf32, #tpu.memory_space<hbm>>
    %dma_start3A_107 = arith.constant 0 : i32
    %dma_start3A_108 = tpu.memref_slice %arg7[%add3A_104, %dma_start3A_107] : memref<8192x1024xf32, #tpu.memory_space<hbm>> -> memref<32x1024xf32, #tpu.memory_space<hbm>>
    tpu.enqueue_dma source(%arg10 : memref<32x1024xf32, #tpu.memory_space<vmem>>) target(%dma_start3A_108 : memref<32x1024xf32, #tpu.memory_space<hbm>>) target_semaphore(%arg16 : memref<!tpu.dma_semaphore, #tpu.memory_space<semaphore_mem>>)
    %dma_wait3A_109 = arith.constant 0 : i32
    %dma_wait3A_110 = tpu.memref_slice %arg7[%add3A_104, %dma_wait3A_109] : memref<8192x1024xf32, #tpu.memory_space<hbm>> -> memref<32x1024xf32, #tpu.memory_space<hbm>>
    %dma_wait3A_111 = arith.constant 0 : i32
    %dma_wait3A_112 = tpu.memref_slice %arg7[%add3A_104, %dma_wait3A_111] : memref<8192x1024xf32, #tpu.memory_space<hbm>> -> memref<32x1024xf32, #tpu.memory_space<hbm>>
    tpu.wait_dma2 semaphore(%arg16 : memref<!tpu.dma_semaphore, #tpu.memory_space<semaphore_mem>>) src(%arg10 : memref<32x1024xf32, #tpu.memory_space<vmem>>) dst(%dma_wait3A_112 : memref<32x1024xf32, #tpu.memory_space<hbm>>)
    %dma_start3A_113 = arith.constant 64 : i32
    %dma_start3A_114 = tpu.memref_slice %arg8[%dma_start3A_113] : memref<256xi32, #tpu.memory_space<vmem>> -> memref<32xi32, #tpu.memory_space<vmem>>
    %dma_start3A_115 = arith.constant 0 : i32
    %dma_start3A_116 = arith.constant 0 : i32
    %dma_start3A_117 = tpu.memref_slice %arg4[%dma_start3A_115, %dma_start3A_116] : memref<100000x1024xf32, #tpu.memory_space<hbm>> -> memref<100000x1024xf32, #tpu.memory_space<hbm>>
    tpu.enqueue_indirect_dma source(%dma_start3A_117 : memref<100000x1024xf32, #tpu.memory_space<hbm>>) target(%arg10 : memref<32x1024xf32, #tpu.memory_space<vmem>>) offsets(%dma_start3A_114 : memref<32xi32, #tpu.memory_space<vmem>>) semaphore(%arg13 : memref<!tpu.dma_semaphore, #tpu.memory_space<semaphore_mem>>)
    %dma_start3A_118 = arith.constant 64 : i32
    %dma_start3A_119 = tpu.memref_slice %arg9[%dma_start3A_118] : memref<256xi32, #tpu.memory_space<vmem>> -> memref<32xi32, #tpu.memory_space<vmem>>
    %dma_start3A_120 = arith.constant 0 : i32
    %dma_start3A_121 = arith.constant 0 : i32
    %dma_start3A_122 = tpu.memref_slice %arg5[%dma_start3A_120, %dma_start3A_121] : memref<3x1024xf32, #tpu.memory_space<hbm>> -> memref<3x1024xf32, #tpu.memory_space<hbm>>
    tpu.enqueue_indirect_dma source(%dma_start3A_122 : memref<3x1024xf32, #tpu.memory_space<hbm>>) target(%arg12 : memref<32x1024xf32, #tpu.memory_space<vmem>>) offsets(%dma_start3A_119 : memref<32xi32, #tpu.memory_space<vmem>>) semaphore(%arg14 : memref<!tpu.dma_semaphore, #tpu.memory_space<semaphore_mem>>)
    %add3A_123 = arith.constant 64 : i32
    %add3A_124 = arith.addi %mul3A_13, %add3A_123 : i32
    %dma_start3A_125 = arith.constant 0 : i32
    %dma_start3A_126 = tpu.memref_slice %arg6[%add3A_124, %dma_start3A_125] : memref<2048x1024xf32, #tpu.memory_space<hbm>> -> memref<32x1024xf32, #tpu.memory_space<hbm>>
    %dma_start3A_127 = arith.constant 0 : i32
    %dma_start3A_128 = tpu.memref_slice %arg6[%add3A_124, %dma_start3A_127] : memref<2048x1024xf32, #tpu.memory_space<hbm>> -> memref<32x1024xf32, #tpu.memory_space<hbm>>
    tpu.enqueue_dma source(%dma_start3A_128 : memref<32x1024xf32, #tpu.memory_space<hbm>>) target(%arg11 : memref<32x1024xf32, #tpu.memory_space<vmem>>) target_semaphore(%arg15 : memref<!tpu.dma_semaphore, #tpu.memory_space<semaphore_mem>>)
    %dma_wait3A_129 = arith.constant 64 : i32
    %dma_wait3A_130 = tpu.memref_slice %arg8[%dma_wait3A_129] : memref<256xi32, #tpu.memory_space<vmem>> -> memref<32xi32, #tpu.memory_space<vmem>>
    %dma_wait3A_131 = arith.constant 0 : i32
    %dma_wait3A_132 = arith.constant 0 : i32
    %dma_wait3A_133 = tpu.memref_slice %arg4[%dma_wait3A_131, %dma_wait3A_132] : memref<100000x1024xf32, #tpu.memory_space<hbm>> -> memref<100000x1024xf32, #tpu.memory_space<hbm>>
    tpu.wait_indirect_dma semaphore(%arg13 : memref<!tpu.dma_semaphore, #tpu.memory_space<semaphore_mem>>) src(%dma_wait3A_133 : memref<100000x1024xf32, #tpu.memory_space<hbm>>) dst(%arg10 : memref<32x1024xf32, #tpu.memory_space<vmem>>)
    %dma_wait3A_134 = arith.constant 64 : i32
    %dma_wait3A_135 = tpu.memref_slice %arg9[%dma_wait3A_134] : memref<256xi32, #tpu.memory_space<vmem>> -> memref<32xi32, #tpu.memory_space<vmem>>
    %dma_wait3A_136 = arith.constant 0 : i32
    %dma_wait3A_137 = arith.constant 0 : i32
    %dma_wait3A_138 = tpu.memref_slice %arg5[%dma_wait3A_136, %dma_wait3A_137] : memref<3x1024xf32, #tpu.memory_space<hbm>> -> memref<3x1024xf32, #tpu.memory_space<hbm>>
    tpu.wait_indirect_dma semaphore(%arg14 : memref<!tpu.dma_semaphore, #tpu.memory_space<semaphore_mem>>) src(%dma_wait3A_138 : memref<3x1024xf32, #tpu.memory_space<hbm>>) dst(%arg12 : memref<32x1024xf32, #tpu.memory_space<vmem>>)
    %dma_wait3A_139 = arith.constant 0 : i32
    %dma_wait3A_140 = tpu.memref_slice %arg6[%add3A_124, %dma_wait3A_139] : memref<2048x1024xf32, #tpu.memory_space<hbm>> -> memref<32x1024xf32, #tpu.memory_space<hbm>>
    %dma_wait3A_141 = arith.constant 0 : i32
    %dma_wait3A_142 = tpu.memref_slice %arg6[%add3A_124, %dma_wait3A_141] : memref<2048x1024xf32, #tpu.memory_space<hbm>> -> memref<32x1024xf32, #tpu.memory_space<hbm>>
    tpu.wait_dma2 semaphore(%arg15 : memref<!tpu.dma_semaphore, #tpu.memory_space<semaphore_mem>>) src(%dma_wait3A_142 : memref<32x1024xf32, #tpu.memory_space<hbm>>) dst(%arg11 : memref<32x1024xf32, #tpu.memory_space<vmem>>)
    %scan3A_143 = arith.constant 0 : i32
    %scan3A_144 = arith.constant 0 : i32
    %scan3A_145 = arith.constant 32 : i32
    %scan3A_146 = arith.addi %scan3A_144, %scan3A_145 : i32
    %scan3A_147 = arith.constant 1 : i32
    %scan3A_148 = scf.for %scan3A_395 = %scan3A_144 to %scan3A_146 step %scan3A_147 iter_args(%scan3A_396 = %scan3A_143) -> (i32)  : i32 {
      %scan3A_397 = arith.constant 0 : i32
      %scan3A_398 = arith.constant 0 : i32
      %scan3A_399 = arith.constant 64 : i32
      %scan3A_400 = arith.addi %scan3A_398, %scan3A_399 : i32
      %scan3A_401 = arith.constant 4 : i32
      %scan3A_402 = scf.for %scan3A_405 = %scan3A_398 to %scan3A_400 step %scan3A_401 iter_args(%scan3A_406 = %scan3A_397) -> (i32)  : i32 {
        %mul3A_407 = arith.constant 16 : i32
        %mul3A_408 = arith.muli %scan3A_405, %mul3A_407 : i32
        %get3A = arith.index_cast %scan3A_395 : i32 to index
        %get3A_409 = arith.index_cast %mul3A_408 : i32 to index
        %get3A_410 = tpu.vector_load %arg10[%get3A, %get3A_409] {strides = array<i32>} : memref<32x1024xf32, #tpu.memory_space<vmem>>, vector<1x16xf32>,
        %get3A_411 = vector.shape_cast %get3A_410 : vector<1x16xf32> to vector<16xf32>
        %mul3A_412 = arith.constant 3.200000e+01 : f32
        %mul3A_413 = vector.broadcast %mul3A_412 : f32 to vector<16xf32>
        %mul3A_414 = arith.mulf %get3A_411, %mul3A_413 : vector<16xf32>
        %get3A_415 = arith.index_cast %scan3A_395 : i32 to index
        %get3A_416 = arith.index_cast %mul3A_408 : i32 to index
        %get3A_417 = tpu.vector_load %arg11[%get3A_415, %get3A_416] {strides = array<i32>} : memref<32x1024xf32, #tpu.memory_space<vmem>>, vector<1x16xf32>,
        %get3A_418 = vector.shape_cast %get3A_417 : vector<1x16xf32> to vector<16xf32>
        %add3A_419 = arith.addf %mul3A_414, %get3A_418 : vector<16xf32>
        %get3A_420 = arith.index_cast %scan3A_395 : i32 to index
        %get3A_421 = arith.index_cast %mul3A_408 : i32 to index
        %get3A_422 = tpu.vector_load %arg12[%get3A_420, %get3A_421] {strides = array<i32>} : memref<32x1024xf32, #tpu.memory_space<vmem>>, vector<1x16xf32>,
        %get3A_423 = vector.shape_cast %get3A_422 : vector<1x16xf32> to vector<16xf32>
        %add3A_424 = arith.addf %add3A_419, %get3A_423 : vector<16xf32>
        %swap3A = arith.index_cast %scan3A_395 : i32 to index
        %swap3A_425 = arith.index_cast %mul3A_408 : i32 to index
        %swap3A_426 = tpu.vector_load %arg10[%swap3A, %swap3A_425] {strides = array<i32>} : memref<32x1024xf32, #tpu.memory_space<vmem>>, vector<1x16xf32>,
        %swap3A_427 = vector.shape_cast %swap3A_426 : vector<1x16xf32> to vector<16xf32>
        %swap3A_428 = vector.shape_cast %add3A_424 : vector<16xf32> to vector<1x16xf32>
        tpu.vector_store %arg10[%swap3A, %swap3A_425], %swap3A_428 {strides = array<i32>} : memref<32x1024xf32, #tpu.memory_space<vmem>>, vector<1x16xf32>,
        %scan3A_429 = arith.constant 0 : i32
        %scan3A_430 = arith.constant 1 : i32
        %scan3A_431 = arith.addi %scan3A_405, %scan3A_430 : i32
        %mul3A_432 = arith.constant 16 : i32
        %mul3A_433 = arith.muli %scan3A_431, %mul3A_432 : i32
        %get3A_434 = arith.index_cast %scan3A_395 : i32 to index
        %get3A_435 = arith.index_cast %mul3A_433 : i32 to index
        %get3A_436 = tpu.vector_load %arg10[%get3A_434, %get3A_435] {strides = array<i32>} : memref<32x1024xf32, #tpu.memory_space<vmem>>, vector<1x16xf32>,
        %get3A_437 = vector.shape_cast %get3A_436 : vector<1x16xf32> to vector<16xf32>
        %mul3A_438 = arith.constant 3.200000e+01 : f32
        %mul3A_439 = vector.broadcast %mul3A_438 : f32 to vector<16xf32>
        %mul3A_440 = arith.mulf %get3A_437, %mul3A_439 : vector<16xf32>
        %get3A_441 = arith.index_cast %scan3A_395 : i32 to index
        %get3A_442 = arith.index_cast %mul3A_433 : i32 to index
        %get3A_443 = tpu.vector_load %arg11[%get3A_441, %get3A_442] {strides = array<i32>} : memref<32x1024xf32, #tpu.memory_space<vmem>>, vector<1x16xf32>,
        %get3A_444 = vector.shape_cast %get3A_443 : vector<1x16xf32> to vector<16xf32>
        %add3A_445 = arith.addf %mul3A_440, %get3A_444 : vector<16xf32>
        %get3A_446 = arith.index_cast %scan3A_395 : i32 to index
        %get3A_447 = arith.index_cast %mul3A_433 : i32 to index
        %get3A_448 = tpu.vector_load %arg12[%get3A_446, %get3A_447] {strides = array<i32>} : memref<32x1024xf32, #tpu.memory_space<vmem>>, vector<1x16xf32>,
        %get3A_449 = vector.shape_cast %get3A_448 : vector<1x16xf32> to vector<16xf32>
        %add3A_450 = arith.addf %add3A_445, %get3A_449 : vector<16xf32>
        %swap3A_451 = arith.index_cast %scan3A_395 : i32 to index
        %swap3A_452 = arith.index_cast %mul3A_433 : i32 to index
        %swap3A_453 = tpu.vector_load %arg10[%swap3A_451, %swap3A_452] {strides = array<i32>} : memref<32x1024xf32, #tpu.memory_space<vmem>>, vector<1x16xf32>,
        %swap3A_454 = vector.shape_cast %swap3A_453 : vector<1x16xf32> to vector<16xf32>
        %swap3A_455 = vector.shape_cast %add3A_450 : vector<16xf32> to vector<1x16xf32>
        tpu.vector_store %arg10[%swap3A_451, %swap3A_452], %swap3A_455 {strides = array<i32>} : memref<32x1024xf32, #tpu.memory_space<vmem>>, vector<1x16xf32>,
        %scan3A_456 = arith.constant 0 : i32
        %scan3A_457 = arith.constant 2 : i32
        %scan3A_458 = arith.addi %scan3A_405, %scan3A_457 : i32
        %mul3A_459 = arith.constant 16 : i32
        %mul3A_460 = arith.muli %scan3A_458, %mul3A_459 : i32
        %get3A_461 = arith.index_cast %scan3A_395 : i32 to index
        %get3A_462 = arith.index_cast %mul3A_460 : i32 to index
        %get3A_463 = tpu.vector_load %arg10[%get3A_461, %get3A_462] {strides = array<i32>} : memref<32x1024xf32, #tpu.memory_space<vmem>>, vector<1x16xf32>,
        %get3A_464 = vector.shape_cast %get3A_463 : vector<1x16xf32> to vector<16xf32>
        %mul3A_465 = arith.constant 3.200000e+01 : f32
        %mul3A_466 = vector.broadcast %mul3A_465 : f32 to vector<16xf32>
        %mul3A_467 = arith.mulf %get3A_464, %mul3A_466 : vector<16xf32>
        %get3A_468 = arith.index_cast %scan3A_395 : i32 to index
        %get3A_469 = arith.index_cast %mul3A_460 : i32 to index
        %get3A_470 = tpu.vector_load %arg11[%get3A_468, %get3A_469] {strides = array<i32>} : memref<32x1024xf32, #tpu.memory_space<vmem>>, vector<1x16xf32>,
        %get3A_471 = vector.shape_cast %get3A_470 : vector<1x16xf32> to vector<16xf32>
        %add3A_472 = arith.addf %mul3A_467, %get3A_471 : vector<16xf32>
        %get3A_473 = arith.index_cast %scan3A_395 : i32 to index
        %get3A_474 = arith.index_cast %mul3A_460 : i32 to index
        %get3A_475 = tpu.vector_load %arg12[%get3A_473, %get3A_474] {strides = array<i32>} : memref<32x1024xf32, #tpu.memory_space<vmem>>, vector<1x16xf32>,
        %get3A_476 = vector.shape_cast %get3A_475 : vector<1x16xf32> to vector<16xf32>
        %add3A_477 = arith.addf %add3A_472, %get3A_476 : vector<16xf32>
        %swap3A_478 = arith.index_cast %scan3A_395 : i32 to index
        %swap3A_479 = arith.index_cast %mul3A_460 : i32 to index
        %swap3A_480 = tpu.vector_load %arg10[%swap3A_478, %swap3A_479] {strides = array<i32>} : memref<32x1024xf32, #tpu.memory_space<vmem>>, vector<1x16xf32>,
        %swap3A_481 = vector.shape_cast %swap3A_480 : vector<1x16xf32> to vector<16xf32>
        %swap3A_482 = vector.shape_cast %add3A_477 : vector<16xf32> to vector<1x16xf32>
        tpu.vector_store %arg10[%swap3A_478, %swap3A_479], %swap3A_482 {strides = array<i32>} : memref<32x1024xf32, #tpu.memory_space<vmem>>, vector<1x16xf32>,
        %scan3A_483 = arith.constant 0 : i32
        %scan3A_484 = arith.constant 3 : i32
        %scan3A_485 = arith.addi %scan3A_405, %scan3A_484 : i32
        %mul3A_486 = arith.constant 16 : i32
        %mul3A_487 = arith.muli %scan3A_485, %mul3A_486 : i32
        %get3A_488 = arith.index_cast %scan3A_395 : i32 to index
        %get3A_489 = arith.index_cast %mul3A_487 : i32 to index
        %get3A_490 = tpu.vector_load %arg10[%get3A_488, %get3A_489] {strides = array<i32>} : memref<32x1024xf32, #tpu.memory_space<vmem>>, vector<1x16xf32>,
        %get3A_491 = vector.shape_cast %get3A_490 : vector<1x16xf32> to vector<16xf32>
        %mul3A_492 = arith.constant 3.200000e+01 : f32
        %mul3A_493 = vector.broadcast %mul3A_492 : f32 to vector<16xf32>
        %mul3A_494 = arith.mulf %get3A_491, %mul3A_493 : vector<16xf32>
        %get3A_495 = arith.index_cast %scan3A_395 : i32 to index
        %get3A_496 = arith.index_cast %mul3A_487 : i32 to index
        %get3A_497 = tpu.vector_load %arg11[%get3A_495, %get3A_496] {strides = array<i32>} : memref<32x1024xf32, #tpu.memory_space<vmem>>, vector<1x16xf32>,
        %get3A_498 = vector.shape_cast %get3A_497 : vector<1x16xf32> to vector<16xf32>
        %add3A_499 = arith.addf %mul3A_494, %get3A_498 : vector<16xf32>
        %get3A_500 = arith.index_cast %scan3A_395 : i32 to index
        %get3A_501 = arith.index_cast %mul3A_487 : i32 to index
        %get3A_502 = tpu.vector_load %arg12[%get3A_500, %get3A_501] {strides = array<i32>} : memref<32x1024xf32, #tpu.memory_space<vmem>>, vector<1x16xf32>,
        %get3A_503 = vector.shape_cast %get3A_502 : vector<1x16xf32> to vector<16xf32>
        %add3A_504 = arith.addf %add3A_499, %get3A_503 : vector<16xf32>
        %swap3A_505 = arith.index_cast %scan3A_395 : i32 to index
        %swap3A_506 = arith.index_cast %mul3A_487 : i32 to index
        %swap3A_507 = tpu.vector_load %arg10[%swap3A_505, %swap3A_506] {strides = array<i32>} : memref<32x1024xf32, #tpu.memory_space<vmem>>, vector<1x16xf32>,
        %swap3A_508 = vector.shape_cast %swap3A_507 : vector<1x16xf32> to vector<16xf32>
        %swap3A_509 = vector.shape_cast %add3A_504 : vector<16xf32> to vector<1x16xf32>
        tpu.vector_store %arg10[%swap3A_505, %swap3A_506], %swap3A_509 {strides = array<i32>} : memref<32x1024xf32, #tpu.memory_space<vmem>>, vector<1x16xf32>,
        %scan3A_510 = arith.constant 0 : i32
        scf.yield %scan3A_510 : i32
      }
      %scan3A_403 = arith.constant 64 : i32
      %scan3A_404 = arith.constant 0 : i32
      scf.yield %scan3A_404 : i32
    }
    %scan3A_149 = arith.constant 32 : i32
    %add3A_150 = arith.constant 64 : i32
    %add3A_151 = arith.addi %mul3A_2, %add3A_150 : i32
    %dma_start3A_152 = arith.constant 0 : i32
    %dma_start3A_153 = tpu.memref_slice %arg7[%add3A_151, %dma_start3A_152] : memref<8192x1024xf32, #tpu.memory_space<hbm>> -> memref<32x1024xf32, #tpu.memory_space<hbm>>
    %dma_start3A_154 = arith.constant 0 : i32
    %dma_start3A_155 = tpu.memref_slice %arg7[%add3A_151, %dma_start3A_154] : memref<8192x1024xf32, #tpu.memory_space<hbm>> -> memref<32x1024xf32, #tpu.memory_space<hbm>>
    tpu.enqueue_dma source(%arg10 : memref<32x1024xf32, #tpu.memory_space<vmem>>) target(%dma_start3A_155 : memref<32x1024xf32, #tpu.memory_space<hbm>>) target_semaphore(%arg16 : memref<!tpu.dma_semaphore, #tpu.memory_space<semaphore_mem>>)
    %dma_wait3A_156 = arith.constant 0 : i32
    %dma_wait3A_157 = tpu.memref_slice %arg7[%add3A_151, %dma_wait3A_156] : memref<8192x1024xf32, #tpu.memory_space<hbm>> -> memref<32x1024xf32, #tpu.memory_space<hbm>>
    %dma_wait3A_158 = arith.constant 0 : i32
    %dma_wait3A_159 = tpu.memref_slice %arg7[%add3A_151, %dma_wait3A_158] : memref<8192x1024xf32, #tpu.memory_space<hbm>> -> memref<32x1024xf32, #tpu.memory_space<hbm>>
    tpu.wait_dma2 semaphore(%arg16 : memref<!tpu.dma_semaphore, #tpu.memory_space<semaphore_mem>>) src(%arg10 : memref<32x1024xf32, #tpu.memory_space<vmem>>) dst(%dma_wait3A_159 : memref<32x1024xf32, #tpu.memory_space<hbm>>)
    %dma_start3A_160 = arith.constant 96 : i32
    %dma_start3A_161 = tpu.memref_slice %arg8[%dma_start3A_160] : memref<256xi32, #tpu.memory_space<vmem>> -> memref<32xi32, #tpu.memory_space<vmem>>
    %dma_start3A_162 = arith.constant 0 : i32
    %dma_start3A_163 = arith.constant 0 : i32
    %dma_start3A_164 = tpu.memref_slice %arg4[%dma_start3A_162, %dma_start3A_163] : memref<100000x1024xf32, #tpu.memory_space<hbm>> -> memref<100000x1024xf32, #tpu.memory_space<hbm>>
    tpu.enqueue_indirect_dma source(%dma_start3A_164 : memref<100000x1024xf32, #tpu.memory_space<hbm>>) target(%arg10 : memref<32x1024xf32, #tpu.memory_space<vmem>>) offsets(%dma_start3A_161 : memref<32xi32, #tpu.memory_space<vmem>>) semaphore(%arg13 : memref<!tpu.dma_semaphore, #tpu.memory_space<semaphore_mem>>)
    %dma_start3A_165 = arith.constant 96 : i32
    %dma_start3A_166 = tpu.memref_slice %arg9[%dma_start3A_165] : memref<256xi32, #tpu.memory_space<vmem>> -> memref<32xi32, #tpu.memory_space<vmem>>
    %dma_start3A_167 = arith.constant 0 : i32
    %dma_start3A_168 = arith.constant 0 : i32
    %dma_start3A_169 = tpu.memref_slice %arg5[%dma_start3A_167, %dma_start3A_168] : memref<3x1024xf32, #tpu.memory_space<hbm>> -> memref<3x1024xf32, #tpu.memory_space<hbm>>
    tpu.enqueue_indirect_dma source(%dma_start3A_169 : memref<3x1024xf32, #tpu.memory_space<hbm>>) target(%arg12 : memref<32x1024xf32, #tpu.memory_space<vmem>>) offsets(%dma_start3A_166 : memref<32xi32, #tpu.memory_space<vmem>>) semaphore(%arg14 : memref<!tpu.dma_semaphore, #tpu.memory_space<semaphore_mem>>)
    %add3A_170 = arith.constant 96 : i32
    %add3A_171 = arith.addi %mul3A_13, %add3A_170 : i32
    %dma_start3A_172 = arith.constant 0 : i32
    %dma_start3A_173 = tpu.memref_slice %arg6[%add3A_171, %dma_start3A_172] : memref<2048x1024xf32, #tpu.memory_space<hbm>> -> memref<32x1024xf32, #tpu.memory_space<hbm>>
    %dma_start3A_174 = arith.constant 0 : i32
    %dma_start3A_175 = tpu.memref_slice %arg6[%add3A_171, %dma_start3A_174] : memref<2048x1024xf32, #tpu.memory_space<hbm>> -> memref<32x1024xf32, #tpu.memory_space<hbm>>
    tpu.enqueue_dma source(%dma_start3A_175 : memref<32x1024xf32, #tpu.memory_space<hbm>>) target(%arg11 : memref<32x1024xf32, #tpu.memory_space<vmem>>) target_semaphore(%arg15 : memref<!tpu.dma_semaphore, #tpu.memory_space<semaphore_mem>>)
    %dma_wait3A_176 = arith.constant 96 : i32
    %dma_wait3A_177 = tpu.memref_slice %arg8[%dma_wait3A_176] : memref<256xi32, #tpu.memory_space<vmem>> -> memref<32xi32, #tpu.memory_space<vmem>>
    %dma_wait3A_178 = arith.constant 0 : i32
    %dma_wait3A_179 = arith.constant 0 : i32
    %dma_wait3A_180 = tpu.memref_slice %arg4[%dma_wait3A_178, %dma_wait3A_179] : memref<100000x1024xf32, #tpu.memory_space<hbm>> -> memref<100000x1024xf32, #tpu.memory_space<hbm>>
    tpu.wait_indirect_dma semaphore(%arg13 : memref<!tpu.dma_semaphore, #tpu.memory_space<semaphore_mem>>) src(%dma_wait3A_180 : memref<100000x1024xf32, #tpu.memory_space<hbm>>) dst(%arg10 : memref<32x1024xf32, #tpu.memory_space<vmem>>)
    %dma_wait3A_181 = arith.constant 96 : i32
    %dma_wait3A_182 = tpu.memref_slice %arg9[%dma_wait3A_181] : memref<256xi32, #tpu.memory_space<vmem>> -> memref<32xi32, #tpu.memory_space<vmem>>
    %dma_wait3A_183 = arith.constant 0 : i32
    %dma_wait3A_184 = arith.constant 0 : i32
    %dma_wait3A_185 = tpu.memref_slice %arg5[%dma_wait3A_183, %dma_wait3A_184] : memref<3x1024xf32, #tpu.memory_space<hbm>> -> memref<3x1024xf32, #tpu.memory_space<hbm>>
    tpu.wait_indirect_dma semaphore(%arg14 : memref<!tpu.dma_semaphore, #tpu.memory_space<semaphore_mem>>) src(%dma_wait3A_185 : memref<3x1024xf32, #tpu.memory_space<hbm>>) dst(%arg12 : memref<32x1024xf32, #tpu.memory_space<vmem>>)
    %dma_wait3A_186 = arith.constant 0 : i32
    %dma_wait3A_187 = tpu.memref_slice %arg6[%add3A_171, %dma_wait3A_186] : memref<2048x1024xf32, #tpu.memory_space<hbm>> -> memref<32x1024xf32, #tpu.memory_space<hbm>>
    %dma_wait3A_188 = arith.constant 0 : i32
    %dma_wait3A_189 = tpu.memref_slice %arg6[%add3A_171, %dma_wait3A_188] : memref<2048x1024xf32, #tpu.memory_space<hbm>> -> memref<32x1024xf32, #tpu.memory_space<hbm>>
    tpu.wait_dma2 semaphore(%arg15 : memref<!tpu.dma_semaphore, #tpu.memory_space<semaphore_mem>>) src(%dma_wait3A_189 : memref<32x1024xf32, #tpu.memory_space<hbm>>) dst(%arg11 : memref<32x1024xf32, #tpu.memory_space<vmem>>)
    %scan3A_190 = arith.constant 0 : i32
    %scan3A_191 = arith.constant 0 : i32
    %scan3A_192 = arith.constant 32 : i32
    %scan3A_193 = arith.addi %scan3A_191, %scan3A_192 : i32
    %scan3A_194 = arith.constant 1 : i32
    %scan3A_195 = scf.for %scan3A_395 = %scan3A_191 to %scan3A_193 step %scan3A_194 iter_args(%scan3A_396 = %scan3A_190) -> (i32)  : i32 {
      %scan3A_397 = arith.constant 0 : i32
      %scan3A_398 = arith.constant 0 : i32
      %scan3A_399 = arith.constant 64 : i32
      %scan3A_400 = arith.addi %scan3A_398, %scan3A_399 : i32
      %scan3A_401 = arith.constant 4 : i32
      %scan3A_402 = scf.for %scan3A_405 = %scan3A_398 to %scan3A_400 step %scan3A_401 iter_args(%scan3A_406 = %scan3A_397) -> (i32)  : i32 {
        %mul3A_407 = arith.constant 16 : i32
        %mul3A_408 = arith.muli %scan3A_405, %mul3A_407 : i32
        %get3A = arith.index_cast %scan3A_395 : i32 to index
        %get3A_409 = arith.index_cast %mul3A_408 : i32 to index
        %get3A_410 = tpu.vector_load %arg10[%get3A, %get3A_409] {strides = array<i32>} : memref<32x1024xf32, #tpu.memory_space<vmem>>, vector<1x16xf32>,
        %get3A_411 = vector.shape_cast %get3A_410 : vector<1x16xf32> to vector<16xf32>
        %mul3A_412 = arith.constant 3.200000e+01 : f32
        %mul3A_413 = vector.broadcast %mul3A_412 : f32 to vector<16xf32>
        %mul3A_414 = arith.mulf %get3A_411, %mul3A_413 : vector<16xf32>
        %get3A_415 = arith.index_cast %scan3A_395 : i32 to index
        %get3A_416 = arith.index_cast %mul3A_408 : i32 to index
        %get3A_417 = tpu.vector_load %arg11[%get3A_415, %get3A_416] {strides = array<i32>} : memref<32x1024xf32, #tpu.memory_space<vmem>>, vector<1x16xf32>,
        %get3A_418 = vector.shape_cast %get3A_417 : vector<1x16xf32> to vector<16xf32>
        %add3A_419 = arith.addf %mul3A_414, %get3A_418 : vector<16xf32>
        %get3A_420 = arith.index_cast %scan3A_395 : i32 to index
        %get3A_421 = arith.index_cast %mul3A_408 : i32 to index
        %get3A_422 = tpu.vector_load %arg12[%get3A_420, %get3A_421] {strides = array<i32>} : memref<32x1024xf32, #tpu.memory_space<vmem>>, vector<1x16xf32>,
        %get3A_423 = vector.shape_cast %get3A_422 : vector<1x16xf32> to vector<16xf32>
        %add3A_424 = arith.addf %add3A_419, %get3A_423 : vector<16xf32>
        %swap3A = arith.index_cast %scan3A_395 : i32 to index
        %swap3A_425 = arith.index_cast %mul3A_408 : i32 to index
        %swap3A_426 = tpu.vector_load %arg10[%swap3A, %swap3A_425] {strides = array<i32>} : memref<32x1024xf32, #tpu.memory_space<vmem>>, vector<1x16xf32>,
        %swap3A_427 = vector.shape_cast %swap3A_426 : vector<1x16xf32> to vector<16xf32>
        %swap3A_428 = vector.shape_cast %add3A_424 : vector<16xf32> to vector<1x16xf32>
        tpu.vector_store %arg10[%swap3A, %swap3A_425], %swap3A_428 {strides = array<i32>} : memref<32x1024xf32, #tpu.memory_space<vmem>>, vector<1x16xf32>,
        %scan3A_429 = arith.constant 0 : i32
        %scan3A_430 = arith.constant 1 : i32
        %scan3A_431 = arith.addi %scan3A_405, %scan3A_430 : i32
        %mul3A_432 = arith.constant 16 : i32
        %mul3A_433 = arith.muli %scan3A_431, %mul3A_432 : i32
        %get3A_434 = arith.index_cast %scan3A_395 : i32 to index
        %get3A_435 = arith.index_cast %mul3A_433 : i32 to index
        %get3A_436 = tpu.vector_load %arg10[%get3A_434, %get3A_435] {strides = array<i32>} : memref<32x1024xf32, #tpu.memory_space<vmem>>, vector<1x16xf32>,
        %get3A_437 = vector.shape_cast %get3A_436 : vector<1x16xf32> to vector<16xf32>
        %mul3A_438 = arith.constant 3.200000e+01 : f32
        %mul3A_439 = vector.broadcast %mul3A_438 : f32 to vector<16xf32>
        %mul3A_440 = arith.mulf %get3A_437, %mul3A_439 : vector<16xf32>
        %get3A_441 = arith.index_cast %scan3A_395 : i32 to index
        %get3A_442 = arith.index_cast %mul3A_433 : i32 to index
        %get3A_443 = tpu.vector_load %arg11[%get3A_441, %get3A_442] {strides = array<i32>} : memref<32x1024xf32, #tpu.memory_space<vmem>>, vector<1x16xf32>,
        %get3A_444 = vector.shape_cast %get3A_443 : vector<1x16xf32> to vector<16xf32>
        %add3A_445 = arith.addf %mul3A_440, %get3A_444 : vector<16xf32>
        %get3A_446 = arith.index_cast %scan3A_395 : i32 to index
        %get3A_447 = arith.index_cast %mul3A_433 : i32 to index
        %get3A_448 = tpu.vector_load %arg12[%get3A_446, %get3A_447] {strides = array<i32>} : memref<32x1024xf32, #tpu.memory_space<vmem>>, vector<1x16xf32>,
        %get3A_449 = vector.shape_cast %get3A_448 : vector<1x16xf32> to vector<16xf32>
        %add3A_450 = arith.addf %add3A_445, %get3A_449 : vector<16xf32>
        %swap3A_451 = arith.index_cast %scan3A_395 : i32 to index
        %swap3A_452 = arith.index_cast %mul3A_433 : i32 to index
        %swap3A_453 = tpu.vector_load %arg10[%swap3A_451, %swap3A_452] {strides = array<i32>} : memref<32x1024xf32, #tpu.memory_space<vmem>>, vector<1x16xf32>,
        %swap3A_454 = vector.shape_cast %swap3A_453 : vector<1x16xf32> to vector<16xf32>
        %swap3A_455 = vector.shape_cast %add3A_450 : vector<16xf32> to vector<1x16xf32>
        tpu.vector_store %arg10[%swap3A_451, %swap3A_452], %swap3A_455 {strides = array<i32>} : memref<32x1024xf32, #tpu.memory_space<vmem>>, vector<1x16xf32>,
        %scan3A_456 = arith.constant 0 : i32
        %scan3A_457 = arith.constant 2 : i32
        %scan3A_458 = arith.addi %scan3A_405, %scan3A_457 : i32
        %mul3A_459 = arith.constant 16 : i32
        %mul3A_460 = arith.muli %scan3A_458, %mul3A_459 : i32
        %get3A_461 = arith.index_cast %scan3A_395 : i32 to index
        %get3A_462 = arith.index_cast %mul3A_460 : i32 to index
        %get3A_463 = tpu.vector_load %arg10[%get3A_461, %get3A_462] {strides = array<i32>} : memref<32x1024xf32, #tpu.memory_space<vmem>>, vector<1x16xf32>,
        %get3A_464 = vector.shape_cast %get3A_463 : vector<1x16xf32> to vector<16xf32>
        %mul3A_465 = arith.constant 3.200000e+01 : f32
        %mul3A_466 = vector.broadcast %mul3A_465 : f32 to vector<16xf32>
        %mul3A_467 = arith.mulf %get3A_464, %mul3A_466 : vector<16xf32>
        %get3A_468 = arith.index_cast %scan3A_395 : i32 to index
        %get3A_469 = arith.index_cast %mul3A_460 : i32 to index
        %get3A_470 = tpu.vector_load %arg11[%get3A_468, %get3A_469] {strides = array<i32>} : memref<32x1024xf32, #tpu.memory_space<vmem>>, vector<1x16xf32>,
        %get3A_471 = vector.shape_cast %get3A_470 : vector<1x16xf32> to vector<16xf32>
        %add3A_472 = arith.addf %mul3A_467, %get3A_471 : vector<16xf32>
        %get3A_473 = arith.index_cast %scan3A_395 : i32 to index
        %get3A_474 = arith.index_cast %mul3A_460 : i32 to index
        %get3A_475 = tpu.vector_load %arg12[%get3A_473, %get3A_474] {strides = array<i32>} : memref<32x1024xf32, #tpu.memory_space<vmem>>, vector<1x16xf32>,
        %get3A_476 = vector.shape_cast %get3A_475 : vector<1x16xf32> to vector<16xf32>
        %add3A_477 = arith.addf %add3A_472, %get3A_476 : vector<16xf32>
        %swap3A_478 = arith.index_cast %scan3A_395 : i32 to index
        %swap3A_479 = arith.index_cast %mul3A_460 : i32 to index
        %swap3A_480 = tpu.vector_load %arg10[%swap3A_478, %swap3A_479] {strides = array<i32>} : memref<32x1024xf32, #tpu.memory_space<vmem>>, vector<1x16xf32>,
        %swap3A_481 = vector.shape_cast %swap3A_480 : vector<1x16xf32> to vector<16xf32>
        %swap3A_482 = vector.shape_cast %add3A_477 : vector<16xf32> to vector<1x16xf32>
        tpu.vector_store %arg10[%swap3A_478, %swap3A_479], %swap3A_482 {strides = array<i32>} : memref<32x1024xf32, #tpu.memory_space<vmem>>, vector<1x16xf32>,
        %scan3A_483 = arith.constant 0 : i32
        %scan3A_484 = arith.constant 3 : i32
        %scan3A_485 = arith.addi %scan3A_405, %scan3A_484 : i32
        %mul3A_486 = arith.constant 16 : i32
        %mul3A_487 = arith.muli %scan3A_485, %mul3A_486 : i32
        %get3A_488 = arith.index_cast %scan3A_395 : i32 to index
        %get3A_489 = arith.index_cast %mul3A_487 : i32 to index
        %get3A_490 = tpu.vector_load %arg10[%get3A_488, %get3A_489] {strides = array<i32>} : memref<32x1024xf32, #tpu.memory_space<vmem>>, vector<1x16xf32>,
        %get3A_491 = vector.shape_cast %get3A_490 : vector<1x16xf32> to vector<16xf32>
        %mul3A_492 = arith.constant 3.200000e+01 : f32
        %mul3A_493 = vector.broadcast %mul3A_492 : f32 to vector<16xf32>
        %mul3A_494 = arith.mulf %get3A_491, %mul3A_493 : vector<16xf32>
        %get3A_495 = arith.index_cast %scan3A_395 : i32 to index
        %get3A_496 = arith.index_cast %mul3A_487 : i32 to index
        %get3A_497 = tpu.vector_load %arg11[%get3A_495, %get3A_496] {strides = array<i32>} : memref<32x1024xf32, #tpu.memory_space<vmem>>, vector<1x16xf32>,
        %get3A_498 = vector.shape_cast %get3A_497 : vector<1x16xf32> to vector<16xf32>
        %add3A_499 = arith.addf %mul3A_494, %get3A_498 : vector<16xf32>
        %get3A_500 = arith.index_cast %scan3A_395 : i32 to index
        %get3A_501 = arith.index_cast %mul3A_487 : i32 to index
        %get3A_502 = tpu.vector_load %arg12[%get3A_500, %get3A_501] {strides = array<i32>} : memref<32x1024xf32, #tpu.memory_space<vmem>>, vector<1x16xf32>,
        %get3A_503 = vector.shape_cast %get3A_502 : vector<1x16xf32> to vector<16xf32>
        %add3A_504 = arith.addf %add3A_499, %get3A_503 : vector<16xf32>
        %swap3A_505 = arith.index_cast %scan3A_395 : i32 to index
        %swap3A_506 = arith.index_cast %mul3A_487 : i32 to index
        %swap3A_507 = tpu.vector_load %arg10[%swap3A_505, %swap3A_506] {strides = array<i32>} : memref<32x1024xf32, #tpu.memory_space<vmem>>, vector<1x16xf32>,
        %swap3A_508 = vector.shape_cast %swap3A_507 : vector<1x16xf32> to vector<16xf32>
        %swap3A_509 = vector.shape_cast %add3A_504 : vector<16xf32> to vector<1x16xf32>
        tpu.vector_store %arg10[%swap3A_505, %swap3A_506], %swap3A_509 {strides = array<i32>} : memref<32x1024xf32, #tpu.memory_space<vmem>>, vector<1x16xf32>,
        %scan3A_510 = arith.constant 0 : i32
        scf.yield %scan3A_510 : i32
      }
      %scan3A_403 = arith.constant 64 : i32
      %scan3A_404 = arith.constant 0 : i32
      scf.yield %scan3A_404 : i32
    }
    %scan3A_196 = arith.constant 32 : i32
    %add3A_197 = arith.constant 96 : i32
    %add3A_198 = arith.addi %mul3A_2, %add3A_197 : i32
    %dma_start3A_199 = arith.constant 0 : i32
    %dma_start3A_200 = tpu.memref_slice %arg7[%add3A_198, %dma_start3A_199] : memref<8192x1024xf32, #tpu.memory_space<hbm>> -> memref<32x1024xf32, #tpu.memory_space<hbm>>
    %dma_start3A_201 = arith.constant 0 : i32
    %dma_start3A_202 = tpu.memref_slice %arg7[%add3A_198, %dma_start3A_201] : memref<8192x1024xf32, #tpu.memory_space<hbm>> -> memref<32x1024xf32, #tpu.memory_space<hbm>>
    tpu.enqueue_dma source(%arg10 : memref<32x1024xf32, #tpu.memory_space<vmem>>) target(%dma_start3A_202 : memref<32x1024xf32, #tpu.memory_space<hbm>>) target_semaphore(%arg16 : memref<!tpu.dma_semaphore, #tpu.memory_space<semaphore_mem>>)
    %dma_wait3A_203 = arith.constant 0 : i32
    %dma_wait3A_204 = tpu.memref_slice %arg7[%add3A_198, %dma_wait3A_203] : memref<8192x1024xf32, #tpu.memory_space<hbm>> -> memref<32x1024xf32, #tpu.memory_space<hbm>>
    %dma_wait3A_205 = arith.constant 0 : i32
    %dma_wait3A_206 = tpu.memref_slice %arg7[%add3A_198, %dma_wait3A_205] : memref<8192x1024xf32, #tpu.memory_space<hbm>> -> memref<32x1024xf32, #tpu.memory_space<hbm>>
    tpu.wait_dma2 semaphore(%arg16 : memref<!tpu.dma_semaphore, #tpu.memory_space<semaphore_mem>>) src(%arg10 : memref<32x1024xf32, #tpu.memory_space<vmem>>) dst(%dma_wait3A_206 : memref<32x1024xf32, #tpu.memory_space<hbm>>)
    %dma_start3A_207 = arith.constant 128 : i32
    %dma_start3A_208 = tpu.memref_slice %arg8[%dma_start3A_207] : memref<256xi32, #tpu.memory_space<vmem>> -> memref<32xi32, #tpu.memory_space<vmem>>
    %dma_start3A_209 = arith.constant 0 : i32
    %dma_start3A_210 = arith.constant 0 : i32
    %dma_start3A_211 = tpu.memref_slice %arg4[%dma_start3A_209, %dma_start3A_210] : memref<100000x1024xf32, #tpu.memory_space<hbm>> -> memref<100000x1024xf32, #tpu.memory_space<hbm>>
    tpu.enqueue_indirect_dma source(%dma_start3A_211 : memref<100000x1024xf32, #tpu.memory_space<hbm>>) target(%arg10 : memref<32x1024xf32, #tpu.memory_space<vmem>>) offsets(%dma_start3A_208 : memref<32xi32, #tpu.memory_space<vmem>>) semaphore(%arg13 : memref<!tpu.dma_semaphore, #tpu.memory_space<semaphore_mem>>)
    %dma_start3A_212 = arith.constant 128 : i32
    %dma_start3A_213 = tpu.memref_slice %arg9[%dma_start3A_212] : memref<256xi32, #tpu.memory_space<vmem>> -> memref<32xi32, #tpu.memory_space<vmem>>
    %dma_start3A_214 = arith.constant 0 : i32
    %dma_start3A_215 = arith.constant 0 : i32
    %dma_start3A_216 = tpu.memref_slice %arg5[%dma_start3A_214, %dma_start3A_215] : memref<3x1024xf32, #tpu.memory_space<hbm>> -> memref<3x1024xf32, #tpu.memory_space<hbm>>
    tpu.enqueue_indirect_dma source(%dma_start3A_216 : memref<3x1024xf32, #tpu.memory_space<hbm>>) target(%arg12 : memref<32x1024xf32, #tpu.memory_space<vmem>>) offsets(%dma_start3A_213 : memref<32xi32, #tpu.memory_space<vmem>>) semaphore(%arg14 : memref<!tpu.dma_semaphore, #tpu.memory_space<semaphore_mem>>)
    %add3A_217 = arith.constant 128 : i32
    %add3A_218 = arith.addi %mul3A_13, %add3A_217 : i32
    %dma_start3A_219 = arith.constant 0 : i32
    %dma_start3A_220 = tpu.memref_slice %arg6[%add3A_218, %dma_start3A_219] : memref<2048x1024xf32, #tpu.memory_space<hbm>> -> memref<32x1024xf32, #tpu.memory_space<hbm>>
    %dma_start3A_221 = arith.constant 0 : i32
    %dma_start3A_222 = tpu.memref_slice %arg6[%add3A_218, %dma_start3A_221] : memref<2048x1024xf32, #tpu.memory_space<hbm>> -> memref<32x1024xf32, #tpu.memory_space<hbm>>
    tpu.enqueue_dma source(%dma_start3A_222 : memref<32x1024xf32, #tpu.memory_space<hbm>>) target(%arg11 : memref<32x1024xf32, #tpu.memory_space<vmem>>) target_semaphore(%arg15 : memref<!tpu.dma_semaphore, #tpu.memory_space<semaphore_mem>>)
    %dma_wait3A_223 = arith.constant 128 : i32
    %dma_wait3A_224 = tpu.memref_slice %arg8[%dma_wait3A_223] : memref<256xi32, #tpu.memory_space<vmem>> -> memref<32xi32, #tpu.memory_space<vmem>>
    %dma_wait3A_225 = arith.constant 0 : i32
    %dma_wait3A_226 = arith.constant 0 : i32
    %dma_wait3A_227 = tpu.memref_slice %arg4[%dma_wait3A_225, %dma_wait3A_226] : memref<100000x1024xf32, #tpu.memory_space<hbm>> -> memref<100000x1024xf32, #tpu.memory_space<hbm>>
    tpu.wait_indirect_dma semaphore(%arg13 : memref<!tpu.dma_semaphore, #tpu.memory_space<semaphore_mem>>) src(%dma_wait3A_227 : memref<100000x1024xf32, #tpu.memory_space<hbm>>) dst(%arg10 : memref<32x1024xf32, #tpu.memory_space<vmem>>)
    %dma_wait3A_228 = arith.constant 128 : i32
    %dma_wait3A_229 = tpu.memref_slice %arg9[%dma_wait3A_228] : memref<256xi32, #tpu.memory_space<vmem>> -> memref<32xi32, #tpu.memory_space<vmem>>
    %dma_wait3A_230 = arith.constant 0 : i32
    %dma_wait3A_231 = arith.constant 0 : i32
    %dma_wait3A_232 = tpu.memref_slice %arg5[%dma_wait3A_230, %dma_wait3A_231] : memref<3x1024xf32, #tpu.memory_space<hbm>> -> memref<3x1024xf32, #tpu.memory_space<hbm>>
    tpu.wait_indirect_dma semaphore(%arg14 : memref<!tpu.dma_semaphore, #tpu.memory_space<semaphore_mem>>) src(%dma_wait3A_232 : memref<3x1024xf32, #tpu.memory_space<hbm>>) dst(%arg12 : memref<32x1024xf32, #tpu.memory_space<vmem>>)
    %dma_wait3A_233 = arith.constant 0 : i32
    %dma_wait3A_234 = tpu.memref_slice %arg6[%add3A_218, %dma_wait3A_233] : memref<2048x1024xf32, #tpu.memory_space<hbm>> -> memref<32x1024xf32, #tpu.memory_space<hbm>>
    %dma_wait3A_235 = arith.constant 0 : i32
    %dma_wait3A_236 = tpu.memref_slice %arg6[%add3A_218, %dma_wait3A_235] : memref<2048x1024xf32, #tpu.memory_space<hbm>> -> memref<32x1024xf32, #tpu.memory_space<hbm>>
    tpu.wait_dma2 semaphore(%arg15 : memref<!tpu.dma_semaphore, #tpu.memory_space<semaphore_mem>>) src(%dma_wait3A_236 : memref<32x1024xf32, #tpu.memory_space<hbm>>) dst(%arg11 : memref<32x1024xf32, #tpu.memory_space<vmem>>)
    %scan3A_237 = arith.constant 0 : i32
    %scan3A_238 = arith.constant 0 : i32
    %scan3A_239 = arith.constant 32 : i32
    %scan3A_240 = arith.addi %scan3A_238, %scan3A_239 : i32
    %scan3A_241 = arith.constant 1 : i32
    %scan3A_242 = scf.for %scan3A_395 = %scan3A_238 to %scan3A_240 step %scan3A_241 iter_args(%scan3A_396 = %scan3A_237) -> (i32)  : i32 {
      %scan3A_397 = arith.constant 0 : i32
      %scan3A_398 = arith.constant 0 : i32
      %scan3A_399 = arith.constant 64 : i32
      %scan3A_400 = arith.addi %scan3A_398, %scan3A_399 : i32
      %scan3A_401 = arith.constant 4 : i32
      %scan3A_402 = scf.for %scan3A_405 = %scan3A_398 to %scan3A_400 step %scan3A_401 iter_args(%scan3A_406 = %scan3A_397) -> (i32)  : i32 {
        %mul3A_407 = arith.constant 16 : i32
        %mul3A_408 = arith.muli %scan3A_405, %mul3A_407 : i32
        %get3A = arith.index_cast %scan3A_395 : i32 to index
        %get3A_409 = arith.index_cast %mul3A_408 : i32 to index
        %get3A_410 = tpu.vector_load %arg10[%get3A, %get3A_409] {strides = array<i32>} : memref<32x1024xf32, #tpu.memory_space<vmem>>, vector<1x16xf32>,
        %get3A_411 = vector.shape_cast %get3A_410 : vector<1x16xf32> to vector<16xf32>
        %mul3A_412 = arith.constant 3.200000e+01 : f32
        %mul3A_413 = vector.broadcast %mul3A_412 : f32 to vector<16xf32>
        %mul3A_414 = arith.mulf %get3A_411, %mul3A_413 : vector<16xf32>
        %get3A_415 = arith.index_cast %scan3A_395 : i32 to index
        %get3A_416 = arith.index_cast %mul3A_408 : i32 to index
        %get3A_417 = tpu.vector_load %arg11[%get3A_415, %get3A_416] {strides = array<i32>} : memref<32x1024xf32, #tpu.memory_space<vmem>>, vector<1x16xf32>,
        %get3A_418 = vector.shape_cast %get3A_417 : vector<1x16xf32> to vector<16xf32>
        %add3A_419 = arith.addf %mul3A_414, %get3A_418 : vector<16xf32>
        %get3A_420 = arith.index_cast %scan3A_395 : i32 to index
        %get3A_421 = arith.index_cast %mul3A_408 : i32 to index
        %get3A_422 = tpu.vector_load %arg12[%get3A_420, %get3A_421] {strides = array<i32>} : memref<32x1024xf32, #tpu.memory_space<vmem>>, vector<1x16xf32>,
        %get3A_423 = vector.shape_cast %get3A_422 : vector<1x16xf32> to vector<16xf32>
        %add3A_424 = arith.addf %add3A_419, %get3A_423 : vector<16xf32>
        %swap3A = arith.index_cast %scan3A_395 : i32 to index
        %swap3A_425 = arith.index_cast %mul3A_408 : i32 to index
        %swap3A_426 = tpu.vector_load %arg10[%swap3A, %swap3A_425] {strides = array<i32>} : memref<32x1024xf32, #tpu.memory_space<vmem>>, vector<1x16xf32>,
        %swap3A_427 = vector.shape_cast %swap3A_426 : vector<1x16xf32> to vector<16xf32>
        %swap3A_428 = vector.shape_cast %add3A_424 : vector<16xf32> to vector<1x16xf32>
        tpu.vector_store %arg10[%swap3A, %swap3A_425], %swap3A_428 {strides = array<i32>} : memref<32x1024xf32, #tpu.memory_space<vmem>>, vector<1x16xf32>,
        %scan3A_429 = arith.constant 0 : i32
        %scan3A_430 = arith.constant 1 : i32
        %scan3A_431 = arith.addi %scan3A_405, %scan3A_430 : i32
        %mul3A_432 = arith.constant 16 : i32
        %mul3A_433 = arith.muli %scan3A_431, %mul3A_432 : i32
        %get3A_434 = arith.index_cast %scan3A_395 : i32 to index
        %get3A_435 = arith.index_cast %mul3A_433 : i32 to index
        %get3A_436 = tpu.vector_load %arg10[%get3A_434, %get3A_435] {strides = array<i32>} : memref<32x1024xf32, #tpu.memory_space<vmem>>, vector<1x16xf32>,
        %get3A_437 = vector.shape_cast %get3A_436 : vector<1x16xf32> to vector<16xf32>
        %mul3A_438 = arith.constant 3.200000e+01 : f32
        %mul3A_439 = vector.broadcast %mul3A_438 : f32 to vector<16xf32>
        %mul3A_440 = arith.mulf %get3A_437, %mul3A_439 : vector<16xf32>
        %get3A_441 = arith.index_cast %scan3A_395 : i32 to index
        %get3A_442 = arith.index_cast %mul3A_433 : i32 to index
        %get3A_443 = tpu.vector_load %arg11[%get3A_441, %get3A_442] {strides = array<i32>} : memref<32x1024xf32, #tpu.memory_space<vmem>>, vector<1x16xf32>,
        %get3A_444 = vector.shape_cast %get3A_443 : vector<1x16xf32> to vector<16xf32>
        %add3A_445 = arith.addf %mul3A_440, %get3A_444 : vector<16xf32>
        %get3A_446 = arith.index_cast %scan3A_395 : i32 to index
        %get3A_447 = arith.index_cast %mul3A_433 : i32 to index
        %get3A_448 = tpu.vector_load %arg12[%get3A_446, %get3A_447] {strides = array<i32>} : memref<32x1024xf32, #tpu.memory_space<vmem>>, vector<1x16xf32>,
        %get3A_449 = vector.shape_cast %get3A_448 : vector<1x16xf32> to vector<16xf32>
        %add3A_450 = arith.addf %add3A_445, %get3A_449 : vector<16xf32>
        %swap3A_451 = arith.index_cast %scan3A_395 : i32 to index
        %swap3A_452 = arith.index_cast %mul3A_433 : i32 to index
        %swap3A_453 = tpu.vector_load %arg10[%swap3A_451, %swap3A_452] {strides = array<i32>} : memref<32x1024xf32, #tpu.memory_space<vmem>>, vector<1x16xf32>,
        %swap3A_454 = vector.shape_cast %swap3A_453 : vector<1x16xf32> to vector<16xf32>
        %swap3A_455 = vector.shape_cast %add3A_450 : vector<16xf32> to vector<1x16xf32>
        tpu.vector_store %arg10[%swap3A_451, %swap3A_452], %swap3A_455 {strides = array<i32>} : memref<32x1024xf32, #tpu.memory_space<vmem>>, vector<1x16xf32>,
        %scan3A_456 = arith.constant 0 : i32
        %scan3A_457 = arith.constant 2 : i32
        %scan3A_458 = arith.addi %scan3A_405, %scan3A_457 : i32
        %mul3A_459 = arith.constant 16 : i32
        %mul3A_460 = arith.muli %scan3A_458, %mul3A_459 : i32
        %get3A_461 = arith.index_cast %scan3A_395 : i32 to index
        %get3A_462 = arith.index_cast %mul3A_460 : i32 to index
        %get3A_463 = tpu.vector_load %arg10[%get3A_461, %get3A_462] {strides = array<i32>} : memref<32x1024xf32, #tpu.memory_space<vmem>>, vector<1x16xf32>,
        %get3A_464 = vector.shape_cast %get3A_463 : vector<1x16xf32> to vector<16xf32>
        %mul3A_465 = arith.constant 3.200000e+01 : f32
        %mul3A_466 = vector.broadcast %mul3A_465 : f32 to vector<16xf32>
        %mul3A_467 = arith.mulf %get3A_464, %mul3A_466 : vector<16xf32>
        %get3A_468 = arith.index_cast %scan3A_395 : i32 to index
        %get3A_469 = arith.index_cast %mul3A_460 : i32 to index
        %get3A_470 = tpu.vector_load %arg11[%get3A_468, %get3A_469] {strides = array<i32>} : memref<32x1024xf32, #tpu.memory_space<vmem>>, vector<1x16xf32>,
        %get3A_471 = vector.shape_cast %get3A_470 : vector<1x16xf32> to vector<16xf32>
        %add3A_472 = arith.addf %mul3A_467, %get3A_471 : vector<16xf32>
        %get3A_473 = arith.index_cast %scan3A_395 : i32 to index
        %get3A_474 = arith.index_cast %mul3A_460 : i32 to index
        %get3A_475 = tpu.vector_load %arg12[%get3A_473, %get3A_474] {strides = array<i32>} : memref<32x1024xf32, #tpu.memory_space<vmem>>, vector<1x16xf32>,
        %get3A_476 = vector.shape_cast %get3A_475 : vector<1x16xf32> to vector<16xf32>
        %add3A_477 = arith.addf %add3A_472, %get3A_476 : vector<16xf32>
        %swap3A_478 = arith.index_cast %scan3A_395 : i32 to index
        %swap3A_479 = arith.index_cast %mul3A_460 : i32 to index
        %swap3A_480 = tpu.vector_load %arg10[%swap3A_478, %swap3A_479] {strides = array<i32>} : memref<32x1024xf32, #tpu.memory_space<vmem>>, vector<1x16xf32>,
        %swap3A_481 = vector.shape_cast %swap3A_480 : vector<1x16xf32> to vector<16xf32>
        %swap3A_482 = vector.shape_cast %add3A_477 : vector<16xf32> to vector<1x16xf32>
        tpu.vector_store %arg10[%swap3A_478, %swap3A_479], %swap3A_482 {strides = array<i32>} : memref<32x1024xf32, #tpu.memory_space<vmem>>, vector<1x16xf32>,
        %scan3A_483 = arith.constant 0 : i32
        %scan3A_484 = arith.constant 3 : i32
        %scan3A_485 = arith.addi %scan3A_405, %scan3A_484 : i32
        %mul3A_486 = arith.constant 16 : i32
        %mul3A_487 = arith.muli %scan3A_485, %mul3A_486 : i32
        %get3A_488 = arith.index_cast %scan3A_395 : i32 to index
        %get3A_489 = arith.index_cast %mul3A_487 : i32 to index
        %get3A_490 = tpu.vector_load %arg10[%get3A_488, %get3A_489] {strides = array<i32>} : memref<32x1024xf32, #tpu.memory_space<vmem>>, vector<1x16xf32>,
        %get3A_491 = vector.shape_cast %get3A_490 : vector<1x16xf32> to vector<16xf32>
        %mul3A_492 = arith.constant 3.200000e+01 : f32
        %mul3A_493 = vector.broadcast %mul3A_492 : f32 to vector<16xf32>
        %mul3A_494 = arith.mulf %get3A_491, %mul3A_493 : vector<16xf32>
        %get3A_495 = arith.index_cast %scan3A_395 : i32 to index
        %get3A_496 = arith.index_cast %mul3A_487 : i32 to index
        %get3A_497 = tpu.vector_load %arg11[%get3A_495, %get3A_496] {strides = array<i32>} : memref<32x1024xf32, #tpu.memory_space<vmem>>, vector<1x16xf32>,
        %get3A_498 = vector.shape_cast %get3A_497 : vector<1x16xf32> to vector<16xf32>
        %add3A_499 = arith.addf %mul3A_494, %get3A_498 : vector<16xf32>
        %get3A_500 = arith.index_cast %scan3A_395 : i32 to index
        %get3A_501 = arith.index_cast %mul3A_487 : i32 to index
        %get3A_502 = tpu.vector_load %arg12[%get3A_500, %get3A_501] {strides = array<i32>} : memref<32x1024xf32, #tpu.memory_space<vmem>>, vector<1x16xf32>,
        %get3A_503 = vector.shape_cast %get3A_502 : vector<1x16xf32> to vector<16xf32>
        %add3A_504 = arith.addf %add3A_499, %get3A_503 : vector<16xf32>
        %swap3A_505 = arith.index_cast %scan3A_395 : i32 to index
        %swap3A_506 = arith.index_cast %mul3A_487 : i32 to index
        %swap3A_507 = tpu.vector_load %arg10[%swap3A_505, %swap3A_506] {strides = array<i32>} : memref<32x1024xf32, #tpu.memory_space<vmem>>, vector<1x16xf32>,
        %swap3A_508 = vector.shape_cast %swap3A_507 : vector<1x16xf32> to vector<16xf32>
        %swap3A_509 = vector.shape_cast %add3A_504 : vector<16xf32> to vector<1x16xf32>
        tpu.vector_store %arg10[%swap3A_505, %swap3A_506], %swap3A_509 {strides = array<i32>} : memref<32x1024xf32, #tpu.memory_space<vmem>>, vector<1x16xf32>,
        %scan3A_510 = arith.constant 0 : i32
        scf.yield %scan3A_510 : i32
      }
      %scan3A_403 = arith.constant 64 : i32
      %scan3A_404 = arith.constant 0 : i32
      scf.yield %scan3A_404 : i32
    }
    %scan3A_243 = arith.constant 32 : i32
    %add3A_244 = arith.constant 128 : i32
    %add3A_245 = arith.addi %mul3A_2, %add3A_244 : i32
    %dma_start3A_246 = arith.constant 0 : i32
    %dma_start3A_247 = tpu.memref_slice %arg7[%add3A_245, %dma_start3A_246] : memref<8192x1024xf32, #tpu.memory_space<hbm>> -> memref<32x1024xf32, #tpu.memory_space<hbm>>
    %dma_start3A_248 = arith.constant 0 : i32
    %dma_start3A_249 = tpu.memref_slice %arg7[%add3A_245, %dma_start3A_248] : memref<8192x1024xf32, #tpu.memory_space<hbm>> -> memref<32x1024xf32, #tpu.memory_space<hbm>>
    tpu.enqueue_dma source(%arg10 : memref<32x1024xf32, #tpu.memory_space<vmem>>) target(%dma_start3A_249 : memref<32x1024xf32, #tpu.memory_space<hbm>>) target_semaphore(%arg16 : memref<!tpu.dma_semaphore, #tpu.memory_space<semaphore_mem>>)
    %dma_wait3A_250 = arith.constant 0 : i32
    %dma_wait3A_251 = tpu.memref_slice %arg7[%add3A_245, %dma_wait3A_250] : memref<8192x1024xf32, #tpu.memory_space<hbm>> -> memref<32x1024xf32, #tpu.memory_space<hbm>>
    %dma_wait3A_252 = arith.constant 0 : i32
    %dma_wait3A_253 = tpu.memref_slice %arg7[%add3A_245, %dma_wait3A_252] : memref<8192x1024xf32, #tpu.memory_space<hbm>> -> memref<32x1024xf32, #tpu.memory_space<hbm>>
    tpu.wait_dma2 semaphore(%arg16 : memref<!tpu.dma_semaphore, #tpu.memory_space<semaphore_mem>>) src(%arg10 : memref<32x1024xf32, #tpu.memory_space<vmem>>) dst(%dma_wait3A_253 : memref<32x1024xf32, #tpu.memory_space<hbm>>)
    %dma_start3A_254 = arith.constant 160 : i32
    %dma_start3A_255 = tpu.memref_slice %arg8[%dma_start3A_254] : memref<256xi32, #tpu.memory_space<vmem>> -> memref<32xi32, #tpu.memory_space<vmem>>
    %dma_start3A_256 = arith.constant 0 : i32
    %dma_start3A_257 = arith.constant 0 : i32
    %dma_start3A_258 = tpu.memref_slice %arg4[%dma_start3A_256, %dma_start3A_257] : memref<100000x1024xf32, #tpu.memory_space<hbm>> -> memref<100000x1024xf32, #tpu.memory_space<hbm>>
    tpu.enqueue_indirect_dma source(%dma_start3A_258 : memref<100000x1024xf32, #tpu.memory_space<hbm>>) target(%arg10 : memref<32x1024xf32, #tpu.memory_space<vmem>>) offsets(%dma_start3A_255 : memref<32xi32, #tpu.memory_space<vmem>>) semaphore(%arg13 : memref<!tpu.dma_semaphore, #tpu.memory_space<semaphore_mem>>)
    %dma_start3A_259 = arith.constant 160 : i32
    %dma_start3A_260 = tpu.memref_slice %arg9[%dma_start3A_259] : memref<256xi32, #tpu.memory_space<vmem>> -> memref<32xi32, #tpu.memory_space<vmem>>
    %dma_start3A_261 = arith.constant 0 : i32
    %dma_start3A_262 = arith.constant 0 : i32
    %dma_start3A_263 = tpu.memref_slice %arg5[%dma_start3A_261, %dma_start3A_262] : memref<3x1024xf32, #tpu.memory_space<hbm>> -> memref<3x1024xf32, #tpu.memory_space<hbm>>
    tpu.enqueue_indirect_dma source(%dma_start3A_263 : memref<3x1024xf32, #tpu.memory_space<hbm>>) target(%arg12 : memref<32x1024xf32, #tpu.memory_space<vmem>>) offsets(%dma_start3A_260 : memref<32xi32, #tpu.memory_space<vmem>>) semaphore(%arg14 : memref<!tpu.dma_semaphore, #tpu.memory_space<semaphore_mem>>)
    %add3A_264 = arith.constant 160 : i32
    %add3A_265 = arith.addi %mul3A_13, %add3A_264 : i32
    %dma_start3A_266 = arith.constant 0 : i32
    %dma_start3A_267 = tpu.memref_slice %arg6[%add3A_265, %dma_start3A_266] : memref<2048x1024xf32, #tpu.memory_space<hbm>> -> memref<32x1024xf32, #tpu.memory_space<hbm>>
    %dma_start3A_268 = arith.constant 0 : i32
    %dma_start3A_269 = tpu.memref_slice %arg6[%add3A_265, %dma_start3A_268] : memref<2048x1024xf32, #tpu.memory_space<hbm>> -> memref<32x1024xf32, #tpu.memory_space<hbm>>
    tpu.enqueue_dma source(%dma_start3A_269 : memref<32x1024xf32, #tpu.memory_space<hbm>>) target(%arg11 : memref<32x1024xf32, #tpu.memory_space<vmem>>) target_semaphore(%arg15 : memref<!tpu.dma_semaphore, #tpu.memory_space<semaphore_mem>>)
    %dma_wait3A_270 = arith.constant 160 : i32
    %dma_wait3A_271 = tpu.memref_slice %arg8[%dma_wait3A_270] : memref<256xi32, #tpu.memory_space<vmem>> -> memref<32xi32, #tpu.memory_space<vmem>>
    %dma_wait3A_272 = arith.constant 0 : i32
    %dma_wait3A_273 = arith.constant 0 : i32
    %dma_wait3A_274 = tpu.memref_slice %arg4[%dma_wait3A_272, %dma_wait3A_273] : memref<100000x1024xf32, #tpu.memory_space<hbm>> -> memref<100000x1024xf32, #tpu.memory_space<hbm>>
    tpu.wait_indirect_dma semaphore(%arg13 : memref<!tpu.dma_semaphore, #tpu.memory_space<semaphore_mem>>) src(%dma_wait3A_274 : memref<100000x1024xf32, #tpu.memory_space<hbm>>) dst(%arg10 : memref<32x1024xf32, #tpu.memory_space<vmem>>)
    %dma_wait3A_275 = arith.constant 160 : i32
    %dma_wait3A_276 = tpu.memref_slice %arg9[%dma_wait3A_275] : memref<256xi32, #tpu.memory_space<vmem>> -> memref<32xi32, #tpu.memory_space<vmem>>
    %dma_wait3A_277 = arith.constant 0 : i32
    %dma_wait3A_278 = arith.constant 0 : i32
    %dma_wait3A_279 = tpu.memref_slice %arg5[%dma_wait3A_277, %dma_wait3A_278] : memref<3x1024xf32, #tpu.memory_space<hbm>> -> memref<3x1024xf32, #tpu.memory_space<hbm>>
    tpu.wait_indirect_dma semaphore(%arg14 : memref<!tpu.dma_semaphore, #tpu.memory_space<semaphore_mem>>) src(%dma_wait3A_279 : memref<3x1024xf32, #tpu.memory_space<hbm>>) dst(%arg12 : memref<32x1024xf32, #tpu.memory_space<vmem>>)
    %dma_wait3A_280 = arith.constant 0 : i32
    %dma_wait3A_281 = tpu.memref_slice %arg6[%add3A_265, %dma_wait3A_280] : memref<2048x1024xf32, #tpu.memory_space<hbm>> -> memref<32x1024xf32, #tpu.memory_space<hbm>>
    %dma_wait3A_282 = arith.constant 0 : i32
    %dma_wait3A_283 = tpu.memref_slice %arg6[%add3A_265, %dma_wait3A_282] : memref<2048x1024xf32, #tpu.memory_space<hbm>> -> memref<32x1024xf32, #tpu.memory_space<hbm>>
    tpu.wait_dma2 semaphore(%arg15 : memref<!tpu.dma_semaphore, #tpu.memory_space<semaphore_mem>>) src(%dma_wait3A_283 : memref<32x1024xf32, #tpu.memory_space<hbm>>) dst(%arg11 : memref<32x1024xf32, #tpu.memory_space<vmem>>)
    %scan3A_284 = arith.constant 0 : i32
    %scan3A_285 = arith.constant 0 : i32
    %scan3A_286 = arith.constant 32 : i32
    %scan3A_287 = arith.addi %scan3A_285, %scan3A_286 : i32
    %scan3A_288 = arith.constant 1 : i32
    %scan3A_289 = scf.for %scan3A_395 = %scan3A_285 to %scan3A_287 step %scan3A_288 iter_args(%scan3A_396 = %scan3A_284) -> (i32)  : i32 {
      %scan3A_397 = arith.constant 0 : i32
      %scan3A_398 = arith.constant 0 : i32
      %scan3A_399 = arith.constant 64 : i32
      %scan3A_400 = arith.addi %scan3A_398, %scan3A_399 : i32
      %scan3A_401 = arith.constant 4 : i32
      %scan3A_402 = scf.for %scan3A_405 = %scan3A_398 to %scan3A_400 step %scan3A_401 iter_args(%scan3A_406 = %scan3A_397) -> (i32)  : i32 {
        %mul3A_407 = arith.constant 16 : i32
        %mul3A_408 = arith.muli %scan3A_405, %mul3A_407 : i32
        %get3A = arith.index_cast %scan3A_395 : i32 to index
        %get3A_409 = arith.index_cast %mul3A_408 : i32 to index
        %get3A_410 = tpu.vector_load %arg10[%get3A, %get3A_409] {strides = array<i32>} : memref<32x1024xf32, #tpu.memory_space<vmem>>, vector<1x16xf32>,
        %get3A_411 = vector.shape_cast %get3A_410 : vector<1x16xf32> to vector<16xf32>
        %mul3A_412 = arith.constant 3.200000e+01 : f32
        %mul3A_413 = vector.broadcast %mul3A_412 : f32 to vector<16xf32>
        %mul3A_414 = arith.mulf %get3A_411, %mul3A_413 : vector<16xf32>
        %get3A_415 = arith.index_cast %scan3A_395 : i32 to index
        %get3A_416 = arith.index_cast %mul3A_408 : i32 to index
        %get3A_417 = tpu.vector_load %arg11[%get3A_415, %get3A_416] {strides = array<i32>} : memref<32x1024xf32, #tpu.memory_space<vmem>>, vector<1x16xf32>,
        %get3A_418 = vector.shape_cast %get3A_417 : vector<1x16xf32> to vector<16xf32>
        %add3A_419 = arith.addf %mul3A_414, %get3A_418 : vector<16xf32>
        %get3A_420 = arith.index_cast %scan3A_395 : i32 to index
        %get3A_421 = arith.index_cast %mul3A_408 : i32 to index
        %get3A_422 = tpu.vector_load %arg12[%get3A_420, %get3A_421] {strides = array<i32>} : memref<32x1024xf32, #tpu.memory_space<vmem>>, vector<1x16xf32>,
        %get3A_423 = vector.shape_cast %get3A_422 : vector<1x16xf32> to vector<16xf32>
        %add3A_424 = arith.addf %add3A_419, %get3A_423 : vector<16xf32>
        %swap3A = arith.index_cast %scan3A_395 : i32 to index
        %swap3A_425 = arith.index_cast %mul3A_408 : i32 to index
        %swap3A_426 = tpu.vector_load %arg10[%swap3A, %swap3A_425] {strides = array<i32>} : memref<32x1024xf32, #tpu.memory_space<vmem>>, vector<1x16xf32>,
        %swap3A_427 = vector.shape_cast %swap3A_426 : vector<1x16xf32> to vector<16xf32>
        %swap3A_428 = vector.shape_cast %add3A_424 : vector<16xf32> to vector<1x16xf32>
        tpu.vector_store %arg10[%swap3A, %swap3A_425], %swap3A_428 {strides = array<i32>} : memref<32x1024xf32, #tpu.memory_space<vmem>>, vector<1x16xf32>,
        %scan3A_429 = arith.constant 0 : i32
        %scan3A_430 = arith.constant 1 : i32
        %scan3A_431 = arith.addi %scan3A_405, %scan3A_430 : i32
        %mul3A_432 = arith.constant 16 : i32
        %mul3A_433 = arith.muli %scan3A_431, %mul3A_432 : i32
        %get3A_434 = arith.index_cast %scan3A_395 : i32 to index
        %get3A_435 = arith.index_cast %mul3A_433 : i32 to index
        %get3A_436 = tpu.vector_load %arg10[%get3A_434, %get3A_435] {strides = array<i32>} : memref<32x1024xf32, #tpu.memory_space<vmem>>, vector<1x16xf32>,
        %get3A_437 = vector.shape_cast %get3A_436 : vector<1x16xf32> to vector<16xf32>
        %mul3A_438 = arith.constant 3.200000e+01 : f32
        %mul3A_439 = vector.broadcast %mul3A_438 : f32 to vector<16xf32>
        %mul3A_440 = arith.mulf %get3A_437, %mul3A_439 : vector<16xf32>
        %get3A_441 = arith.index_cast %scan3A_395 : i32 to index
        %get3A_442 = arith.index_cast %mul3A_433 : i32 to index
        %get3A_443 = tpu.vector_load %arg11[%get3A_441, %get3A_442] {strides = array<i32>} : memref<32x1024xf32, #tpu.memory_space<vmem>>, vector<1x16xf32>,
        %get3A_444 = vector.shape_cast %get3A_443 : vector<1x16xf32> to vector<16xf32>
        %add3A_445 = arith.addf %mul3A_440, %get3A_444 : vector<16xf32>
        %get3A_446 = arith.index_cast %scan3A_395 : i32 to index
        %get3A_447 = arith.index_cast %mul3A_433 : i32 to index
        %get3A_448 = tpu.vector_load %arg12[%get3A_446, %get3A_447] {strides = array<i32>} : memref<32x1024xf32, #tpu.memory_space<vmem>>, vector<1x16xf32>,
        %get3A_449 = vector.shape_cast %get3A_448 : vector<1x16xf32> to vector<16xf32>
        %add3A_450 = arith.addf %add3A_445, %get3A_449 : vector<16xf32>
        %swap3A_451 = arith.index_cast %scan3A_395 : i32 to index
        %swap3A_452 = arith.index_cast %mul3A_433 : i32 to index
        %swap3A_453 = tpu.vector_load %arg10[%swap3A_451, %swap3A_452] {strides = array<i32>} : memref<32x1024xf32, #tpu.memory_space<vmem>>, vector<1x16xf32>,
        %swap3A_454 = vector.shape_cast %swap3A_453 : vector<1x16xf32> to vector<16xf32>
        %swap3A_455 = vector.shape_cast %add3A_450 : vector<16xf32> to vector<1x16xf32>
        tpu.vector_store %arg10[%swap3A_451, %swap3A_452], %swap3A_455 {strides = array<i32>} : memref<32x1024xf32, #tpu.memory_space<vmem>>, vector<1x16xf32>,
        %scan3A_456 = arith.constant 0 : i32
        %scan3A_457 = arith.constant 2 : i32
        %scan3A_458 = arith.addi %scan3A_405, %scan3A_457 : i32
        %mul3A_459 = arith.constant 16 : i32
        %mul3A_460 = arith.muli %scan3A_458, %mul3A_459 : i32
        %get3A_461 = arith.index_cast %scan3A_395 : i32 to index
        %get3A_462 = arith.index_cast %mul3A_460 : i32 to index
        %get3A_463 = tpu.vector_load %arg10[%get3A_461, %get3A_462] {strides = array<i32>} : memref<32x1024xf32, #tpu.memory_space<vmem>>, vector<1x16xf32>,
        %get3A_464 = vector.shape_cast %get3A_463 : vector<1x16xf32> to vector<16xf32>
        %mul3A_465 = arith.constant 3.200000e+01 : f32
        %mul3A_466 = vector.broadcast %mul3A_465 : f32 to vector<16xf32>
        %mul3A_467 = arith.mulf %get3A_464, %mul3A_466 : vector<16xf32>
        %get3A_468 = arith.index_cast %scan3A_395 : i32 to index
        %get3A_469 = arith.index_cast %mul3A_460 : i32 to index
        %get3A_470 = tpu.vector_load %arg11[%get3A_468, %get3A_469] {strides = array<i32>} : memref<32x1024xf32, #tpu.memory_space<vmem>>, vector<1x16xf32>,
        %get3A_471 = vector.shape_cast %get3A_470 : vector<1x16xf32> to vector<16xf32>
        %add3A_472 = arith.addf %mul3A_467, %get3A_471 : vector<16xf32>
        %get3A_473 = arith.index_cast %scan3A_395 : i32 to index
        %get3A_474 = arith.index_cast %mul3A_460 : i32 to index
        %get3A_475 = tpu.vector_load %arg12[%get3A_473, %get3A_474] {strides = array<i32>} : memref<32x1024xf32, #tpu.memory_space<vmem>>, vector<1x16xf32>,
        %get3A_476 = vector.shape_cast %get3A_475 : vector<1x16xf32> to vector<16xf32>
        %add3A_477 = arith.addf %add3A_472, %get3A_476 : vector<16xf32>
        %swap3A_478 = arith.index_cast %scan3A_395 : i32 to index
        %swap3A_479 = arith.index_cast %mul3A_460 : i32 to index
        %swap3A_480 = tpu.vector_load %arg10[%swap3A_478, %swap3A_479] {strides = array<i32>} : memref<32x1024xf32, #tpu.memory_space<vmem>>, vector<1x16xf32>,
        %swap3A_481 = vector.shape_cast %swap3A_480 : vector<1x16xf32> to vector<16xf32>
        %swap3A_482 = vector.shape_cast %add3A_477 : vector<16xf32> to vector<1x16xf32>
        tpu.vector_store %arg10[%swap3A_478, %swap3A_479], %swap3A_482 {strides = array<i32>} : memref<32x1024xf32, #tpu.memory_space<vmem>>, vector<1x16xf32>,
        %scan3A_483 = arith.constant 0 : i32
        %scan3A_484 = arith.constant 3 : i32
        %scan3A_485 = arith.addi %scan3A_405, %scan3A_484 : i32
        %mul3A_486 = arith.constant 16 : i32
        %mul3A_487 = arith.muli %scan3A_485, %mul3A_486 : i32
        %get3A_488 = arith.index_cast %scan3A_395 : i32 to index
        %get3A_489 = arith.index_cast %mul3A_487 : i32 to index
        %get3A_490 = tpu.vector_load %arg10[%get3A_488, %get3A_489] {strides = array<i32>} : memref<32x1024xf32, #tpu.memory_space<vmem>>, vector<1x16xf32>,
        %get3A_491 = vector.shape_cast %get3A_490 : vector<1x16xf32> to vector<16xf32>
        %mul3A_492 = arith.constant 3.200000e+01 : f32
        %mul3A_493 = vector.broadcast %mul3A_492 : f32 to vector<16xf32>
        %mul3A_494 = arith.mulf %get3A_491, %mul3A_493 : vector<16xf32>
        %get3A_495 = arith.index_cast %scan3A_395 : i32 to index
        %get3A_496 = arith.index_cast %mul3A_487 : i32 to index
        %get3A_497 = tpu.vector_load %arg11[%get3A_495, %get3A_496] {strides = array<i32>} : memref<32x1024xf32, #tpu.memory_space<vmem>>, vector<1x16xf32>,
        %get3A_498 = vector.shape_cast %get3A_497 : vector<1x16xf32> to vector<16xf32>
        %add3A_499 = arith.addf %mul3A_494, %get3A_498 : vector<16xf32>
        %get3A_500 = arith.index_cast %scan3A_395 : i32 to index
        %get3A_501 = arith.index_cast %mul3A_487 : i32 to index
        %get3A_502 = tpu.vector_load %arg12[%get3A_500, %get3A_501] {strides = array<i32>} : memref<32x1024xf32, #tpu.memory_space<vmem>>, vector<1x16xf32>,
        %get3A_503 = vector.shape_cast %get3A_502 : vector<1x16xf32> to vector<16xf32>
        %add3A_504 = arith.addf %add3A_499, %get3A_503 : vector<16xf32>
        %swap3A_505 = arith.index_cast %scan3A_395 : i32 to index
        %swap3A_506 = arith.index_cast %mul3A_487 : i32 to index
        %swap3A_507 = tpu.vector_load %arg10[%swap3A_505, %swap3A_506] {strides = array<i32>} : memref<32x1024xf32, #tpu.memory_space<vmem>>, vector<1x16xf32>,
        %swap3A_508 = vector.shape_cast %swap3A_507 : vector<1x16xf32> to vector<16xf32>
        %swap3A_509 = vector.shape_cast %add3A_504 : vector<16xf32> to vector<1x16xf32>
        tpu.vector_store %arg10[%swap3A_505, %swap3A_506], %swap3A_509 {strides = array<i32>} : memref<32x1024xf32, #tpu.memory_space<vmem>>, vector<1x16xf32>,
        %scan3A_510 = arith.constant 0 : i32
        scf.yield %scan3A_510 : i32
      }
      %scan3A_403 = arith.constant 64 : i32
      %scan3A_404 = arith.constant 0 : i32
      scf.yield %scan3A_404 : i32
    }
    %scan3A_290 = arith.constant 32 : i32
    %add3A_291 = arith.constant 160 : i32
    %add3A_292 = arith.addi %mul3A_2, %add3A_291 : i32
    %dma_start3A_293 = arith.constant 0 : i32
    %dma_start3A_294 = tpu.memref_slice %arg7[%add3A_292, %dma_start3A_293] : memref<8192x1024xf32, #tpu.memory_space<hbm>> -> memref<32x1024xf32, #tpu.memory_space<hbm>>
    %dma_start3A_295 = arith.constant 0 : i32
    %dma_start3A_296 = tpu.memref_slice %arg7[%add3A_292, %dma_start3A_295] : memref<8192x1024xf32, #tpu.memory_space<hbm>> -> memref<32x1024xf32, #tpu.memory_space<hbm>>
    tpu.enqueue_dma source(%arg10 : memref<32x1024xf32, #tpu.memory_space<vmem>>) target(%dma_start3A_296 : memref<32x1024xf32, #tpu.memory_space<hbm>>) target_semaphore(%arg16 : memref<!tpu.dma_semaphore, #tpu.memory_space<semaphore_mem>>)
    %dma_wait3A_297 = arith.constant 0 : i32
    %dma_wait3A_298 = tpu.memref_slice %arg7[%add3A_292, %dma_wait3A_297] : memref<8192x1024xf32, #tpu.memory_space<hbm>> -> memref<32x1024xf32, #tpu.memory_space<hbm>>
    %dma_wait3A_299 = arith.constant 0 : i32
    %dma_wait3A_300 = tpu.memref_slice %arg7[%add3A_292, %dma_wait3A_299] : memref<8192x1024xf32, #tpu.memory_space<hbm>> -> memref<32x1024xf32, #tpu.memory_space<hbm>>
    tpu.wait_dma2 semaphore(%arg16 : memref<!tpu.dma_semaphore, #tpu.memory_space<semaphore_mem>>) src(%arg10 : memref<32x1024xf32, #tpu.memory_space<vmem>>) dst(%dma_wait3A_300 : memref<32x1024xf32, #tpu.memory_space<hbm>>)
    %dma_start3A_301 = arith.constant 192 : i32
    %dma_start3A_302 = tpu.memref_slice %arg8[%dma_start3A_301] : memref<256xi32, #tpu.memory_space<vmem>> -> memref<32xi32, #tpu.memory_space<vmem>>
    %dma_start3A_303 = arith.constant 0 : i32
    %dma_start3A_304 = arith.constant 0 : i32
    %dma_start3A_305 = tpu.memref_slice %arg4[%dma_start3A_303, %dma_start3A_304] : memref<100000x1024xf32, #tpu.memory_space<hbm>> -> memref<100000x1024xf32, #tpu.memory_space<hbm>>
    tpu.enqueue_indirect_dma source(%dma_start3A_305 : memref<100000x1024xf32, #tpu.memory_space<hbm>>) target(%arg10 : memref<32x1024xf32, #tpu.memory_space<vmem>>) offsets(%dma_start3A_302 : memref<32xi32, #tpu.memory_space<vmem>>) semaphore(%arg13 : memref<!tpu.dma_semaphore, #tpu.memory_space<semaphore_mem>>)
    %dma_start3A_306 = arith.constant 192 : i32
    %dma_start3A_307 = tpu.memref_slice %arg9[%dma_start3A_306] : memref<256xi32, #tpu.memory_space<vmem>> -> memref<32xi32, #tpu.memory_space<vmem>>
    %dma_start3A_308 = arith.constant 0 : i32
    %dma_start3A_309 = arith.constant 0 : i32
    %dma_start3A_310 = tpu.memref_slice %arg5[%dma_start3A_308, %dma_start3A_309] : memref<3x1024xf32, #tpu.memory_space<hbm>> -> memref<3x1024xf32, #tpu.memory_space<hbm>>
    tpu.enqueue_indirect_dma source(%dma_start3A_310 : memref<3x1024xf32, #tpu.memory_space<hbm>>) target(%arg12 : memref<32x1024xf32, #tpu.memory_space<vmem>>) offsets(%dma_start3A_307 : memref<32xi32, #tpu.memory_space<vmem>>) semaphore(%arg14 : memref<!tpu.dma_semaphore, #tpu.memory_space<semaphore_mem>>)
    %add3A_311 = arith.constant 192 : i32
    %add3A_312 = arith.addi %mul3A_13, %add3A_311 : i32
    %dma_start3A_313 = arith.constant 0 : i32
    %dma_start3A_314 = tpu.memref_slice %arg6[%add3A_312, %dma_start3A_313] : memref<2048x1024xf32, #tpu.memory_space<hbm>> -> memref<32x1024xf32, #tpu.memory_space<hbm>>
    %dma_start3A_315 = arith.constant 0 : i32
    %dma_start3A_316 = tpu.memref_slice %arg6[%add3A_312, %dma_start3A_315] : memref<2048x1024xf32, #tpu.memory_space<hbm>> -> memref<32x1024xf32, #tpu.memory_space<hbm>>
    tpu.enqueue_dma source(%dma_start3A_316 : memref<32x1024xf32, #tpu.memory_space<hbm>>) target(%arg11 : memref<32x1024xf32, #tpu.memory_space<vmem>>) target_semaphore(%arg15 : memref<!tpu.dma_semaphore, #tpu.memory_space<semaphore_mem>>)
    %dma_wait3A_317 = arith.constant 192 : i32
    %dma_wait3A_318 = tpu.memref_slice %arg8[%dma_wait3A_317] : memref<256xi32, #tpu.memory_space<vmem>> -> memref<32xi32, #tpu.memory_space<vmem>>
    %dma_wait3A_319 = arith.constant 0 : i32
    %dma_wait3A_320 = arith.constant 0 : i32
    %dma_wait3A_321 = tpu.memref_slice %arg4[%dma_wait3A_319, %dma_wait3A_320] : memref<100000x1024xf32, #tpu.memory_space<hbm>> -> memref<100000x1024xf32, #tpu.memory_space<hbm>>
    tpu.wait_indirect_dma semaphore(%arg13 : memref<!tpu.dma_semaphore, #tpu.memory_space<semaphore_mem>>) src(%dma_wait3A_321 : memref<100000x1024xf32, #tpu.memory_space<hbm>>) dst(%arg10 : memref<32x1024xf32, #tpu.memory_space<vmem>>)
    %dma_wait3A_322 = arith.constant 192 : i32
    %dma_wait3A_323 = tpu.memref_slice %arg9[%dma_wait3A_322] : memref<256xi32, #tpu.memory_space<vmem>> -> memref<32xi32, #tpu.memory_space<vmem>>
    %dma_wait3A_324 = arith.constant 0 : i32
    %dma_wait3A_325 = arith.constant 0 : i32
    %dma_wait3A_326 = tpu.memref_slice %arg5[%dma_wait3A_324, %dma_wait3A_325] : memref<3x1024xf32, #tpu.memory_space<hbm>> -> memref<3x1024xf32, #tpu.memory_space<hbm>>
    tpu.wait_indirect_dma semaphore(%arg14 : memref<!tpu.dma_semaphore, #tpu.memory_space<semaphore_mem>>) src(%dma_wait3A_326 : memref<3x1024xf32, #tpu.memory_space<hbm>>) dst(%arg12 : memref<32x1024xf32, #tpu.memory_space<vmem>>)
    %dma_wait3A_327 = arith.constant 0 : i32
    %dma_wait3A_328 = tpu.memref_slice %arg6[%add3A_312, %dma_wait3A_327] : memref<2048x1024xf32, #tpu.memory_space<hbm>> -> memref<32x1024xf32, #tpu.memory_space<hbm>>
    %dma_wait3A_329 = arith.constant 0 : i32
    %dma_wait3A_330 = tpu.memref_slice %arg6[%add3A_312, %dma_wait3A_329] : memref<2048x1024xf32, #tpu.memory_space<hbm>> -> memref<32x1024xf32, #tpu.memory_space<hbm>>
    tpu.wait_dma2 semaphore(%arg15 : memref<!tpu.dma_semaphore, #tpu.memory_space<semaphore_mem>>) src(%dma_wait3A_330 : memref<32x1024xf32, #tpu.memory_space<hbm>>) dst(%arg11 : memref<32x1024xf32, #tpu.memory_space<vmem>>)
    %scan3A_331 = arith.constant 0 : i32
    %scan3A_332 = arith.constant 0 : i32
    %scan3A_333 = arith.constant 32 : i32
    %scan3A_334 = arith.addi %scan3A_332, %scan3A_333 : i32
    %scan3A_335 = arith.constant 1 : i32
    %scan3A_336 = scf.for %scan3A_395 = %scan3A_332 to %scan3A_334 step %scan3A_335 iter_args(%scan3A_396 = %scan3A_331) -> (i32)  : i32 {
      %scan3A_397 = arith.constant 0 : i32
      %scan3A_398 = arith.constant 0 : i32
      %scan3A_399 = arith.constant 64 : i32
      %scan3A_400 = arith.addi %scan3A_398, %scan3A_399 : i32
      %scan3A_401 = arith.constant 4 : i32
      %scan3A_402 = scf.for %scan3A_405 = %scan3A_398 to %scan3A_400 step %scan3A_401 iter_args(%scan3A_406 = %scan3A_397) -> (i32)  : i32 {
        %mul3A_407 = arith.constant 16 : i32
        %mul3A_408 = arith.muli %scan3A_405, %mul3A_407 : i32
        %get3A = arith.index_cast %scan3A_395 : i32 to index
        %get3A_409 = arith.index_cast %mul3A_408 : i32 to index
        %get3A_410 = tpu.vector_load %arg10[%get3A, %get3A_409] {strides = array<i32>} : memref<32x1024xf32, #tpu.memory_space<vmem>>, vector<1x16xf32>,
        %get3A_411 = vector.shape_cast %get3A_410 : vector<1x16xf32> to vector<16xf32>
        %mul3A_412 = arith.constant 3.200000e+01 : f32
        %mul3A_413 = vector.broadcast %mul3A_412 : f32 to vector<16xf32>
        %mul3A_414 = arith.mulf %get3A_411, %mul3A_413 : vector<16xf32>
        %get3A_415 = arith.index_cast %scan3A_395 : i32 to index
        %get3A_416 = arith.index_cast %mul3A_408 : i32 to index
        %get3A_417 = tpu.vector_load %arg11[%get3A_415, %get3A_416] {strides = array<i32>} : memref<32x1024xf32, #tpu.memory_space<vmem>>, vector<1x16xf32>,
        %get3A_418 = vector.shape_cast %get3A_417 : vector<1x16xf32> to vector<16xf32>
        %add3A_419 = arith.addf %mul3A_414, %get3A_418 : vector<16xf32>
        %get3A_420 = arith.index_cast %scan3A_395 : i32 to index
        %get3A_421 = arith.index_cast %mul3A_408 : i32 to index
        %get3A_422 = tpu.vector_load %arg12[%get3A_420, %get3A_421] {strides = array<i32>} : memref<32x1024xf32, #tpu.memory_space<vmem>>, vector<1x16xf32>,
        %get3A_423 = vector.shape_cast %get3A_422 : vector<1x16xf32> to vector<16xf32>
        %add3A_424 = arith.addf %add3A_419, %get3A_423 : vector<16xf32>
        %swap3A = arith.index_cast %scan3A_395 : i32 to index
        %swap3A_425 = arith.index_cast %mul3A_408 : i32 to index
        %swap3A_426 = tpu.vector_load %arg10[%swap3A, %swap3A_425] {strides = array<i32>} : memref<32x1024xf32, #tpu.memory_space<vmem>>, vector<1x16xf32>,
        %swap3A_427 = vector.shape_cast %swap3A_426 : vector<1x16xf32> to vector<16xf32>
        %swap3A_428 = vector.shape_cast %add3A_424 : vector<16xf32> to vector<1x16xf32>
        tpu.vector_store %arg10[%swap3A, %swap3A_425], %swap3A_428 {strides = array<i32>} : memref<32x1024xf32, #tpu.memory_space<vmem>>, vector<1x16xf32>,
        %scan3A_429 = arith.constant 0 : i32
        %scan3A_430 = arith.constant 1 : i32
        %scan3A_431 = arith.addi %scan3A_405, %scan3A_430 : i32
        %mul3A_432 = arith.constant 16 : i32
        %mul3A_433 = arith.muli %scan3A_431, %mul3A_432 : i32
        %get3A_434 = arith.index_cast %scan3A_395 : i32 to index
        %get3A_435 = arith.index_cast %mul3A_433 : i32 to index
        %get3A_436 = tpu.vector_load %arg10[%get3A_434, %get3A_435] {strides = array<i32>} : memref<32x1024xf32, #tpu.memory_space<vmem>>, vector<1x16xf32>,
        %get3A_437 = vector.shape_cast %get3A_436 : vector<1x16xf32> to vector<16xf32>
        %mul3A_438 = arith.constant 3.200000e+01 : f32
        %mul3A_439 = vector.broadcast %mul3A_438 : f32 to vector<16xf32>
        %mul3A_440 = arith.mulf %get3A_437, %mul3A_439 : vector<16xf32>
        %get3A_441 = arith.index_cast %scan3A_395 : i32 to index
        %get3A_442 = arith.index_cast %mul3A_433 : i32 to index
        %get3A_443 = tpu.vector_load %arg11[%get3A_441, %get3A_442] {strides = array<i32>} : memref<32x1024xf32, #tpu.memory_space<vmem>>, vector<1x16xf32>,
        %get3A_444 = vector.shape_cast %get3A_443 : vector<1x16xf32> to vector<16xf32>
        %add3A_445 = arith.addf %mul3A_440, %get3A_444 : vector<16xf32>
        %get3A_446 = arith.index_cast %scan3A_395 : i32 to index
        %get3A_447 = arith.index_cast %mul3A_433 : i32 to index
        %get3A_448 = tpu.vector_load %arg12[%get3A_446, %get3A_447] {strides = array<i32>} : memref<32x1024xf32, #tpu.memory_space<vmem>>, vector<1x16xf32>,
        %get3A_449 = vector.shape_cast %get3A_448 : vector<1x16xf32> to vector<16xf32>
        %add3A_450 = arith.addf %add3A_445, %get3A_449 : vector<16xf32>
        %swap3A_451 = arith.index_cast %scan3A_395 : i32 to index
        %swap3A_452 = arith.index_cast %mul3A_433 : i32 to index
        %swap3A_453 = tpu.vector_load %arg10[%swap3A_451, %swap3A_452] {strides = array<i32>} : memref<32x1024xf32, #tpu.memory_space<vmem>>, vector<1x16xf32>,
        %swap3A_454 = vector.shape_cast %swap3A_453 : vector<1x16xf32> to vector<16xf32>
        %swap3A_455 = vector.shape_cast %add3A_450 : vector<16xf32> to vector<1x16xf32>
        tpu.vector_store %arg10[%swap3A_451, %swap3A_452], %swap3A_455 {strides = array<i32>} : memref<32x1024xf32, #tpu.memory_space<vmem>>, vector<1x16xf32>,
        %scan3A_456 = arith.constant 0 : i32
        %scan3A_457 = arith.constant 2 : i32
        %scan3A_458 = arith.addi %scan3A_405, %scan3A_457 : i32
        %mul3A_459 = arith.constant 16 : i32
        %mul3A_460 = arith.muli %scan3A_458, %mul3A_459 : i32
        %get3A_461 = arith.index_cast %scan3A_395 : i32 to index
        %get3A_462 = arith.index_cast %mul3A_460 : i32 to index
        %get3A_463 = tpu.vector_load %arg10[%get3A_461, %get3A_462] {strides = array<i32>} : memref<32x1024xf32, #tpu.memory_space<vmem>>, vector<1x16xf32>,
        %get3A_464 = vector.shape_cast %get3A_463 : vector<1x16xf32> to vector<16xf32>
        %mul3A_465 = arith.constant 3.200000e+01 : f32
        %mul3A_466 = vector.broadcast %mul3A_465 : f32 to vector<16xf32>
        %mul3A_467 = arith.mulf %get3A_464, %mul3A_466 : vector<16xf32>
        %get3A_468 = arith.index_cast %scan3A_395 : i32 to index
        %get3A_469 = arith.index_cast %mul3A_460 : i32 to index
        %get3A_470 = tpu.vector_load %arg11[%get3A_468, %get3A_469] {strides = array<i32>} : memref<32x1024xf32, #tpu.memory_space<vmem>>, vector<1x16xf32>,
        %get3A_471 = vector.shape_cast %get3A_470 : vector<1x16xf32> to vector<16xf32>
        %add3A_472 = arith.addf %mul3A_467, %get3A_471 : vector<16xf32>
        %get3A_473 = arith.index_cast %scan3A_395 : i32 to index
        %get3A_474 = arith.index_cast %mul3A_460 : i32 to index
        %get3A_475 = tpu.vector_load %arg12[%get3A_473, %get3A_474] {strides = array<i32>} : memref<32x1024xf32, #tpu.memory_space<vmem>>, vector<1x16xf32>,
        %get3A_476 = vector.shape_cast %get3A_475 : vector<1x16xf32> to vector<16xf32>
        %add3A_477 = arith.addf %add3A_472, %get3A_476 : vector<16xf32>
        %swap3A_478 = arith.index_cast %scan3A_395 : i32 to index
        %swap3A_479 = arith.index_cast %mul3A_460 : i32 to index
        %swap3A_480 = tpu.vector_load %arg10[%swap3A_478, %swap3A_479] {strides = array<i32>} : memref<32x1024xf32, #tpu.memory_space<vmem>>, vector<1x16xf32>,
        %swap3A_481 = vector.shape_cast %swap3A_480 : vector<1x16xf32> to vector<16xf32>
        %swap3A_482 = vector.shape_cast %add3A_477 : vector<16xf32> to vector<1x16xf32>
        tpu.vector_store %arg10[%swap3A_478, %swap3A_479], %swap3A_482 {strides = array<i32>} : memref<32x1024xf32, #tpu.memory_space<vmem>>, vector<1x16xf32>,
        %scan3A_483 = arith.constant 0 : i32
        %scan3A_484 = arith.constant 3 : i32
        %scan3A_485 = arith.addi %scan3A_405, %scan3A_484 : i32
        %mul3A_486 = arith.constant 16 : i32
        %mul3A_487 = arith.muli %scan3A_485, %mul3A_486 : i32
        %get3A_488 = arith.index_cast %scan3A_395 : i32 to index
        %get3A_489 = arith.index_cast %mul3A_487 : i32 to index
        %get3A_490 = tpu.vector_load %arg10[%get3A_488, %get3A_489] {strides = array<i32>} : memref<32x1024xf32, #tpu.memory_space<vmem>>, vector<1x16xf32>,
        %get3A_491 = vector.shape_cast %get3A_490 : vector<1x16xf32> to vector<16xf32>
        %mul3A_492 = arith.constant 3.200000e+01 : f32
        %mul3A_493 = vector.broadcast %mul3A_492 : f32 to vector<16xf32>
        %mul3A_494 = arith.mulf %get3A_491, %mul3A_493 : vector<16xf32>
        %get3A_495 = arith.index_cast %scan3A_395 : i32 to index
        %get3A_496 = arith.index_cast %mul3A_487 : i32 to index
        %get3A_497 = tpu.vector_load %arg11[%get3A_495, %get3A_496] {strides = array<i32>} : memref<32x1024xf32, #tpu.memory_space<vmem>>, vector<1x16xf32>,
        %get3A_498 = vector.shape_cast %get3A_497 : vector<1x16xf32> to vector<16xf32>
        %add3A_499 = arith.addf %mul3A_494, %get3A_498 : vector<16xf32>
        %get3A_500 = arith.index_cast %scan3A_395 : i32 to index
        %get3A_501 = arith.index_cast %mul3A_487 : i32 to index
        %get3A_502 = tpu.vector_load %arg12[%get3A_500, %get3A_501] {strides = array<i32>} : memref<32x1024xf32, #tpu.memory_space<vmem>>, vector<1x16xf32>,
        %get3A_503 = vector.shape_cast %get3A_502 : vector<1x16xf32> to vector<16xf32>
        %add3A_504 = arith.addf %add3A_499, %get3A_503 : vector<16xf32>
        %swap3A_505 = arith.index_cast %scan3A_395 : i32 to index
        %swap3A_506 = arith.index_cast %mul3A_487 : i32 to index
        %swap3A_507 = tpu.vector_load %arg10[%swap3A_505, %swap3A_506] {strides = array<i32>} : memref<32x1024xf32, #tpu.memory_space<vmem>>, vector<1x16xf32>,
        %swap3A_508 = vector.shape_cast %swap3A_507 : vector<1x16xf32> to vector<16xf32>
        %swap3A_509 = vector.shape_cast %add3A_504 : vector<16xf32> to vector<1x16xf32>
        tpu.vector_store %arg10[%swap3A_505, %swap3A_506], %swap3A_509 {strides = array<i32>} : memref<32x1024xf32, #tpu.memory_space<vmem>>, vector<1x16xf32>,
        %scan3A_510 = arith.constant 0 : i32
        scf.yield %scan3A_510 : i32
      }
      %scan3A_403 = arith.constant 64 : i32
      %scan3A_404 = arith.constant 0 : i32
      scf.yield %scan3A_404 : i32
    }
    %scan3A_337 = arith.constant 32 : i32
    %add3A_338 = arith.constant 192 : i32
    %add3A_339 = arith.addi %mul3A_2, %add3A_338 : i32
    %dma_start3A_340 = arith.constant 0 : i32
    %dma_start3A_341 = tpu.memref_slice %arg7[%add3A_339, %dma_start3A_340] : memref<8192x1024xf32, #tpu.memory_space<hbm>> -> memref<32x1024xf32, #tpu.memory_space<hbm>>
    %dma_start3A_342 = arith.constant 0 : i32
    %dma_start3A_343 = tpu.memref_slice %arg7[%add3A_339, %dma_start3A_342] : memref<8192x1024xf32, #tpu.memory_space<hbm>> -> memref<32x1024xf32, #tpu.memory_space<hbm>>
    tpu.enqueue_dma source(%arg10 : memref<32x1024xf32, #tpu.memory_space<vmem>>) target(%dma_start3A_343 : memref<32x1024xf32, #tpu.memory_space<hbm>>) target_semaphore(%arg16 : memref<!tpu.dma_semaphore, #tpu.memory_space<semaphore_mem>>)
    %dma_wait3A_344 = arith.constant 0 : i32
    %dma_wait3A_345 = tpu.memref_slice %arg7[%add3A_339, %dma_wait3A_344] : memref<8192x1024xf32, #tpu.memory_space<hbm>> -> memref<32x1024xf32, #tpu.memory_space<hbm>>
    %dma_wait3A_346 = arith.constant 0 : i32
    %dma_wait3A_347 = tpu.memref_slice %arg7[%add3A_339, %dma_wait3A_346] : memref<8192x1024xf32, #tpu.memory_space<hbm>> -> memref<32x1024xf32, #tpu.memory_space<hbm>>
    tpu.wait_dma2 semaphore(%arg16 : memref<!tpu.dma_semaphore, #tpu.memory_space<semaphore_mem>>) src(%arg10 : memref<32x1024xf32, #tpu.memory_space<vmem>>) dst(%dma_wait3A_347 : memref<32x1024xf32, #tpu.memory_space<hbm>>)
    %dma_start3A_348 = arith.constant 224 : i32
    %dma_start3A_349 = tpu.memref_slice %arg8[%dma_start3A_348] : memref<256xi32, #tpu.memory_space<vmem>> -> memref<32xi32, #tpu.memory_space<vmem>>
    %dma_start3A_350 = arith.constant 0 : i32
    %dma_start3A_351 = arith.constant 0 : i32
    %dma_start3A_352 = tpu.memref_slice %arg4[%dma_start3A_350, %dma_start3A_351] : memref<100000x1024xf32, #tpu.memory_space<hbm>> -> memref<100000x1024xf32, #tpu.memory_space<hbm>>
    tpu.enqueue_indirect_dma source(%dma_start3A_352 : memref<100000x1024xf32, #tpu.memory_space<hbm>>) target(%arg10 : memref<32x1024xf32, #tpu.memory_space<vmem>>) offsets(%dma_start3A_349 : memref<32xi32, #tpu.memory_space<vmem>>) semaphore(%arg13 : memref<!tpu.dma_semaphore, #tpu.memory_space<semaphore_mem>>)
    %dma_start3A_353 = arith.constant 224 : i32
    %dma_start3A_354 = tpu.memref_slice %arg9[%dma_start3A_353] : memref<256xi32, #tpu.memory_space<vmem>> -> memref<32xi32, #tpu.memory_space<vmem>>
    %dma_start3A_355 = arith.constant 0 : i32
    %dma_start3A_356 = arith.constant 0 : i32
    %dma_start3A_357 = tpu.memref_slice %arg5[%dma_start3A_355, %dma_start3A_356] : memref<3x1024xf32, #tpu.memory_space<hbm>> -> memref<3x1024xf32, #tpu.memory_space<hbm>>
    tpu.enqueue_indirect_dma source(%dma_start3A_357 : memref<3x1024xf32, #tpu.memory_space<hbm>>) target(%arg12 : memref<32x1024xf32, #tpu.memory_space<vmem>>) offsets(%dma_start3A_354 : memref<32xi32, #tpu.memory_space<vmem>>) semaphore(%arg14 : memref<!tpu.dma_semaphore, #tpu.memory_space<semaphore_mem>>)
    %add3A_358 = arith.constant 224 : i32
    %add3A_359 = arith.addi %mul3A_13, %add3A_358 : i32
    %dma_start3A_360 = arith.constant 0 : i32
    %dma_start3A_361 = tpu.memref_slice %arg6[%add3A_359, %dma_start3A_360] : memref<2048x1024xf32, #tpu.memory_space<hbm>> -> memref<32x1024xf32, #tpu.memory_space<hbm>>
    %dma_start3A_362 = arith.constant 0 : i32
    %dma_start3A_363 = tpu.memref_slice %arg6[%add3A_359, %dma_start3A_362] : memref<2048x1024xf32, #tpu.memory_space<hbm>> -> memref<32x1024xf32, #tpu.memory_space<hbm>>
    tpu.enqueue_dma source(%dma_start3A_363 : memref<32x1024xf32, #tpu.memory_space<hbm>>) target(%arg11 : memref<32x1024xf32, #tpu.memory_space<vmem>>) target_semaphore(%arg15 : memref<!tpu.dma_semaphore, #tpu.memory_space<semaphore_mem>>)
    %dma_wait3A_364 = arith.constant 224 : i32
    %dma_wait3A_365 = tpu.memref_slice %arg8[%dma_wait3A_364] : memref<256xi32, #tpu.memory_space<vmem>> -> memref<32xi32, #tpu.memory_space<vmem>>
    %dma_wait3A_366 = arith.constant 0 : i32
    %dma_wait3A_367 = arith.constant 0 : i32
    %dma_wait3A_368 = tpu.memref_slice %arg4[%dma_wait3A_366, %dma_wait3A_367] : memref<100000x1024xf32, #tpu.memory_space<hbm>> -> memref<100000x1024xf32, #tpu.memory_space<hbm>>
    tpu.wait_indirect_dma semaphore(%arg13 : memref<!tpu.dma_semaphore, #tpu.memory_space<semaphore_mem>>) src(%dma_wait3A_368 : memref<100000x1024xf32, #tpu.memory_space<hbm>>) dst(%arg10 : memref<32x1024xf32, #tpu.memory_space<vmem>>)
    %dma_wait3A_369 = arith.constant 224 : i32
    %dma_wait3A_370 = tpu.memref_slice %arg9[%dma_wait3A_369] : memref<256xi32, #tpu.memory_space<vmem>> -> memref<32xi32, #tpu.memory_space<vmem>>
    %dma_wait3A_371 = arith.constant 0 : i32
    %dma_wait3A_372 = arith.constant 0 : i32
    %dma_wait3A_373 = tpu.memref_slice %arg5[%dma_wait3A_371, %dma_wait3A_372] : memref<3x1024xf32, #tpu.memory_space<hbm>> -> memref<3x1024xf32, #tpu.memory_space<hbm>>
    tpu.wait_indirect_dma semaphore(%arg14 : memref<!tpu.dma_semaphore, #tpu.memory_space<semaphore_mem>>) src(%dma_wait3A_373 : memref<3x1024xf32, #tpu.memory_space<hbm>>) dst(%arg12 : memref<32x1024xf32, #tpu.memory_space<vmem>>)
    %dma_wait3A_374 = arith.constant 0 : i32
    %dma_wait3A_375 = tpu.memref_slice %arg6[%add3A_359, %dma_wait3A_374] : memref<2048x1024xf32, #tpu.memory_space<hbm>> -> memref<32x1024xf32, #tpu.memory_space<hbm>>
    %dma_wait3A_376 = arith.constant 0 : i32
    %dma_wait3A_377 = tpu.memref_slice %arg6[%add3A_359, %dma_wait3A_376] : memref<2048x1024xf32, #tpu.memory_space<hbm>> -> memref<32x1024xf32, #tpu.memory_space<hbm>>
    tpu.wait_dma2 semaphore(%arg15 : memref<!tpu.dma_semaphore, #tpu.memory_space<semaphore_mem>>) src(%dma_wait3A_377 : memref<32x1024xf32, #tpu.memory_space<hbm>>) dst(%arg11 : memref<32x1024xf32, #tpu.memory_space<vmem>>)
    %scan3A_378 = arith.constant 0 : i32
    %scan3A_379 = arith.constant 0 : i32
    %scan3A_380 = arith.constant 32 : i32
    %scan3A_381 = arith.addi %scan3A_379, %scan3A_380 : i32
    %scan3A_382 = arith.constant 1 : i32
    %scan3A_383 = scf.for %scan3A_395 = %scan3A_379 to %scan3A_381 step %scan3A_382 iter_args(%scan3A_396 = %scan3A_378) -> (i32)  : i32 {
      %scan3A_397 = arith.constant 0 : i32
      %scan3A_398 = arith.constant 0 : i32
      %scan3A_399 = arith.constant 64 : i32
      %scan3A_400 = arith.addi %scan3A_398, %scan3A_399 : i32
      %scan3A_401 = arith.constant 4 : i32
      %scan3A_402 = scf.for %scan3A_405 = %scan3A_398 to %scan3A_400 step %scan3A_401 iter_args(%scan3A_406 = %scan3A_397) -> (i32)  : i32 {
        %mul3A_407 = arith.constant 16 : i32
        %mul3A_408 = arith.muli %scan3A_405, %mul3A_407 : i32
        %get3A = arith.index_cast %scan3A_395 : i32 to index
        %get3A_409 = arith.index_cast %mul3A_408 : i32 to index
        %get3A_410 = tpu.vector_load %arg10[%get3A, %get3A_409] {strides = array<i32>} : memref<32x1024xf32, #tpu.memory_space<vmem>>, vector<1x16xf32>,
        %get3A_411 = vector.shape_cast %get3A_410 : vector<1x16xf32> to vector<16xf32>
        %mul3A_412 = arith.constant 3.200000e+01 : f32
        %mul3A_413 = vector.broadcast %mul3A_412 : f32 to vector<16xf32>
        %mul3A_414 = arith.mulf %get3A_411, %mul3A_413 : vector<16xf32>
        %get3A_415 = arith.index_cast %scan3A_395 : i32 to index
        %get3A_416 = arith.index_cast %mul3A_408 : i32 to index
        %get3A_417 = tpu.vector_load %arg11[%get3A_415, %get3A_416] {strides = array<i32>} : memref<32x1024xf32, #tpu.memory_space<vmem>>, vector<1x16xf32>,
        %get3A_418 = vector.shape_cast %get3A_417 : vector<1x16xf32> to vector<16xf32>
        %add3A_419 = arith.addf %mul3A_414, %get3A_418 : vector<16xf32>
        %get3A_420 = arith.index_cast %scan3A_395 : i32 to index
        %get3A_421 = arith.index_cast %mul3A_408 : i32 to index
        %get3A_422 = tpu.vector_load %arg12[%get3A_420, %get3A_421] {strides = array<i32>} : memref<32x1024xf32, #tpu.memory_space<vmem>>, vector<1x16xf32>,
        %get3A_423 = vector.shape_cast %get3A_422 : vector<1x16xf32> to vector<16xf32>
        %add3A_424 = arith.addf %add3A_419, %get3A_423 : vector<16xf32>
        %swap3A = arith.index_cast %scan3A_395 : i32 to index
        %swap3A_425 = arith.index_cast %mul3A_408 : i32 to index
        %swap3A_426 = tpu.vector_load %arg10[%swap3A, %swap3A_425] {strides = array<i32>} : memref<32x1024xf32, #tpu.memory_space<vmem>>, vector<1x16xf32>,
        %swap3A_427 = vector.shape_cast %swap3A_426 : vector<1x16xf32> to vector<16xf32>
        %swap3A_428 = vector.shape_cast %add3A_424 : vector<16xf32> to vector<1x16xf32>
        tpu.vector_store %arg10[%swap3A, %swap3A_425], %swap3A_428 {strides = array<i32>} : memref<32x1024xf32, #tpu.memory_space<vmem>>, vector<1x16xf32>,
        %scan3A_429 = arith.constant 0 : i32
        %scan3A_430 = arith.constant 1 : i32
        %scan3A_431 = arith.addi %scan3A_405, %scan3A_430 : i32
        %mul3A_432 = arith.constant 16 : i32
        %mul3A_433 = arith.muli %scan3A_431, %mul3A_432 : i32
        %get3A_434 = arith.index_cast %scan3A_395 : i32 to index
        %get3A_435 = arith.index_cast %mul3A_433 : i32 to index
        %get3A_436 = tpu.vector_load %arg10[%get3A_434, %get3A_435] {strides = array<i32>} : memref<32x1024xf32, #tpu.memory_space<vmem>>, vector<1x16xf32>,
        %get3A_437 = vector.shape_cast %get3A_436 : vector<1x16xf32> to vector<16xf32>
        %mul3A_438 = arith.constant 3.200000e+01 : f32
        %mul3A_439 = vector.broadcast %mul3A_438 : f32 to vector<16xf32>
        %mul3A_440 = arith.mulf %get3A_437, %mul3A_439 : vector<16xf32>
        %get3A_441 = arith.index_cast %scan3A_395 : i32 to index
        %get3A_442 = arith.index_cast %mul3A_433 : i32 to index
        %get3A_443 = tpu.vector_load %arg11[%get3A_441, %get3A_442] {strides = array<i32>} : memref<32x1024xf32, #tpu.memory_space<vmem>>, vector<1x16xf32>,
        %get3A_444 = vector.shape_cast %get3A_443 : vector<1x16xf32> to vector<16xf32>
        %add3A_445 = arith.addf %mul3A_440, %get3A_444 : vector<16xf32>
        %get3A_446 = arith.index_cast %scan3A_395 : i32 to index
        %get3A_447 = arith.index_cast %mul3A_433 : i32 to index
        %get3A_448 = tpu.vector_load %arg12[%get3A_446, %get3A_447] {strides = array<i32>} : memref<32x1024xf32, #tpu.memory_space<vmem>>, vector<1x16xf32>,
        %get3A_449 = vector.shape_cast %get3A_448 : vector<1x16xf32> to vector<16xf32>
        %add3A_450 = arith.addf %add3A_445, %get3A_449 : vector<16xf32>
        %swap3A_451 = arith.index_cast %scan3A_395 : i32 to index
        %swap3A_452 = arith.index_cast %mul3A_433 : i32 to index
        %swap3A_453 = tpu.vector_load %arg10[%swap3A_451, %swap3A_452] {strides = array<i32>} : memref<32x1024xf32, #tpu.memory_space<vmem>>, vector<1x16xf32>,
        %swap3A_454 = vector.shape_cast %swap3A_453 : vector<1x16xf32> to vector<16xf32>
        %swap3A_455 = vector.shape_cast %add3A_450 : vector<16xf32> to vector<1x16xf32>
        tpu.vector_store %arg10[%swap3A_451, %swap3A_452], %swap3A_455 {strides = array<i32>} : memref<32x1024xf32, #tpu.memory_space<vmem>>, vector<1x16xf32>,
        %scan3A_456 = arith.constant 0 : i32
        %scan3A_457 = arith.constant 2 : i32
        %scan3A_458 = arith.addi %scan3A_405, %scan3A_457 : i32
        %mul3A_459 = arith.constant 16 : i32
        %mul3A_460 = arith.muli %scan3A_458, %mul3A_459 : i32
        %get3A_461 = arith.index_cast %scan3A_395 : i32 to index
        %get3A_462 = arith.index_cast %mul3A_460 : i32 to index
        %get3A_463 = tpu.vector_load %arg10[%get3A_461, %get3A_462] {strides = array<i32>} : memref<32x1024xf32, #tpu.memory_space<vmem>>, vector<1x16xf32>,
        %get3A_464 = vector.shape_cast %get3A_463 : vector<1x16xf32> to vector<16xf32>
        %mul3A_465 = arith.constant 3.200000e+01 : f32
        %mul3A_466 = vector.broadcast %mul3A_465 : f32 to vector<16xf32>
        %mul3A_467 = arith.mulf %get3A_464, %mul3A_466 : vector<16xf32>
        %get3A_468 = arith.index_cast %scan3A_395 : i32 to index
        %get3A_469 = arith.index_cast %mul3A_460 : i32 to index
        %get3A_470 = tpu.vector_load %arg11[%get3A_468, %get3A_469] {strides = array<i32>} : memref<32x1024xf32, #tpu.memory_space<vmem>>, vector<1x16xf32>,
        %get3A_471 = vector.shape_cast %get3A_470 : vector<1x16xf32> to vector<16xf32>
        %add3A_472 = arith.addf %mul3A_467, %get3A_471 : vector<16xf32>
        %get3A_473 = arith.index_cast %scan3A_395 : i32 to index
        %get3A_474 = arith.index_cast %mul3A_460 : i32 to index
        %get3A_475 = tpu.vector_load %arg12[%get3A_473, %get3A_474] {strides = array<i32>} : memref<32x1024xf32, #tpu.memory_space<vmem>>, vector<1x16xf32>,
        %get3A_476 = vector.shape_cast %get3A_475 : vector<1x16xf32> to vector<16xf32>
        %add3A_477 = arith.addf %add3A_472, %get3A_476 : vector<16xf32>
        %swap3A_478 = arith.index_cast %scan3A_395 : i32 to index
        %swap3A_479 = arith.index_cast %mul3A_460 : i32 to index
        %swap3A_480 = tpu.vector_load %arg10[%swap3A_478, %swap3A_479] {strides = array<i32>} : memref<32x1024xf32, #tpu.memory_space<vmem>>, vector<1x16xf32>,
        %swap3A_481 = vector.shape_cast %swap3A_480 : vector<1x16xf32> to vector<16xf32>
        %swap3A_482 = vector.shape_cast %add3A_477 : vector<16xf32> to vector<1x16xf32>
        tpu.vector_store %arg10[%swap3A_478, %swap3A_479], %swap3A_482 {strides = array<i32>} : memref<32x1024xf32, #tpu.memory_space<vmem>>, vector<1x16xf32>,
        %scan3A_483 = arith.constant 0 : i32
        %scan3A_484 = arith.constant 3 : i32
        %scan3A_485 = arith.addi %scan3A_405, %scan3A_484 : i32
        %mul3A_486 = arith.constant 16 : i32
        %mul3A_487 = arith.muli %scan3A_485, %mul3A_486 : i32
        %get3A_488 = arith.index_cast %scan3A_395 : i32 to index
        %get3A_489 = arith.index_cast %mul3A_487 : i32 to index
        %get3A_490 = tpu.vector_load %arg10[%get3A_488, %get3A_489] {strides = array<i32>} : memref<32x1024xf32, #tpu.memory_space<vmem>>, vector<1x16xf32>,
        %get3A_491 = vector.shape_cast %get3A_490 : vector<1x16xf32> to vector<16xf32>
        %mul3A_492 = arith.constant 3.200000e+01 : f32
        %mul3A_493 = vector.broadcast %mul3A_492 : f32 to vector<16xf32>
        %mul3A_494 = arith.mulf %get3A_491, %mul3A_493 : vector<16xf32>
        %get3A_495 = arith.index_cast %scan3A_395 : i32 to index
        %get3A_496 = arith.index_cast %mul3A_487 : i32 to index
        %get3A_497 = tpu.vector_load %arg11[%get3A_495, %get3A_496] {strides = array<i32>} : memref<32x1024xf32, #tpu.memory_space<vmem>>, vector<1x16xf32>,
        %get3A_498 = vector.shape_cast %get3A_497 : vector<1x16xf32> to vector<16xf32>
        %add3A_499 = arith.addf %mul3A_494, %get3A_498 : vector<16xf32>
        %get3A_500 = arith.index_cast %scan3A_395 : i32 to index
        %get3A_501 = arith.index_cast %mul3A_487 : i32 to index
        %get3A_502 = tpu.vector_load %arg12[%get3A_500, %get3A_501] {strides = array<i32>} : memref<32x1024xf32, #tpu.memory_space<vmem>>, vector<1x16xf32>,
        %get3A_503 = vector.shape_cast %get3A_502 : vector<1x16xf32> to vector<16xf32>
        %add3A_504 = arith.addf %add3A_499, %get3A_503 : vector<16xf32>
        %swap3A_505 = arith.index_cast %scan3A_395 : i32 to index
        %swap3A_506 = arith.index_cast %mul3A_487 : i32 to index
        %swap3A_507 = tpu.vector_load %arg10[%swap3A_505, %swap3A_506] {strides = array<i32>} : memref<32x1024xf32, #tpu.memory_space<vmem>>, vector<1x16xf32>,
        %swap3A_508 = vector.shape_cast %swap3A_507 : vector<1x16xf32> to vector<16xf32>
        %swap3A_509 = vector.shape_cast %add3A_504 : vector<16xf32> to vector<1x16xf32>
        tpu.vector_store %arg10[%swap3A_505, %swap3A_506], %swap3A_509 {strides = array<i32>} : memref<32x1024xf32, #tpu.memory_space<vmem>>, vector<1x16xf32>,
        %scan3A_510 = arith.constant 0 : i32
        scf.yield %scan3A_510 : i32
      }
      %scan3A_403 = arith.constant 64 : i32
      %scan3A_404 = arith.constant 0 : i32
      scf.yield %scan3A_404 : i32
    }
    %scan3A_384 = arith.constant 32 : i32
    %add3A_385 = arith.constant 224 : i32
    %add3A_386 = arith.addi %mul3A_2, %add3A_385 : i32
    %dma_start3A_387 = arith.constant 0 : i32
    %dma_start3A_388 = tpu.memref_slice %arg7[%add3A_386, %dma_start3A_387] : memref<8192x1024xf32, #tpu.memory_space<hbm>> -> memref<32x1024xf32, #tpu.memory_space<hbm>>
    %dma_start3A_389 = arith.constant 0 : i32
    %dma_start3A_390 = tpu.memref_slice %arg7[%add3A_386, %dma_start3A_389] : memref<8192x1024xf32, #tpu.memory_space<hbm>> -> memref<32x1024xf32, #tpu.memory_space<hbm>>
    tpu.enqueue_dma source(%arg10 : memref<32x1024xf32, #tpu.memory_space<vmem>>) target(%dma_start3A_390 : memref<32x1024xf32, #tpu.memory_space<hbm>>) target_semaphore(%arg16 : memref<!tpu.dma_semaphore, #tpu.memory_space<semaphore_mem>>)
    %dma_wait3A_391 = arith.constant 0 : i32
    %dma_wait3A_392 = tpu.memref_slice %arg7[%add3A_386, %dma_wait3A_391] : memref<8192x1024xf32, #tpu.memory_space<hbm>> -> memref<32x1024xf32, #tpu.memory_space<hbm>>
    %dma_wait3A_393 = arith.constant 0 : i32
    %dma_wait3A_394 = tpu.memref_slice %arg7[%add3A_386, %dma_wait3A_393] : memref<8192x1024xf32, #tpu.memory_space<hbm>> -> memref<32x1024xf32, #tpu.memory_space<hbm>>
    tpu.wait_dma2 semaphore(%arg16 : memref<!tpu.dma_semaphore, #tpu.memory_space<semaphore_mem>>) src(%arg10 : memref<32x1024xf32, #tpu.memory_space<vmem>>) dst(%dma_wait3A_394 : memref<32x1024xf32, #tpu.memory_space<hbm>>)
    return
  }
}

</mosaic_0001>

<sc_bundles>
// kernel: _embed.3.cloned.1.call-start
scs
__scs_entry_jumppad:
0x0: {  	(pc) =	sbr.rel $0x88, $3  }
0x1: {  	(tag) =	ssettag $0x0;
	lr =	simm.s32 $0x1  }
0x2: {  	[smem:$0x3F9C] =	sst lr;
	_ =	strace $0xD0000000  }
0x3: {  	_ = 	snop  }
0x4: {  	_ = 	snop  }
0x5: {  	_ = 	snop  }
0x6: {  	_ = 	snop  }
0x7: {  	_ = 	snop  }
__scs_overlays_trampoline_lowered:
0x8: {  	[smem:$0x3FAB] =	sst s0  }
0x9: {  	[smem:$0x3FAC] =	sst s1  }
0xa: {  	[smem:$0x3FAD] =	sst s2  }
0xb: {  	[smem:$0x3FAE] =	sst s3  }
0xc: {  	[smem:$0x3FAF] =	sst s4  }
0xd: {  	[smem:$0x3FB0] =	sst s5  }
0xe: {  	[smem:$0x3FB1] =	sst s6  }
0xf: {  	[smem:$0x3FB2] =	sst s7  }
0x10: {  	[smem:$0x3FB3] =	sst s8  }
0x11: {  	[smem:$0x3FB4] =	sst s9;
	s0 =	simm.s32 @!p0 $0x0  }
0x12: {  	s1 =	sld [smem:$0x3F9A];
	s0 =	simm.s32 @p0 $0x1  }
0x13: {  	[smem:$0x3FB5] =	sst s0;
	s0 =	simm.s32 @!p1 $0x0  }
0x14: {  	s2 =	sld [smem:$0x3F99];
	s0 =	simm.s32 @p1 $0x1  }
0x15: {  	[smem:$0x3FB6] =	sst s0;
	s0 =	simm.s32 @!p2 $0x0  }
0x16: {  	s3 =	sld [smem:$0x3FDB];
	s0 =	simm.s32 @p2 $0x1  }
0x17: {  	s4 =	simm.s32 $0x1BF5;
	[smem:$0x3FB8] =	sst s0  }
0x18: {  	s0 =	sld [smem:$0x3F9B];
	_ =	swait.ge [sflag:s4], $0x0  }
0x19: {  	s7 =	sld [smem:$0x3F9C]  }
0x1a: {  	s8 =	sadd.s32 $0xFFFFE003, lr  }
0x1b: {  	s9 =	sadd.s32 $0xFFFFFEF7, lr;
	s5 =	simm.s32 $0xFFFFFFFF;
	p2 =	slt.u32 s8, $0xFFFFF086  }
0x1c: {  	p1 =	slt.u32 s9, $0xF7A;
	s5 =	simm.s32 @!p2 $0x0  }
0x1d: {  	s5 =	simm.s32 @p1 $0x1;
	p0 =	seq.s32 s7, s2  }
0x1e: {  	s7 =	smul.u32 @!p0 $0xF7A, s2;
	p2 =	seq.s32 @!p0 s5, $0x0  }
0x1f: {  	s9 =	smul.u32 $0xF7A, s1;
	s8 =	simm.s32 @!p0 $0x1BF5;
	p2 =	por !p2, p0  }
0x20: {  	[sflag:s8] =	ssyncset.s32 @!p0 $0xFFFFF086;
	s6 =	sadd.s32 @!p0 s3, s7;
	s7 =	simm.s32 @!p0 $0x108  }
0x21: {  	s3 =	sadd.s32 s3, s9;
	s6 =	sadd.s32 @!p0 $0x88, s6;
	s7 =	simm.s32 @p2 $0x1082  }
0x22: {  	[simem:s7], [sflag:s8] =	dma.local @!p0 [hbm:s6], $0xF7A  }
0x23: {  	s9 =	sor.u32 $0xD0000000, s2;
	s6 =	simm.s32 $0x108;
	_ =	swait.ge @!p0 [sflag:s8], $0x0  }
0x24: {  	s3 =	sadd.s32 $0x88, s3;
	s6 =	simm.s32 @!p1 $0x1082;
	[sflag:s4] =	ssyncset.s32 $0xFFFFF086  }
0x25: {  	[simem:s6], [sflag:s4] =	dma.local [hbm:s3], $0xF7A  }
0x26: {  	[smem:$0x3F9C] =	sst s1;
	(tag) =	ssettag s2;
	_ =	strace s9  }
0x27: {  	s1 =	sld [smem:$0x3FAC]  }
0x28: {  	s2 =	sld [smem:$0x3FAD]  }
0x29: {  	s4 =	sld [smem:$0x3FAF]  }
0x2a: {  	p0 =	seq.s32 s5, $0x0;
	s5 =	sld [smem:$0x3FB0]  }
0x2b: {  	s6 =	sld [smem:$0x3FB1]  }
0x2c: {  	s7 =	sld [smem:$0x3FB2]  }
0x2d: {  	s3 =	simm.s32 $0x108;
	s8 =	sld [smem:$0x3FB3]  }
0x2e: {  	s3 =	simm.s32 @!p0 $0x1082;
	s9 =	sld [smem:$0x3FB4]  }
0x2f: {  	lr =	sadd.s32 s0, s3;
	s0 =	sld [smem:$0x3FAB]  }
0x30: {  	s3 =	sld [smem:$0x3FAE]  }
0x31: {  	[smem:$0x3FB7] =	sst s10  }
0x32: {  	s10 =	sld [smem:$0x3FB5];
	_ =	sdelay $0x3  }
0x33: {  	p0 =	seq.s32 s10, $0x1;
	s10 =	sld [smem:$0x3FB7];
	_ =	sdelay $0x3  }
0x34: {  	[smem:$0x3FB7] =	sst s10  }
0x35: {  	s10 =	sld [smem:$0x3FB6];
	_ =	sdelay $0x3  }
0x36: {  	p1 =	seq.s32 s10, $0x1;
	s10 =	sld [smem:$0x3FB7];
	_ =	sdelay $0x3  }
0x37: {  	[smem:$0x3FB7] =	sst s10  }
0x38: {  	s10 =	sld [smem:$0x3FB8]  }
0x39: {  	_ = 	snop;
	(pc) =	sbr.ind lr, $3  }
0x3a: {  	_ = 	snop  }
0x3b: {  	_ = 	snop  }
0x3c: {  	p2 =	seq.s32 s10, $0x1;
	s10 =	sld [smem:$0x3FB7]  }
0x3d: {  	_ =	shalt  }
0x3e: {  	_ =	shalt  }
0x3f: {  	_ =	shalt  }
0x40: {  	_ =	shalt  }
0x41: {  	_ =	shalt  }
0x42: {  	_ =	shalt  }
0x43: {  	_ =	shalt  }
0x44: {  	_ =	shalt  }
0x45: {  	_ =	shalt  }
0x46: {  	_ =	shalt  }
0x47: {  	_ =	shalt  }
0x48: {  	_ =	shalt  }
0x49: {  	_ =	shalt  }
0x4a: {  	_ =	shalt  }
0x4b: {  	_ =	shalt  }
0x4c: {  	_ =	shalt  }
0x4d: {  	_ =	shalt  }
0x4e: {  	_ =	shalt  }
0x4f: {  	_ =	shalt  }
0x50: {  	_ =	shalt  }
0x51: {  	_ =	shalt  }
0x52: {  	_ =	shalt  }
0x53: {  	_ =	shalt  }
0x54: {  	_ =	shalt  }
0x55: {  	_ =	shalt  }
0x56: {  	_ =	shalt  }
0x57: {  	_ =	shalt  }
0x58: {  	_ =	shalt  }
0x59: {  	_ =	shalt  }
0x5a: {  	_ =	shalt  }
0x5b: {  	_ =	shalt  }
0x5c: {  	_ =	shalt  }
0x5d: {  	_ =	shalt  }
0x5e: {  	_ =	shalt  }
0x5f: {  	_ =	shalt  }
0x60: {  	_ =	shalt  }
0x61: {  	_ =	shalt  }
0x62: {  	_ =	shalt  }
0x63: {  	_ =	shalt  }
0x64: {  	_ =	shalt  }
0x65: {  	_ =	shalt  }
0x66: {  	_ =	shalt  }
0x67: {  	_ =	shalt  }
0x68: {  	_ =	shalt  }
0x69: {  	_ =	shalt  }
0x6a: {  	_ =	shalt  }
0x6b: {  	_ =	shalt  }
0x6c: {  	_ =	shalt  }
0x6d: {  	_ =	shalt  }
0x6e: {  	_ =	shalt  }
0x6f: {  	_ =	shalt  }
0x70: {  	_ =	shalt  }
0x71: {  	_ =	shalt  }
0x72: {  	_ =	shalt  }
0x73: {  	_ =	shalt  }
0x74: {  	_ =	shalt  }
0x75: {  	_ =	shalt  }
0x76: {  	_ =	shalt  }
0x77: {  	_ =	shalt  }
0x78: {  	_ =	shalt  }
0x79: {  	_ =	shalt  }
0x7a: {  	_ =	shalt  }
0x7b: {  	_ =	shalt  }
0x7c: {  	_ =	shalt  }
0x7d: {  	_ =	shalt  }
0x7e: {  	_ =	shalt  }
0x7f: {  	_ =	shalt  }
0x80: {  	_ =	shalt  }
0x81: {  	_ =	shalt  }
0x82: {  	_ =	shalt  }
0x83: {  	_ =	shalt  }
0x84: {  	_ =	shalt  }
0x85: {  	_ =	shalt  }
0x86: {  	_ =	shalt  }
0x87: {  	_ =	shalt  }
.Lfunc_end0:
.L_simem_size_0:
called_computation_lowered:
.L_overlay_start_0:
0x88: {  	s2 =	sld [smem:$0x3FD9]  }
0x89: {  	s3 =	sld [smem:$0x3FFE];
	_ =	sdelay $0x1  }
0x8a: {  	s1 =	srdreg.scid  }
0x8b: {  	s0 =	sand.u32 $0x1, s1  }
0x8c: {  	s18 =	sshll.u32 s0, $0xA;
	s2 =	sadd.s32 s3, s2  }
0x8d: {  	s2 =	sadd.s32 s2, s18  }
0x8e: {  	[smem:$0x3FC3] =	sst s2  }
0x8f: {  	_ = 	snop  }
0x90: {  	s2 =	sld [smem:$0x3FC9]  }
0x91: {  	s19 =	sld [smem:$0x3FC8]  }
0x92: {  	s4 =	sld [smem:$0x3FC7]  }
0x93: {  	s5 =	sld [smem:$0x3FC6]  }
0x94: {  	s6 =	sld [smem:$0x3FC5]  }
0x95: {  	s7 =	sld [smem:$0x3FD0];
	(tm) =	ssettm $0x1  }
0x96: {  	s8 =	sld [smem:$0x3FFB];
	_ =	sdelay $0x3  }
0x97: {  	_ =	strace s8  }
0x98: {  	s8 =	sld [smem:$0x3FFC];
	_ =	sdelay $0x3  }
0x99: {  	_ =	strace s8  }
0x9a: {  	s8 =	sld [smem:$0x3FFD];
	_ =	sdelay $0x3  }
0x9b: {  	_ =	strace s8  }
0x9c: {  	_ =	strace $0x8FFFFFFF  }
0x9d: {  	s20 =	sld [smem:$0x3FDB];
	_ =	sdelay $0x1  }
0x9e: {  	s9 =	simm.s32 $_scs_section_size  }
0x9f: {  	s10 =	simm.s32 $_size__tile_overlayer_lowered;
	s11 =	simm.s32 $_tile_overlayer_lowered  }
0xa0: {  	s23 =	simm.s32 $0x1BFF;
	s22 =	sshll.u32 s11, $0x1;
	s8 =	sadd.s32 s9, s20  }
0xa1: {  	s12 =	simm.s32 $0x0;
	s21 =	sshll.u32 s10, $0x1;
	s10 =	sadd.s32 s22, s8  }
0xa2: {  	[timem:s12], [sflag:s23] =	dma.local [hbm:s10], s21  }
0xa3: {  	_ =	swait.ge [sflag:s23], s21  }
0xa4: {  	s9 =	ssub.s32 $0x0, s21;
	[sflag:s23] =	ssyncset.done $0x0  }
0xa5: {  	[sflag:s23] =	ssyncadd.s32 s9;
	_ =	sdelay $0x1  }
0xa6: {  	s24 =	simm.s32 $0x1B8B  }
0xa7: {  	_ =	swait.ge [sflag:s24], $0x1  }
0xa8: {  	[sflag:s24] =	ssyncset.done $0x0  }
0xa9: {  	s25 =	simm.s32 $0x1B8E;
	[sflag:s24] =	ssyncadd.s32 $0xFFFFFFFF  }
0xaa: {  	s26 =	simm.s32 $execute0_lowered;
	[smem:$0x3FD2] =	sst s25  }
0xab: {  	s9 =	sshll.u32 s26, $0x1;
	_ =	strace $0x80000046;
	[dreg:$0x1] =	wrdreg $0xFFFFFFFF  }
0xac: {  	s28 =	simm.s32 $_size_execute0_lowered;
	s8 =	sadd.s32 s8, s9;
	[dreg:$0x0] =	wrdreg $0x0  }
0xad: {  	s9 =	sshll.u32 s28, $0x1;
	[dreg:$0x2] =	wrdreg s8  }
0xae: {  	[dreg:$0x3] =	wrdreg s9  }
0xaf: {  	[dreg:$0x4] =	wrdreg $0xC0  }
0xb0: {  	_ =	task [dreg:s12], $0x5FFFF  }
0xb1: {  	[dreg:$0x1] =	wrdreg $0xFFFFFFFF  }
0xb2: {  	[dreg:$0x0] =	wrdreg $0x60  }
0xb3: {  	[dreg:$0x2] =	wrdreg s2  }
0xb4: {  	[dreg:$0x3] =	wrdreg s19  }
0xb5: {  	[dreg:$0x4] =	wrdreg s4  }
0xb6: {  	[dreg:$0x5] =	wrdreg s5  }
0xb7: {  	[dreg:$0x6] =	wrdreg s6  }
0xb8: {  	[dreg:$0x7] =	wrdreg s7  }
0xb9: {  	[dreg:$0x8] =	wrdreg $0x9  }
0xba: {  	_ =	task.clear_ibuf [dreg:s12], $0x9FFFF;
	_ =	strace $0x90000046  }
0xbb: {  	s29 =	simm.s32 $0x9;
	_ =	strace $0x80000048  }
0xbc: {  	_ =	swait.ge [sflag:s29], $0x1  }
0xbd: {  	[sflag:s29] =	ssyncadd.s32 $0xFFFFFFFF  }
0xbe: {  	_ =	strace $0x90000048  }
0xbf: {  	_ =	sfence  }
0xc0: {  	s30 =	sld [smem:$0x0];
	_ =	sdelay $0x2  }
0xc1: {  	s31 =	sshll.u32 s1, $0xD;
	s1 =	sshrl.u32 s1, $0x2  }
0xc2: {  	s3 =	sand.u32 $0x4000, s31;
	s1 =	sadd.s32 s1, s30  }
0xc3: {  	s0 =	sor.u32 s3, s0;
	s1 =	sshll.u32 s1, $0x11  }
0xc4: {  	s0 =	sor.u32 s1, s0  }
0xc5: {  	s0 =	sadd.s32 $0x8F2B, s0  }
0xc6: {  	[sflag:s0] =	ssyncadd.remote.s32 $0x1  }
0xc7: {  	_ =	sfence.sel $0xFFFF  }
0xc8: {  	[dreg:$0x0] =	wrdreg $0xFFFFFFFF;
	(pc) =	sbr.abs _section_cstart, $3  }
0xc9: {  	[dreg:$0x1] =	wrdreg $0xFFFFFFFF  }
0xca: {  	_ =	task.clear_ibuf [dreg:s12], $0x2FFFF;
	_ =	strace $0x9FFFFFFF  }
0xcb: {  	(tm) =	ssettm $0x7FFFFFFF  }
tec
execute0_lowered:
.L_overlay_start_1:
0x0: {  	(tag) =	ssettag $0x1  }
0x1: {  	s0 =	rddreg [dreg:$0x0]  }
0x2: {  	s3 =	rddreg [dreg:$0x1]  }
0x3: {  	s1 =	rddreg [dreg:$0x2]  }
0x4: {  	s2 =	rddreg [dreg:$0x3]  }
0x5: {  	s7 =	srdreg.scid;
	s8 =	stileid.u32  }
0x6: {  	s5 =	rddreg [dreg:$0x4];
	s7 =	sand.u32 $0x1, s7;
	s8 =	sshll.u32 s8, $0x1  }
0x7: {  	s6 =	rddreg [dreg:$0x5];
	s9 =	ssub.s32 $0x2, s7;
	s7 =	sor.u32 s7, s8  }
0x8: {  	s4 =	simm.s32 $0x0;
	s13 =	sshll.u32 s7, $0xF;
	s7 =	sshll.u32 s7, $0x5  }
0x9: {  	[smem:$0x7FF] =	sst s4;
	s0 =	sadd.s32 s0, s7  }
0xa: {  	_ =	strace $0x80000047;
	s30 =	sadd.s32 s3, s7;
	[dreg:$0x7] =	wrdreg s0  }
0xb: {  	s15 =	sand.u32 $0x38000, s13;
	s13 =	sadd.s32 s6, s13;
	[dreg:$0x8] =	wrdreg s30  }
0xc: {  	s3 =	sadd.s32 s5, s15;
	s15 =	sadd.s32 $0x1000, s13;
	[dreg:$0xa] =	wrdreg s13  }
0xd: {  	s31 =	simm.s32 $0x200;
	s17 =	sadd.s32 $0x2000, s13;
	[dreg:$0xc] =	wrdreg s15  }
0xe: {  	s28 =	simm.s32 $0x4;
	s19 =	sadd.s32 $0x3000, s13;
	[dreg:$0xe] =	wrdreg s17  }
0xf: {  	s26 =	sshrl.u32 s9, $0x1;
	s21 =	sadd.s32 $0x4000, s13;
	[dreg:$0x10] =	wrdreg s19  }
0x10: {  	s14 =	ssub.s32 s9, s26;
	s23 =	sadd.s32 $0x5000, s13;
	[dreg:$0x12] =	wrdreg s21  }
0x11: {  	s29 =	simm.s32 $0x0;
	s24 =	smax.u32 s14, $0x1;
	[dreg:$0x14] =	wrdreg s23  }
0x12: {  	s10 =	sadd.s32 $0x80, s2;
	s26 =	sadd.s32 $0x6000, s13;
	[dreg:$0x15] =	wrdreg s24  }
0x13: {  	s11 =	sadd.s32 $0x100, s2;
	s12 =	sadd.s32 $0x180, s2;
	[dreg:$0x17] =	wrdreg s26  }
0x14: {  	s8 =	sadd.s32 $0x200, s1;
	s30 =	sadd.s32 $0x7000, s13;
	[dreg:$0x9] =	wrdreg s3  }
0x15: {  	s7 =	sadd.s32 $0x100, s1;
	s5 =	sadd.s32 $0x1000, s3;
	[dreg:$0x19] =	wrdreg s30  }
0x16: {  	s9 =	sadd.s32 $0x300, s1;
	s16 =	sadd.s32 $0x2000, s3;
	[dreg:$0xb] =	wrdreg s5  }
0x17: {  	s18 =	sadd.s32 $0x3000, s3;
	s20 =	sadd.s32 $0x4000, s3;
	[dreg:$0xd] =	wrdreg s16  }
0x18: {  	s22 =	sadd.s32 $0x5000, s3;
	s25 =	sadd.s32 $0x6000, s3;
	[dreg:$0xf] =	wrdreg s18  }
0x19: {  	s0 =	sadd.s32 $0x7000, s3;
	s3 =	simm.s32 $0x2;
	[dreg:$0x11] =	wrdreg s20  }
0x1a: {  	s19 =	simm.s32 $0x15200;
	s21 =	simm.s32 $0x16200;
	[dreg:$0x13] =	wrdreg s22  }
0x1b: {  	v2 =	vlaneseq.u32;
	s23 =	simm.s32 $0x17200;
	s24 =	simm.s32 $0x17A00;
	[dreg:$0x16] =	wrdreg s25  }
0x1c: {  	vm0 =	vmmov $0xffff;
	v3 =	vshrl.u32 v2, $0x3;
	v0 =	vand.u32 $0x7, v2;
	s26 =	simm.s32 $0x3;
	[dreg:$0x18] =	wrdreg s0;
	s0 =	simm.s32 $0x1  }
0x1d: {  	v2 =	vor.u32 $0x8, v2;
	v1 =	vmul.u32 $0x8, v3;
	v3 =	vmul.u32 $0x4, v3;
	s20 =	simm.s32 $0x15A00;
	s22 =	simm.s32 $0x16A00;
	s25 =	simm.s32 $0x8200  }
.LBB2_1:
0x1e: {  	s5 =	rddreg [dreg:$0x7]  }
0x1f: {  	[tilespmem:s4], [sflag:$0x1] =	stream.linear.gather [hbm4b:s5+s4], $0x100, $0x38;
	[tilespmem:$0x18200] =	vst v63  }
0x20: {  	s13 =	rddreg [dreg:$0x8];
	s6 =	simm.s32 $0x100  }
0x21: {  	[tilespmem:s6], [sflag:$0x2] =	stream.linear.gather [hbm4b:s13+s4], $0x100, $0x38;
	[tilespmem:$0x18200] =	vst v63  }
0x22: {  	_ =	swait.ge [sflag:s0], $0x100  }
0x23: {  	[sflag:s0] =	ssyncset.done $0x0  }
0x24: {  	[sflag:s0] =	ssyncadd.s32 $0xFFFFFF00  }
0x25: {  	_ =	swait.ge [sflag:s3], $0x100  }
0x26: {  	[sflag:s3] =	ssyncset.done $0x0  }
0x27: {  	[sflag:s3] =	ssyncadd.s32 $0xFFFFFF00  }
0x28: {  	v4 =	vld [tilespmem:$0x0];
	_ =	sdelay $0x4  }
0x29: {  	v5 =	vshll.u32 v4, $0x3  }
0x2a: {  	v4 =	vand.u32 $0x7, v4;
	v5 =	vand.u32 $0xFFFFFFC0, v5  }
0x2b: {  	v4 =	vor.u32 v4, v5  }
0x2c: {  	v5 =	vperm.xlane v4, v0;
	_ =	sdelay $0x1  }
0x2d: {  	v5 =	vadd.s32 v1, v5;
	_ =	sdelay $0x4  }
0x2e: {  	[tilespmem:s31], [sflag:$0x1] =	stream.indirect_vreg.gather [hbm4b:s1+s4], $0x80, v5, vm0, $0xb8;
	[tilespmem:$0x18200] =	vst v63  }
0x2f: {  	s14 =	simm.s32 $0xA00;
	v4 =	vperm.xlane v4, v2  }
0x30: {  	[tilespmem:s14], [sflag:$0x1] =	stream.indirect_vreg.gather [hbm4b:s7+s4], $0x80, v5, vm0, $0xb8;
	[tilespmem:$0x18200] =	vst v63  }
0x31: {  	s15 =	simm.s32 $0x1200;
	v4 =	vadd.s32 v1, v4  }
0x32: {  	[tilespmem:s15], [sflag:$0x1] =	stream.indirect_vreg.gather [hbm4b:s8+s4], $0x80, v5, vm0, $0xb8;
	[tilespmem:$0x18200] =	vst v63  }
0x33: {  	s16 =	simm.s32 $0x1A00  }
0x34: {  	[tilespmem:s16], [sflag:$0x1] =	stream.indirect_vreg.gather [hbm4b:s9+s4], $0x80, v5, vm0, $0xb8;
	[tilespmem:$0x18200] =	vst v63  }
0x35: {  	s17 =	simm.s32 $0x2200  }
0x36: {  	[tilespmem:s17], [sflag:$0x1] =	stream.indirect_vreg.gather [hbm4b:s1+s4], $0x80, v4, vm0, $0xb8;
	[tilespmem:$0x18200] =	vst v63  }
0x37: {  	s18 =	simm.s32 $0x2A00  }
0x38: {  	[tilespmem:s18], [sflag:$0x1] =	stream.indirect_vreg.gather [hbm4b:s7+s4], $0x80, v4, vm0, $0xb8;
	[tilespmem:$0x18200] =	vst v63  }
0x39: {  	s6 =	simm.s32 $0x3200  }
0x3a: {  	[tilespmem:s6], [sflag:$0x1] =	stream.indirect_vreg.gather [hbm4b:s8+s4], $0x80, v4, vm0, $0xb8;
	[tilespmem:$0x18200] =	vst v63  }
0x3b: {  	s13 =	simm.s32 $0x3A00  }
0x3c: {  	[tilespmem:s13], [sflag:$0x1] =	stream.indirect_vreg.gather [hbm4b:s9+s4], $0x80, v4, vm0, $0xb8;
	[tilespmem:$0x18200] =	vst v63  }
0x3d: {  	v4 =	vld [tilespmem:$0x10];
	_ =	sdelay $0x4  }
0x3e: {  	v5 =	vshll.u32 v4, $0x3  }
0x3f: {  	v4 =	vand.u32 $0x7, v4;
	v5 =	vand.u32 $0xFFFFFFC0, v5  }
0x40: {  	v4 =	vor.u32 v4, v5  }
0x41: {  	v5 =	vperm.xlane v4, v0;
	_ =	sdelay $0x1  }
0x42: {  	v5 =	vadd.s32 v1, v5;
	_ =	sdelay $0x3  }
0x43: {  	s14 =	simm.s32 $0x4200  }
0x44: {  	[tilespmem:s14], [sflag:$0x1] =	stream.indirect_vreg.gather [hbm4b:s1+s4], $0x80, v5, vm0, $0xb8;
	[tilespmem:$0x18200] =	vst v63  }
0x45: {  	s15 =	simm.s32 $0x4A00;
	v4 =	vperm.xlane v4, v2  }
0x46: {  	[tilespmem:s15], [sflag:$0x1] =	stream.indirect_vreg.gather [hbm4b:s7+s4], $0x80, v5, vm0, $0xb8;
	[tilespmem:$0x18200] =	vst v63  }
0x47: {  	s16 =	simm.s32 $0x5200;
	v4 =	vadd.s32 v1, v4  }
0x48: {  	[tilespmem:s16], [sflag:$0x1] =	stream.indirect_vreg.gather [hbm4b:s8+s4], $0x80, v5, vm0, $0xb8;
	[tilespmem:$0x18200] =	vst v63  }
0x49: {  	s17 =	simm.s32 $0x5A00  }
0x4a: {  	[tilespmem:s17], [sflag:$0x1] =	stream.indirect_vreg.gather [hbm4b:s9+s4], $0x80, v5, vm0, $0xb8;
	[tilespmem:$0x18200] =	vst v63  }
0x4b: {  	s18 =	simm.s32 $0x6200  }
0x4c: {  	[tilespmem:s18], [sflag:$0x1] =	stream.indirect_vreg.gather [hbm4b:s1+s4], $0x80, v4, vm0, $0xb8;
	[tilespmem:$0x18200] =	vst v63  }
0x4d: {  	s6 =	simm.s32 $0x6A00  }
0x4e: {  	[tilespmem:s6], [sflag:$0x1] =	stream.indirect_vreg.gather [hbm4b:s7+s4], $0x80, v4, vm0, $0xb8;
	[tilespmem:$0x18200] =	vst v63  }
0x4f: {  	s13 =	simm.s32 $0x7200  }
0x50: {  	[tilespmem:s13], [sflag:$0x1] =	stream.indirect_vreg.gather [hbm4b:s8+s4], $0x80, v4, vm0, $0xb8;
	[tilespmem:$0x18200] =	vst v63  }
0x51: {  	s14 =	simm.s32 $0x7A00  }
0x52: {  	[tilespmem:s14], [sflag:$0x1] =	stream.indirect_vreg.gather [hbm4b:s9+s4], $0x80, v4, vm0, $0xb8;
	[tilespmem:$0x18200] =	vst v63  }
0x53: {  	v4 =	vld [tilespmem:$0x100];
	_ =	sdelay $0x4  }
0x54: {  	v5 =	vshll.u32 v4, $0x3  }
0x55: {  	v4 =	vand.u32 $0x3, v4;
	v5 =	vand.u32 $0xFFFFFFE0, v5  }
0x56: {  	v4 =	vor.u32 v4, v5  }
0x57: {  	v5 =	vperm.xlane v4, v0;
	_ =	sdelay $0x1  }
0x58: {  	v5 =	vadd.s32 v3, v5;
	_ =	sdelay $0x3  }
0x59: {  	s15 =	simm.s32 $0x10200  }
0x5a: {  	[tilespmem:s15], [sflag:$0x2] =	stream.indirect_vreg.gather [hbm4b:s2+s4], $0x80, v5, vm0, $0xb8;
	[tilespmem:$0x18200] =	vst v63  }
0x5b: {  	s16 =	simm.s32 $0x10A00;
	v4 =	vperm.xlane v4, v2  }
0x5c: {  	[tilespmem:s16], [sflag:$0x2] =	stream.indirect_vreg.gather [hbm4b:s10+s4], $0x80, v5, vm0, $0xb8;
	[tilespmem:$0x18200] =	vst v63  }
0x5d: {  	s17 =	simm.s32 $0x11200;
	v4 =	vadd.s32 v3, v4  }
0x5e: {  	[tilespmem:s17], [sflag:$0x2] =	stream.indirect_vreg.gather [hbm4b:s11+s4], $0x80, v5, vm0, $0xb8;
	[tilespmem:$0x18200] =	vst v63  }
0x5f: {  	s18 =	simm.s32 $0x11A00  }
0x60: {  	[tilespmem:s18], [sflag:$0x2] =	stream.indirect_vreg.gather [hbm4b:s12+s4], $0x80, v5, vm0, $0xb8;
	[tilespmem:$0x18200] =	vst v63  }
0x61: {  	s6 =	simm.s32 $0x12200  }
0x62: {  	[tilespmem:s6], [sflag:$0x2] =	stream.indirect_vreg.gather [hbm4b:s2+s4], $0x80, v4, vm0, $0xb8;
	[tilespmem:$0x18200] =	vst v63  }
0x63: {  	s13 =	simm.s32 $0x12A00  }
0x64: {  	[tilespmem:s13], [sflag:$0x2] =	stream.indirect_vreg.gather [hbm4b:s10+s4], $0x80, v4, vm0, $0xb8;
	[tilespmem:$0x18200] =	vst v63  }
0x65: {  	s14 =	simm.s32 $0x13200  }
0x66: {  	[tilespmem:s14], [sflag:$0x2] =	stream.indirect_vreg.gather [hbm4b:s11+s4], $0x80, v4, vm0, $0xb8;
	[tilespmem:$0x18200] =	vst v63  }
0x67: {  	s15 =	simm.s32 $0x13A00  }
0x68: {  	[tilespmem:s15], [sflag:$0x2] =	stream.indirect_vreg.gather [hbm4b:s12+s4], $0x80, v4, vm0, $0xb8;
	[tilespmem:$0x18200] =	vst v63  }
0x69: {  	v4 =	vld [tilespmem:$0x110];
	_ =	sdelay $0x4  }
0x6a: {  	v5 =	vshll.u32 v4, $0x3  }
0x6b: {  	v4 =	vand.u32 $0x3, v4;
	v5 =	vand.u32 $0xFFFFFFE0, v5  }
0x6c: {  	v4 =	vor.u32 v4, v5  }
0x6d: {  	v5 =	vperm.xlane v4, v0;
	_ =	sdelay $0x1  }
0x6e: {  	v5 =	vadd.s32 v3, v5;
	_ =	sdelay $0x3  }
0x6f: {  	s16 =	simm.s32 $0x14200  }
0x70: {  	[tilespmem:s16], [sflag:$0x2] =	stream.indirect_vreg.gather [hbm4b:s2+s4], $0x80, v5, vm0, $0xb8;
	[tilespmem:$0x18200] =	vst v63  }
0x71: {  	s17 =	simm.s32 $0x14A00;
	v4 =	vperm.xlane v4, v2  }
0x72: {  	[tilespmem:s17], [sflag:$0x2] =	stream.indirect_vreg.gather [hbm4b:s10+s4], $0x80, v5, vm0, $0xb8;
	[tilespmem:$0x18200] =	vst v63  }
0x73: {  	v4 =	vadd.s32 v3, v4  }
0x74: {  	[tilespmem:s19], [sflag:$0x2] =	stream.indirect_vreg.gather [hbm4b:s11+s4], $0x80, v5, vm0, $0xb8;
	[tilespmem:$0x18200] =	vst v63  }
0x75: {  	_ = 	snop  }
0x76: {  	[tilespmem:s20], [sflag:$0x2] =	stream.indirect_vreg.gather [hbm4b:s12+s4], $0x80, v5, vm0, $0xb8;
	[tilespmem:$0x18200] =	vst v63  }
0x77: {  	_ = 	snop  }
0x78: {  	[tilespmem:s21], [sflag:$0x2] =	stream.indirect_vreg.gather [hbm4b:s2+s4], $0x80, v4, vm0, $0xb8;
	[tilespmem:$0x18200] =	vst v63  }
0x79: {  	_ = 	snop  }
0x7a: {  	[tilespmem:s22], [sflag:$0x2] =	stream.indirect_vreg.gather [hbm4b:s10+s4], $0x80, v4, vm0, $0xb8;
	[tilespmem:$0x18200] =	vst v63  }
0x7b: {  	_ = 	snop  }
0x7c: {  	[tilespmem:s23], [sflag:$0x2] =	stream.indirect_vreg.gather [hbm4b:s11+s4], $0x80, v4, vm0, $0xb8;
	[tilespmem:$0x18200] =	vst v63  }
0x7d: {  	_ = 	snop  }
0x7e: {  	[tilespmem:s24], [sflag:$0x2] =	stream.indirect_vreg.gather [hbm4b:s12+s4], $0x80, v4, vm0, $0xb8;
	[tilespmem:$0x18200] =	vst v63  }
0x7f: {  	s18 =	rddreg [dreg:$0x9]  }
0x80: {  	[tilespmem:s25], [sflag:$0x3] =	stream.linear.gather [hbm4b:s18+s4], $0x8000, $0x38;
	[tilespmem:$0x18200] =	vst v63  }
0x81: {  	_ =	swait.ge [sflag:s0], $0x8000  }
0x82: {  	[sflag:s0] =	ssyncset.done $0x0  }
0x83: {  	[sflag:s0] =	ssyncadd.s32 $0xFFFF8000  }
0x84: {  	_ =	swait.ge [sflag:s3], $0x8000  }
0x85: {  	[sflag:s3] =	ssyncset.done $0x0  }
0x86: {  	[sflag:s3] =	ssyncadd.s32 $0xFFFF8000  }
0x87: {  	_ =	swait.ge [sflag:s26], $0x8000  }
0x88: {  	[sflag:s26] =	ssyncset.done $0x0  }
0x89: {  	s30 =	simm.s32 $0x0;
	[sflag:s26] =	ssyncadd.s32 $0xFFFF8000  }
.LBB2_2:
0x8a: {  	s5 =	sshll.u32 s30, $0xA;
	s6 =	sshll.u32 s30, $0x7  }
0x8b: {  	s13 =	sand.u32 $0x6000, s5;
	s6 =	sand.u32 $0x380, s6;
	s5 =	simm.s32 $0x0  }
0x8c: {  	s14 =	sor.u32 s13, s6;
	s17 =	sand.u32 $0x40, s5  }
0x8d: {  	s18 =	sand.u32 $0x1C00, s5;
	s6 =	sor.u32 s17, s14  }
0x8e: {  	s13 =	sor.u32 s18, s6  }
0x8f: {  	v6 =	vld [tilespmem:s13+$0x10200]  }
0x90: {  	v5 =	vld [tilespmem:s13+$0x10210]  }
0x91: {  	v7 =	vld [tilespmem:s13+$0x8200]  }
0x92: {  	v4 =	vld [tilespmem:s13+$0x8210]  }
0x93: {  	v12 =	vld [tilespmem:s13+$0x200]  }
0x94: {  	v11 =	vld [tilespmem:s13+$0x210]  }
0x95: {  	v10 =	vld [tilespmem:s13+$0x220]  }
0x96: {  	v9 =	vld [tilespmem:s13+$0x230]  }
0x97: {  	s15 =	simm.s32 $0x40;
	s6 =	simm.s32 $0x0;
	v8 =	vld [tilespmem:s13+$0x8220]  }
.LBB2_3:
0x98: {  	s16 =	sand.u32 $0x40, s15;
	v12 =	vmul.f32 $3.200000000e+01, v12;
	v13 =	vld [tilespmem:s13+$0x8230];
	s5 =	sadd.s32 $0x200, s5  }
0x99: {  	s17 =	sand.u32 $0x1C00, s5;
	s16 =	sor.u32 s16, s14;
	v11 =	vmul.f32 $3.200000000e+01, v11;
	v14 =	vld [tilespmem:s13+$0x10220]  }
0x9a: {  	s16 =	sor.u32 s17, s16;
	v7 =	vadd.f32 v7, v12;
	v10 =	vmul.f32 $3.200000000e+01, v10;
	v15 =	vld [tilespmem:s13+$0x10230]  }
0x9b: {  	v16 =	vld [tilespmem:s16+$0x10200];
	v4 =	vadd.f32 v4, v11;
	v9 =	vmul.f32 $3.200000000e+01, v9  }
0x9c: {  	v17 =	vld [tilespmem:s16+$0x10210];
	v6 =	vadd.f32 v6, v7;
	v8 =	vadd.f32 v8, v10  }
0x9d: {  	s6 =	sadd.s32 $0x4, s6;
	v7 =	vld [tilespmem:s16+$0x8200];
	v5 =	vadd.f32 v5, v4;
	v9 =	vadd.f32 v13, v9  }
0x9e: {  	p0 =	slt.u32 s6, $0x3C;
	v4 =	vld [tilespmem:s16+$0x8210];
	[tilespmem:s13+$0x200] =	vst v6;
	v8 =	vadd.f32 v14, v8  }
.Ltmp0:
0x9f: {  	v12 =	vld [tilespmem:s16+$0x200];
	[tilespmem:s13+$0x210] =	vst v5;
	v9 =	vadd.f32 v15, v9;
	(pc) =	sbr.rel @p0 .LBB2_3-.Ltmp0, $4  }
0xa0: {  	v11 =	vld [tilespmem:s16+$0x210];
	[tilespmem:s13+$0x220] =	vst v8;
	v6 =	vmov v16  }
0xa1: {  	v10 =	vld [tilespmem:s16+$0x220];
	[tilespmem:s13+$0x230] =	vst v9;
	v5 =	vmov v17;
	s13 =	smov.u32 s16  }
0xa2: {  	v9 =	vld [tilespmem:s13+$0x230]  }
0xa3: {  	s15 =	sadd.s32 $0x40, s15;
	v8 =	vld [tilespmem:s13+$0x8220]  }
0xa4: {  	v12 =	vmul.f32 $3.200000000e+01, v12;
	v13 =	vld [tilespmem:s13+$0x8230]  }
0xa5: {  	v14 =	vld [tilespmem:s13+$0x10220];
	v11 =	vmul.f32 $3.200000000e+01, v11  }
0xa6: {  	v61 =	vld [tilespmem:s13+$0x10230];
	v7 =	vadd.f32 v7, v12;
	v10 =	vmul.f32 $3.200000000e+01, v10  }
0xa7: {  	s30 =	sadd.s32 $0x1, s30;
	v4 =	vadd.f32 v4, v11;
	v9 =	vmul.f32 $3.200000000e+01, v9  }
0xa8: {  	p0 =	sne.s32 s30, $0x20;
	v6 =	vadd.f32 v6, v7;
	v62 =	vadd.f32 v8, v10  }
.Ltmp1:
0xa9: {  	v4 =	vadd.f32 v5, v4;
	v5 =	vadd.f32 v13, v9;
	(pc) =	sbr.rel @p0 .LBB2_2-.Ltmp1, $4  }
0xaa: {  	[tilespmem:s13+$0x200] =	vst v6;
	v63 =	vadd.f32 v14, v62  }
0xab: {  	[tilespmem:s13+$0x210] =	vst v4;
	v4 =	vadd.f32 v61, v5  }
0xac: {  	[tilespmem:s13+$0x220] =	vst v63  }
0xad: {  	[tilespmem:s13+$0x230] =	vst v4  }
0xae: {  	s30 =	simm.s32 $0x0;
	s5 =	rddreg [dreg:$0xa]  }
0xaf: {  	[hbm4b:s5+s30] =	stream.linear.scatter [tilespmem:s31], [sflag:$0x4], $0x8000, $0x38;
	[tilespmem:$0x18200] =	vst v63  }
0xb0: {  	_ =	swait.ge [sflag:s28], $0x8000  }
0xb1: {  	[sflag:s28] =	ssyncset.done $0x0  }
0xb2: {  	[sflag:s28] =	ssyncadd.s32 $0xFFFF8000  }
0xb3: {  	v4 =	vld [tilespmem:$0x20];
	_ =	sdelay $0x4  }
0xb4: {  	v5 =	vshll.u32 v4, $0x3  }
0xb5: {  	v4 =	vand.u32 $0x7, v4;
	v5 =	vand.u32 $0xFFFFFFC0, v5  }
0xb6: {  	v4 =	vor.u32 v4, v5  }
0xb7: {  	v5 =	vperm.xlane v4, v0;
	_ =	sdelay $0x1  }
0xb8: {  	v5 =	vadd.s32 v1, v5;
	_ =	sdelay $0x4  }
0xb9: {  	[tilespmem:s31], [sflag:$0x1] =	stream.indirect_vreg.gather [hbm4b:s1+s30], $0x80, v5, vm0, $0xb8;
	[tilespmem:$0x18200] =	vst v63  }
0xba: {  	s14 =	simm.s32 $0xA00;
	v4 =	vperm.xlane v4, v2  }
0xbb: {  	[tilespmem:s14], [sflag:$0x1] =	stream.indirect_vreg.gather [hbm4b:s7+s30], $0x80, v5, vm0, $0xb8;
	[tilespmem:$0x18200] =	vst v63  }
0xbc: {  	s15 =	simm.s32 $0x1200;
	v4 =	vadd.s32 v1, v4  }
0xbd: {  	[tilespmem:s15], [sflag:$0x1] =	stream.indirect_vreg.gather [hbm4b:s8+s30], $0x80, v5, vm0, $0xb8;
	[tilespmem:$0x18200] =	vst v63  }
0xbe: {  	s16 =	simm.s32 $0x1A00  }
0xbf: {  	[tilespmem:s16], [sflag:$0x1] =	stream.indirect_vreg.gather [hbm4b:s9+s30], $0x80, v5, vm0, $0xb8;
	[tilespmem:$0x18200] =	vst v63  }
0xc0: {  	s17 =	simm.s32 $0x2200  }
0xc1: {  	[tilespmem:s17], [sflag:$0x1] =	stream.indirect_vreg.gather [hbm4b:s1+s30], $0x80, v4, vm0, $0xb8;
	[tilespmem:$0x18200] =	vst v63  }
0xc2: {  	s18 =	simm.s32 $0x2A00  }
0xc3: {  	[tilespmem:s18], [sflag:$0x1] =	stream.indirect_vreg.gather [hbm4b:s7+s30], $0x80, v4, vm0, $0xb8;
	[tilespmem:$0x18200] =	vst v63  }
0xc4: {  	s6 =	simm.s32 $0x3200  }
0xc5: {  	[tilespmem:s6], [sflag:$0x1] =	stream.indirect_vreg.gather [hbm4b:s8+s30], $0x80, v4, vm0, $0xb8;
	[tilespmem:$0x18200] =	vst v63  }
0xc6: {  	s13 =	simm.s32 $0x3A00  }
0xc7: {  	[tilespmem:s13], [sflag:$0x1] =	stream.indirect_vreg.gather [hbm4b:s9+s30], $0x80, v4, vm0, $0xb8;
	[tilespmem:$0x18200] =	vst v63  }
0xc8: {  	v4 =	vld [tilespmem:$0x30];
	_ =	sdelay $0x4  }
0xc9: {  	v5 =	vshll.u32 v4, $0x3  }
0xca: {  	v4 =	vand.u32 $0x7, v4;
	v5 =	vand.u32 $0xFFFFFFC0, v5  }
0xcb: {  	v4 =	vor.u32 v4, v5  }
0xcc: {  	v5 =	vperm.xlane v4, v0;
	_ =	sdelay $0x1  }
0xcd: {  	v5 =	vadd.s32 v1, v5;
	_ =	sdelay $0x3  }
0xce: {  	s14 =	simm.s32 $0x4200  }
0xcf: {  	[tilespmem:s14], [sflag:$0x1] =	stream.indirect_vreg.gather [hbm4b:s1+s30], $0x80, v5, vm0, $0xb8;
	[tilespmem:$0x18200] =	vst v63  }
0xd0: {  	s15 =	simm.s32 $0x4A00;
	v4 =	vperm.xlane v4, v2  }
0xd1: {  	[tilespmem:s15], [sflag:$0x1] =	stream.indirect_vreg.gather [hbm4b:s7+s30], $0x80, v5, vm0, $0xb8;
	[tilespmem:$0x18200] =	vst v63  }
0xd2: {  	s16 =	simm.s32 $0x5200;
	v4 =	vadd.s32 v1, v4  }
0xd3: {  	[tilespmem:s16], [sflag:$0x1] =	stream.indirect_vreg.gather [hbm4b:s8+s30], $0x80, v5, vm0, $0xb8;
	[tilespmem:$0x18200] =	vst v63  }
0xd4: {  	s17 =	simm.s32 $0x5A00  }
0xd5: {  	[tilespmem:s17], [sflag:$0x1] =	stream.indirect_vreg.gather [hbm4b:s9+s30], $0x80, v5, vm0, $0xb8;
	[tilespmem:$0x18200] =	vst v63  }
0xd6: {  	s18 =	simm.s32 $0x6200  }
0xd7: {  	[tilespmem:s18], [sflag:$0x1] =	stream.indirect_vreg.gather [hbm4b:s1+s30], $0x80, v4, vm0, $0xb8;
	[tilespmem:$0x18200] =	vst v63  }
0xd8: {  	s6 =	simm.s32 $0x6A00  }
0xd9: {  	[tilespmem:s6], [sflag:$0x1] =	stream.indirect_vreg.gather [hbm4b:s7+s30], $0x80, v4, vm0, $0xb8;
	[tilespmem:$0x18200] =	vst v63  }
0xda: {  	s13 =	simm.s32 $0x7200  }
0xdb: {  	[tilespmem:s13], [sflag:$0x1] =	stream.indirect_vreg.gather [hbm4b:s8+s30], $0x80, v4, vm0, $0xb8;
	[tilespmem:$0x18200] =	vst v63  }
0xdc: {  	s14 =	simm.s32 $0x7A00  }
0xdd: {  	[tilespmem:s14], [sflag:$0x1] =	stream.indirect_vreg.gather [hbm4b:s9+s30], $0x80, v4, vm0, $0xb8;
	[tilespmem:$0x18200] =	vst v63  }
0xde: {  	v4 =	vld [tilespmem:$0x120];
	_ =	sdelay $0x4  }
0xdf: {  	v5 =	vshll.u32 v4, $0x3  }
0xe0: {  	v4 =	vand.u32 $0x3, v4;
	v5 =	vand.u32 $0xFFFFFFE0, v5  }
0xe1: {  	v4 =	vor.u32 v4, v5  }
0xe2: {  	v5 =	vperm.xlane v4, v0;
	_ =	sdelay $0x1  }
0xe3: {  	v5 =	vadd.s32 v3, v5;
	_ =	sdelay $0x3  }
0xe4: {  	s15 =	simm.s32 $0x10200  }
0xe5: {  	[tilespmem:s15], [sflag:$0x2] =	stream.indirect_vreg.gather [hbm4b:s2+s30], $0x80, v5, vm0, $0xb8;
	[tilespmem:$0x18200] =	vst v63  }
0xe6: {  	s16 =	simm.s32 $0x10A00;
	v4 =	vperm.xlane v4, v2  }
0xe7: {  	[tilespmem:s16], [sflag:$0x2] =	stream.indirect_vreg.gather [hbm4b:s10+s30], $0x80, v5, vm0, $0xb8;
	[tilespmem:$0x18200] =	vst v63  }
0xe8: {  	s17 =	simm.s32 $0x11200;
	v4 =	vadd.s32 v3, v4  }
0xe9: {  	[tilespmem:s17], [sflag:$0x2] =	stream.indirect_vreg.gather [hbm4b:s11+s30], $0x80, v5, vm0, $0xb8;
	[tilespmem:$0x18200] =	vst v63  }
0xea: {  	s18 =	simm.s32 $0x11A00  }
0xeb: {  	[tilespmem:s18], [sflag:$0x2] =	stream.indirect_vreg.gather [hbm4b:s12+s30], $0x80, v5, vm0, $0xb8;
	[tilespmem:$0x18200] =	vst v63  }
0xec: {  	s6 =	simm.s32 $0x12200  }
0xed: {  	[tilespmem:s6], [sflag:$0x2] =	stream.indirect_vreg.gather [hbm4b:s2+s30], $0x80, v4, vm0, $0xb8;
	[tilespmem:$0x18200] =	vst v63  }
0xee: {  	s13 =	simm.s32 $0x12A00  }
0xef: {  	[tilespmem:s13], [sflag:$0x2] =	stream.indirect_vreg.gather [hbm4b:s10+s30], $0x80, v4, vm0, $0xb8;
	[tilespmem:$0x18200] =	vst v63  }
0xf0: {  	s14 =	simm.s32 $0x13200  }
0xf1: {  	[tilespmem:s14], [sflag:$0x2] =	stream.indirect_vreg.gather [hbm4b:s11+s30], $0x80, v4, vm0, $0xb8;
	[tilespmem:$0x18200] =	vst v63  }
0xf2: {  	s15 =	simm.s32 $0x13A00  }
0xf3: {  	[tilespmem:s15], [sflag:$0x2] =	stream.indirect_vreg.gather [hbm4b:s12+s30], $0x80, v4, vm0, $0xb8;
	[tilespmem:$0x18200] =	vst v63  }
0xf4: {  	v4 =	vld [tilespmem:$0x130];
	_ =	sdelay $0x4  }
0xf5: {  	v5 =	vshll.u32 v4, $0x3  }
0xf6: {  	v4 =	vand.u32 $0x3, v4;
	v5 =	vand.u32 $0xFFFFFFE0, v5  }
0xf7: {  	v4 =	vor.u32 v4, v5  }
0xf8: {  	v5 =	vperm.xlane v4, v0;
	_ =	sdelay $0x1  }
0xf9: {  	v5 =	vadd.s32 v3, v5;
	_ =	sdelay $0x3  }
0xfa: {  	s16 =	simm.s32 $0x14200  }
0xfb: {  	[tilespmem:s16], [sflag:$0x2] =	stream.indirect_vreg.gather [hbm4b:s2+s30], $0x80, v5, vm0, $0xb8;
	[tilespmem:$0x18200] =	vst v63  }
0xfc: {  	s17 =	simm.s32 $0x14A00;
	v4 =	vperm.xlane v4, v2  }
0xfd: {  	[tilespmem:s17], [sflag:$0x2] =	stream.indirect_vreg.gather [hbm4b:s10+s30], $0x80, v5, vm0, $0xb8;
	[tilespmem:$0x18200] =	vst v63  }
0xfe: {  	v4 =	vadd.s32 v3, v4  }
0xff: {  	[tilespmem:s19], [sflag:$0x2] =	stream.indirect_vreg.gather [hbm4b:s11+s30], $0x80, v5, vm0, $0xb8;
	[tilespmem:$0x18200] =	vst v63  }
0x100: {  	_ = 	snop  }
0x101: {  	[tilespmem:s20], [sflag:$0x2] =	stream.indirect_vreg.gather [hbm4b:s12+s30], $0x80, v5, vm0, $0xb8;
	[tilespmem:$0x18200] =	vst v63  }
0x102: {  	_ = 	snop  }
0x103: {  	[tilespmem:s21], [sflag:$0x2] =	stream.indirect_vreg.gather [hbm4b:s2+s30], $0x80, v4, vm0, $0xb8;
	[tilespmem:$0x18200] =	vst v63  }
0x104: {  	_ = 	snop  }
0x105: {  	[tilespmem:s22], [sflag:$0x2] =	stream.indirect_vreg.gather [hbm4b:s10+s30], $0x80, v4, vm0, $0xb8;
	[tilespmem:$0x18200] =	vst v63  }
0x106: {  	_ = 	snop  }
0x107: {  	[tilespmem:s23], [sflag:$0x2] =	stream.indirect_vreg.gather [hbm4b:s11+s30], $0x80, v4, vm0, $0xb8;
	[tilespmem:$0x18200] =	vst v63  }
0x108: {  	_ = 	snop  }
0x109: {  	[tilespmem:s24], [sflag:$0x2] =	stream.indirect_vreg.gather [hbm4b:s12+s30], $0x80, v4, vm0, $0xb8;
	[tilespmem:$0x18200] =	vst v63  }
0x10a: {  	s18 =	rddreg [dreg:$0xb]  }
0x10b: {  	[tilespmem:s25], [sflag:$0x3] =	stream.linear.gather [hbm4b:s18+s30], $0x8000, $0x38;
	[tilespmem:$0x18200] =	vst v63  }
0x10c: {  	_ =	swait.ge [sflag:s0], $0x8000  }
0x10d: {  	[sflag:s0] =	ssyncset.done $0x0  }
0x10e: {  	[sflag:s0] =	ssyncadd.s32 $0xFFFF8000  }
0x10f: {  	_ =	swait.ge [sflag:s3], $0x8000  }
0x110: {  	[sflag:s3] =	ssyncset.done $0x0  }
0x111: {  	[sflag:s3] =	ssyncadd.s32 $0xFFFF8000  }
0x112: {  	_ =	swait.ge [sflag:s26], $0x8000  }
0x113: {  	[sflag:s26] =	ssyncset.done $0x0  }
0x114: {  	s13 =	simm.s32 $0x0;
	[sflag:s26] =	ssyncadd.s32 $0xFFFF8000  }
.LBB2_6:
0x115: {  	s5 =	sshll.u32 s13, $0xA;
	s6 =	sshll.u32 s13, $0x7  }
0x116: {  	s5 =	sand.u32 $0x6000, s5;
	s6 =	sand.u32 $0x380, s6  }
0x117: {  	s18 =	sand.u32 $0x40, s30;
	s5 =	sor.u32 s5, s6  }
0x118: {  	s14 =	sand.u32 $0x1C00, s30;
	s6 =	sor.u32 s18, s5  }
0x119: {  	s14 =	sor.u32 s14, s6  }
0x11a: {  	v6 =	vld [tilespmem:s14+$0x10200]  }
0x11b: {  	v5 =	vld [tilespmem:s14+$0x10210]  }
0x11c: {  	v7 =	vld [tilespmem:s14+$0x8200]  }
0x11d: {  	v4 =	vld [tilespmem:s14+$0x8210]  }
0x11e: {  	v12 =	vld [tilespmem:s14+$0x200]  }
0x11f: {  	v11 =	vld [tilespmem:s14+$0x210]  }
0x120: {  	v10 =	vld [tilespmem:s14+$0x220]  }
0x121: {  	v9 =	vld [tilespmem:s14+$0x230]  }
0x122: {  	s15 =	simm.s32 $0x40;
	s16 =	simm.s32 $0x0;
	s6 =	simm.s32 $0x0;
	v8 =	vld [tilespmem:s14+$0x8220]  }
.LBB2_7:
0x123: {  	s17 =	sand.u32 $0x40, s15;
	v12 =	vmul.f32 $3.200000000e+01, v12;
	v13 =	vld [tilespmem:s14+$0x8230];
	s16 =	sadd.s32 $0x200, s16  }
0x124: {  	s18 =	sand.u32 $0x1C00, s16;
	s17 =	sor.u32 s17, s5;
	v11 =	vmul.f32 $3.200000000e+01, v11;
	v14 =	vld [tilespmem:s14+$0x10220]  }
0x125: {  	s17 =	sor.u32 s18, s17;
	v7 =	vadd.f32 v7, v12;
	v10 =	vmul.f32 $3.200000000e+01, v10;
	v15 =	vld [tilespmem:s14+$0x10230]  }
0x126: {  	v16 =	vld [tilespmem:s17+$0x10200];
	v4 =	vadd.f32 v4, v11;
	v9 =	vmul.f32 $3.200000000e+01, v9  }
0x127: {  	v17 =	vld [tilespmem:s17+$0x10210];
	v6 =	vadd.f32 v6, v7;
	v8 =	vadd.f32 v8, v10  }
0x128: {  	s6 =	sadd.s32 $0x4, s6;
	v7 =	vld [tilespmem:s17+$0x8200];
	v5 =	vadd.f32 v5, v4;
	v9 =	vadd.f32 v13, v9  }
0x129: {  	p0 =	slt.u32 s6, $0x3C;
	v4 =	vld [tilespmem:s17+$0x8210];
	[tilespmem:s14+$0x200] =	vst v6;
	v8 =	vadd.f32 v14, v8  }
.Ltmp2:
0x12a: {  	v12 =	vld [tilespmem:s17+$0x200];
	[tilespmem:s14+$0x210] =	vst v5;
	v9 =	vadd.f32 v15, v9;
	(pc) =	sbr.rel @p0 .LBB2_7-.Ltmp2, $4  }
0x12b: {  	v11 =	vld [tilespmem:s17+$0x210];
	[tilespmem:s14+$0x220] =	vst v8;
	v6 =	vmov v16  }
0x12c: {  	v10 =	vld [tilespmem:s17+$0x220];
	[tilespmem:s14+$0x230] =	vst v9;
	v5 =	vmov v17;
	s14 =	smov.u32 s17  }
0x12d: {  	v9 =	vld [tilespmem:s14+$0x230]  }
0x12e: {  	s15 =	sadd.s32 $0x40, s15;
	v8 =	vld [tilespmem:s14+$0x8220]  }
0x12f: {  	v12 =	vmul.f32 $3.200000000e+01, v12;
	v13 =	vld [tilespmem:s14+$0x8230]  }
0x130: {  	v14 =	vld [tilespmem:s14+$0x10220];
	v11 =	vmul.f32 $3.200000000e+01, v11  }
0x131: {  	v61 =	vld [tilespmem:s14+$0x10230];
	v7 =	vadd.f32 v7, v12;
	v10 =	vmul.f32 $3.200000000e+01, v10  }
0x132: {  	s13 =	sadd.s32 $0x1, s13;
	v4 =	vadd.f32 v4, v11;
	v9 =	vmul.f32 $3.200000000e+01, v9  }
0x133: {  	p0 =	sne.s32 s13, $0x20;
	v6 =	vadd.f32 v6, v7;
	v62 =	vadd.f32 v8, v10  }
.Ltmp3:
0x134: {  	v4 =	vadd.f32 v5, v4;
	v5 =	vadd.f32 v13, v9;
	(pc) =	sbr.rel @p0 .LBB2_6-.Ltmp3, $4  }
0x135: {  	[tilespmem:s14+$0x200] =	vst v6;
	v63 =	vadd.f32 v14, v62  }
0x136: {  	[tilespmem:s14+$0x210] =	vst v4;
	v4 =	vadd.f32 v61, v5  }
0x137: {  	[tilespmem:s14+$0x220] =	vst v63  }
0x138: {  	[tilespmem:s14+$0x230] =	vst v4  }
0x139: {  	s30 =	simm.s32 $0x0;
	s5 =	rddreg [dreg:$0xc]  }
0x13a: {  	[hbm4b:s5+s30] =	stream.linear.scatter [tilespmem:s31], [sflag:$0x4], $0x8000, $0x38;
	[tilespmem:$0x18200] =	vst v63  }
0x13b: {  	_ =	swait.ge [sflag:s28], $0x8000  }
0x13c: {  	[sflag:s28] =	ssyncset.done $0x0  }
0x13d: {  	[sflag:s28] =	ssyncadd.s32 $0xFFFF8000  }
0x13e: {  	v4 =	vld [tilespmem:$0x40];
	_ =	sdelay $0x4  }
0x13f: {  	v5 =	vshll.u32 v4, $0x3  }
0x140: {  	v4 =	vand.u32 $0x7, v4;
	v5 =	vand.u32 $0xFFFFFFC0, v5  }
0x141: {  	v4 =	vor.u32 v4, v5  }
0x142: {  	v5 =	vperm.xlane v4, v0;
	_ =	sdelay $0x1  }
0x143: {  	v5 =	vadd.s32 v1, v5;
	_ =	sdelay $0x4  }
0x144: {  	[tilespmem:s31], [sflag:$0x1] =	stream.indirect_vreg.gather [hbm4b:s1+s30], $0x80, v5, vm0, $0xb8;
	[tilespmem:$0x18200] =	vst v63  }
0x145: {  	s14 =	simm.s32 $0xA00;
	v4 =	vperm.xlane v4, v2  }
0x146: {  	[tilespmem:s14], [sflag:$0x1] =	stream.indirect_vreg.gather [hbm4b:s7+s30], $0x80, v5, vm0, $0xb8;
	[tilespmem:$0x18200] =	vst v63  }
0x147: {  	s15 =	simm.s32 $0x1200;
	v4 =	vadd.s32 v1, v4  }
0x148: {  	[tilespmem:s15], [sflag:$0x1] =	stream.indirect_vreg.gather [hbm4b:s8+s30], $0x80, v5, vm0, $0xb8;
	[tilespmem:$0x18200] =	vst v63  }
0x149: {  	s16 =	simm.s32 $0x1A00  }
0x14a: {  	[tilespmem:s16], [sflag:$0x1] =	stream.indirect_vreg.gather [hbm4b:s9+s30], $0x80, v5, vm0, $0xb8;
	[tilespmem:$0x18200] =	vst v63  }
0x14b: {  	s17 =	simm.s32 $0x2200  }
0x14c: {  	[tilespmem:s17], [sflag:$0x1] =	stream.indirect_vreg.gather [hbm4b:s1+s30], $0x80, v4, vm0, $0xb8;
	[tilespmem:$0x18200] =	vst v63  }
0x14d: {  	s18 =	simm.s32 $0x2A00  }
0x14e: {  	[tilespmem:s18], [sflag:$0x1] =	stream.indirect_vreg.gather [hbm4b:s7+s30], $0x80, v4, vm0, $0xb8;
	[tilespmem:$0x18200] =	vst v63  }
0x14f: {  	s6 =	simm.s32 $0x3200  }
0x150: {  	[tilespmem:s6], [sflag:$0x1] =	stream.indirect_vreg.gather [hbm4b:s8+s30], $0x80, v4, vm0, $0xb8;
	[tilespmem:$0x18200] =	vst v63  }
0x151: {  	s13 =	simm.s32 $0x3A00  }
0x152: {  	[tilespmem:s13], [sflag:$0x1] =	stream.indirect_vreg.gather [hbm4b:s9+s30], $0x80, v4, vm0, $0xb8;
	[tilespmem:$0x18200] =	vst v63  }
0x153: {  	v4 =	vld [tilespmem:$0x50];
	_ =	sdelay $0x4  }
0x154: {  	v5 =	vshll.u32 v4, $0x3  }
0x155: {  	v4 =	vand.u32 $0x7, v4;
	v5 =	vand.u32 $0xFFFFFFC0, v5  }
0x156: {  	v4 =	vor.u32 v4, v5  }
0x157: {  	v5 =	vperm.xlane v4, v0;
	_ =	sdelay $0x1  }
0x158: {  	v5 =	vadd.s32 v1, v5;
	_ =	sdelay $0x3  }
0x159: {  	s14 =	simm.s32 $0x4200  }
0x15a: {  	[tilespmem:s14], [sflag:$0x1] =	stream.indirect_vreg.gather [hbm4b:s1+s30], $0x80, v5, vm0, $0xb8;
	[tilespmem:$0x18200] =	vst v63  }
0x15b: {  	s15 =	simm.s32 $0x4A00;
	v4 =	vperm.xlane v4, v2  }
0x15c: {  	[tilespmem:s15], [sflag:$0x1] =	stream.indirect_vreg.gather [hbm4b:s7+s30], $0x80, v5, vm0, $0xb8;
	[tilespmem:$0x18200] =	vst v63  }
0x15d: {  	s16 =	simm.s32 $0x5200;
	v4 =	vadd.s32 v1, v4  }
0x15e: {  	[tilespmem:s16], [sflag:$0x1] =	stream.indirect_vreg.gather [hbm4b:s8+s30], $0x80, v5, vm0, $0xb8;
	[tilespmem:$0x18200] =	vst v63  }
0x15f: {  	s17 =	simm.s32 $0x5A00  }
0x160: {  	[tilespmem:s17], [sflag:$0x1] =	stream.indirect_vreg.gather [hbm4b:s9+s30], $0x80, v5, vm0, $0xb8;
	[tilespmem:$0x18200] =	vst v63  }
0x161: {  	s18 =	simm.s32 $0x6200  }
0x162: {  	[tilespmem:s18], [sflag:$0x1] =	stream.indirect_vreg.gather [hbm4b:s1+s30], $0x80, v4, vm0, $0xb8;
	[tilespmem:$0x18200] =	vst v63  }
0x163: {  	s6 =	simm.s32 $0x6A00  }
0x164: {  	[tilespmem:s6], [sflag:$0x1] =	stream.indirect_vreg.gather [hbm4b:s7+s30], $0x80, v4, vm0, $0xb8;
	[tilespmem:$0x18200] =	vst v63  }
0x165: {  	s13 =	simm.s32 $0x7200  }
0x166: {  	[tilespmem:s13], [sflag:$0x1] =	stream.indirect_vreg.gather [hbm4b:s8+s30], $0x80, v4, vm0, $0xb8;
	[tilespmem:$0x18200] =	vst v63  }
0x167: {  	s14 =	simm.s32 $0x7A00  }
0x168: {  	[tilespmem:s14], [sflag:$0x1] =	stream.indirect_vreg.gather [hbm4b:s9+s30], $0x80, v4, vm0, $0xb8;
	[tilespmem:$0x18200] =	vst v63  }
0x169: {  	v4 =	vld [tilespmem:$0x140];
	_ =	sdelay $0x4  }
0x16a: {  	v5 =	vshll.u32 v4, $0x3  }
0x16b: {  	v4 =	vand.u32 $0x3, v4;
	v5 =	vand.u32 $0xFFFFFFE0, v5  }
0x16c: {  	v4 =	vor.u32 v4, v5  }
0x16d: {  	v5 =	vperm.xlane v4, v0;
	_ =	sdelay $0x1  }
0x16e: {  	v5 =	vadd.s32 v3, v5;
	_ =	sdelay $0x3  }
0x16f: {  	s15 =	simm.s32 $0x10200  }
0x170: {  	[tilespmem:s15], [sflag:$0x2] =	stream.indirect_vreg.gather [hbm4b:s2+s30], $0x80, v5, vm0, $0xb8;
	[tilespmem:$0x18200] =	vst v63  }
0x171: {  	s16 =	simm.s32 $0x10A00;
	v4 =	vperm.xlane v4, v2  }
0x172: {  	[tilespmem:s16], [sflag:$0x2] =	stream.indirect_vreg.gather [hbm4b:s10+s30], $0x80, v5, vm0, $0xb8;
	[tilespmem:$0x18200] =	vst v63  }
0x173: {  	s17 =	simm.s32 $0x11200;
	v4 =	vadd.s32 v3, v4  }
0x174: {  	[tilespmem:s17], [sflag:$0x2] =	stream.indirect_vreg.gather [hbm4b:s11+s30], $0x80, v5, vm0, $0xb8;
	[tilespmem:$0x18200] =	vst v63  }
0x175: {  	s18 =	simm.s32 $0x11A00  }
0x176: {  	[tilespmem:s18], [sflag:$0x2] =	stream.indirect_vreg.gather [hbm4b:s12+s30], $0x80, v5, vm0, $0xb8;
	[tilespmem:$0x18200] =	vst v63  }
0x177: {  	s6 =	simm.s32 $0x12200  }
0x178: {  	[tilespmem:s6], [sflag:$0x2] =	stream.indirect_vreg.gather [hbm4b:s2+s30], $0x80, v4, vm0, $0xb8;
	[tilespmem:$0x18200] =	vst v63  }
0x179: {  	s13 =	simm.s32 $0x12A00  }
0x17a: {  	[tilespmem:s13], [sflag:$0x2] =	stream.indirect_vreg.gather [hbm4b:s10+s30], $0x80, v4, vm0, $0xb8;
	[tilespmem:$0x18200] =	vst v63  }
0x17b: {  	s14 =	simm.s32 $0x13200  }
0x17c: {  	[tilespmem:s14], [sflag:$0x2] =	stream.indirect_vreg.gather [hbm4b:s11+s30], $0x80, v4, vm0, $0xb8;
	[tilespmem:$0x18200] =	vst v63  }
0x17d: {  	s15 =	simm.s32 $0x13A00  }
0x17e: {  	[tilespmem:s15], [sflag:$0x2] =	stream.indirect_vreg.gather [hbm4b:s12+s30], $0x80, v4, vm0, $0xb8;
	[tilespmem:$0x18200] =	vst v63  }
0x17f: {  	v4 =	vld [tilespmem:$0x150];
	_ =	sdelay $0x4  }
0x180: {  	v5 =	vshll.u32 v4, $0x3  }
0x181: {  	v4 =	vand.u32 $0x3, v4;
	v5 =	vand.u32 $0xFFFFFFE0, v5  }
0x182: {  	v4 =	vor.u32 v4, v5  }
0x183: {  	v5 =	vperm.xlane v4, v0;
	_ =	sdelay $0x1  }
0x184: {  	v5 =	vadd.s32 v3, v5;
	_ =	sdelay $0x3  }
0x185: {  	s16 =	simm.s32 $0x14200  }
0x186: {  	[tilespmem:s16], [sflag:$0x2] =	stream.indirect_vreg.gather [hbm4b:s2+s30], $0x80, v5, vm0, $0xb8;
	[tilespmem:$0x18200] =	vst v63  }
0x187: {  	s17 =	simm.s32 $0x14A00;
	v4 =	vperm.xlane v4, v2  }
0x188: {  	[tilespmem:s17], [sflag:$0x2] =	stream.indirect_vreg.gather [hbm4b:s10+s30], $0x80, v5, vm0, $0xb8;
	[tilespmem:$0x18200] =	vst v63  }
0x189: {  	v4 =	vadd.s32 v3, v4  }
0x18a: {  	[tilespmem:s19], [sflag:$0x2] =	stream.indirect_vreg.gather [hbm4b:s11+s30], $0x80, v5, vm0, $0xb8;
	[tilespmem:$0x18200] =	vst v63  }
0x18b: {  	_ = 	snop  }
0x18c: {  	[tilespmem:s20], [sflag:$0x2] =	stream.indirect_vreg.gather [hbm4b:s12+s30], $0x80, v5, vm0, $0xb8;
	[tilespmem:$0x18200] =	vst v63  }
0x18d: {  	_ = 	snop  }
0x18e: {  	[tilespmem:s21], [sflag:$0x2] =	stream.indirect_vreg.gather [hbm4b:s2+s30], $0x80, v4, vm0, $0xb8;
	[tilespmem:$0x18200] =	vst v63  }
0x18f: {  	_ = 	snop  }
0x190: {  	[tilespmem:s22], [sflag:$0x2] =	stream.indirect_vreg.gather [hbm4b:s10+s30], $0x80, v4, vm0, $0xb8;
	[tilespmem:$0x18200] =	vst v63  }
0x191: {  	_ = 	snop  }
0x192: {  	[tilespmem:s23], [sflag:$0x2] =	stream.indirect_vreg.gather [hbm4b:s11+s30], $0x80, v4, vm0, $0xb8;
	[tilespmem:$0x18200] =	vst v63  }
0x193: {  	_ = 	snop  }
0x194: {  	[tilespmem:s24], [sflag:$0x2] =	stream.indirect_vreg.gather [hbm4b:s12+s30], $0x80, v4, vm0, $0xb8;
	[tilespmem:$0x18200] =	vst v63  }
0x195: {  	s18 =	rddreg [dreg:$0xd]  }
0x196: {  	[tilespmem:s25], [sflag:$0x3] =	stream.linear.gather [hbm4b:s18+s30], $0x8000, $0x38;
	[tilespmem:$0x18200] =	vst v63  }
0x197: {  	_ =	swait.ge [sflag:s0], $0x8000  }
0x198: {  	[sflag:s0] =	ssyncset.done $0x0  }
0x199: {  	[sflag:s0] =	ssyncadd.s32 $0xFFFF8000  }
0x19a: {  	_ =	swait.ge [sflag:s3], $0x8000  }
0x19b: {  	[sflag:s3] =	ssyncset.done $0x0  }
0x19c: {  	[sflag:s3] =	ssyncadd.s32 $0xFFFF8000  }
0x19d: {  	_ =	swait.ge [sflag:s26], $0x8000  }
0x19e: {  	[sflag:s26] =	ssyncset.done $0x0  }
0x19f: {  	s13 =	simm.s32 $0x0;
	[sflag:s26] =	ssyncadd.s32 $0xFFFF8000  }
.LBB2_10:
0x1a0: {  	s5 =	sshll.u32 s13, $0xA;
	s6 =	sshll.u32 s13, $0x7  }
0x1a1: {  	s5 =	sand.u32 $0x6000, s5;
	s6 =	sand.u32 $0x380, s6  }
0x1a2: {  	s18 =	sand.u32 $0x40, s30;
	s5 =	sor.u32 s5, s6  }
0x1a3: {  	s14 =	sand.u32 $0x1C00, s30;
	s6 =	sor.u32 s18, s5  }
0x1a4: {  	s14 =	sor.u32 s14, s6  }
0x1a5: {  	v6 =	vld [tilespmem:s14+$0x10200]  }
0x1a6: {  	v5 =	vld [tilespmem:s14+$0x10210]  }
0x1a7: {  	v7 =	vld [tilespmem:s14+$0x8200]  }
0x1a8: {  	v4 =	vld [tilespmem:s14+$0x8210]  }
0x1a9: {  	v12 =	vld [tilespmem:s14+$0x200]  }
0x1aa: {  	v11 =	vld [tilespmem:s14+$0x210]  }
0x1ab: {  	v10 =	vld [tilespmem:s14+$0x220]  }
0x1ac: {  	v9 =	vld [tilespmem:s14+$0x230]  }
0x1ad: {  	s15 =	simm.s32 $0x40;
	s16 =	simm.s32 $0x0;
	s6 =	simm.s32 $0x0;
	v8 =	vld [tilespmem:s14+$0x8220]  }
.LBB2_11:
0x1ae: {  	s17 =	sand.u32 $0x40, s15;
	v12 =	vmul.f32 $3.200000000e+01, v12;
	v13 =	vld [tilespmem:s14+$0x8230];
	s16 =	sadd.s32 $0x200, s16  }
0x1af: {  	s18 =	sand.u32 $0x1C00, s16;
	s17 =	sor.u32 s17, s5;
	v11 =	vmul.f32 $3.200000000e+01, v11;
	v14 =	vld [tilespmem:s14+$0x10220]  }
0x1b0: {  	s17 =	sor.u32 s18, s17;
	v7 =	vadd.f32 v7, v12;
	v10 =	vmul.f32 $3.200000000e+01, v10;
	v15 =	vld [tilespmem:s14+$0x10230]  }
0x1b1: {  	v16 =	vld [tilespmem:s17+$0x10200];
	v4 =	vadd.f32 v4, v11;
	v9 =	vmul.f32 $3.200000000e+01, v9  }
0x1b2: {  	v17 =	vld [tilespmem:s17+$0x10210];
	v6 =	vadd.f32 v6, v7;
	v8 =	vadd.f32 v8, v10  }
0x1b3: {  	s6 =	sadd.s32 $0x4, s6;
	v7 =	vld [tilespmem:s17+$0x8200];
	v5 =	vadd.f32 v5, v4;
	v9 =	vadd.f32 v13, v9  }
0x1b4: {  	p0 =	slt.u32 s6, $0x3C;
	v4 =	vld [tilespmem:s17+$0x8210];
	[tilespmem:s14+$0x200] =	vst v6;
	v8 =	vadd.f32 v14, v8  }
.Ltmp4:
0x1b5: {  	v12 =	vld [tilespmem:s17+$0x200];
	[tilespmem:s14+$0x210] =	vst v5;
	v9 =	vadd.f32 v15, v9;
	(pc) =	sbr.rel @p0 .LBB2_11-.Ltmp4, $4  }
0x1b6: {  	v11 =	vld [tilespmem:s17+$0x210];
	[tilespmem:s14+$0x220] =	vst v8;
	v6 =	vmov v16  }
0x1b7: {  	v10 =	vld [tilespmem:s17+$0x220];
	[tilespmem:s14+$0x230] =	vst v9;
	v5 =	vmov v17;
	s14 =	smov.u32 s17  }
0x1b8: {  	v9 =	vld [tilespmem:s14+$0x230]  }
0x1b9: {  	s15 =	sadd.s32 $0x40, s15;
	v8 =	vld [tilespmem:s14+$0x8220]  }
0x1ba: {  	v12 =	vmul.f32 $3.200000000e+01, v12;
	v13 =	vld [tilespmem:s14+$0x8230]  }
0x1bb: {  	v14 =	vld [tilespmem:s14+$0x10220];
	v11 =	vmul.f32 $3.200000000e+01, v11  }
0x1bc: {  	v61 =	vld [tilespmem:s14+$0x10230];
	v7 =	vadd.f32 v7, v12;
	v10 =	vmul.f32 $3.200000000e+01, v10  }
0x1bd: {  	s13 =	sadd.s32 $0x1, s13;
	v4 =	vadd.f32 v4, v11;
	v9 =	vmul.f32 $3.200000000e+01, v9  }
0x1be: {  	p0 =	sne.s32 s13, $0x20;
	v6 =	vadd.f32 v6, v7;
	v62 =	vadd.f32 v8, v10  }
.Ltmp5:
0x1bf: {  	v4 =	vadd.f32 v5, v4;
	v5 =	vadd.f32 v13, v9;
	(pc) =	sbr.rel @p0 .LBB2_10-.Ltmp5, $4  }
0x1c0: {  	[tilespmem:s14+$0x200] =	vst v6;
	v63 =	vadd.f32 v14, v62  }
0x1c1: {  	[tilespmem:s14+$0x210] =	vst v4;
	v4 =	vadd.f32 v61, v5  }
0x1c2: {  	[tilespmem:s14+$0x220] =	vst v63  }
0x1c3: {  	[tilespmem:s14+$0x230] =	vst v4  }
0x1c4: {  	s30 =	simm.s32 $0x0;
	s5 =	rddreg [dreg:$0xe]  }
0x1c5: {  	[hbm4b:s5+s30] =	stream.linear.scatter [tilespmem:s31], [sflag:$0x4], $0x8000, $0x38;
	[tilespmem:$0x18200] =	vst v63  }
0x1c6: {  	_ =	swait.ge [sflag:s28], $0x8000  }
0x1c7: {  	[sflag:s28] =	ssyncset.done $0x0  }
0x1c8: {  	[sflag:s28] =	ssyncadd.s32 $0xFFFF8000  }
0x1c9: {  	v4 =	vld [tilespmem:$0x60];
	_ =	sdelay $0x4  }
0x1ca: {  	v5 =	vshll.u32 v4, $0x3  }
0x1cb: {  	v4 =	vand.u32 $0x7, v4;
	v5 =	vand.u32 $0xFFFFFFC0, v5  }
0x1cc: {  	v4 =	vor.u32 v4, v5  }
0x1cd: {  	v5 =	vperm.xlane v4, v0;
	_ =	sdelay $0x1  }
0x1ce: {  	v5 =	vadd.s32 v1, v5;
	_ =	sdelay $0x4  }
0x1cf: {  	[tilespmem:s31], [sflag:$0x1] =	stream.indirect_vreg.gather [hbm4b:s1+s30], $0x80, v5, vm0, $0xb8;
	[tilespmem:$0x18200] =	vst v63  }
0x1d0: {  	s14 =	simm.s32 $0xA00;
	v4 =	vperm.xlane v4, v2  }
0x1d1: {  	[tilespmem:s14], [sflag:$0x1] =	stream.indirect_vreg.gather [hbm4b:s7+s30], $0x80, v5, vm0, $0xb8;
	[tilespmem:$0x18200] =	vst v63  }
0x1d2: {  	s15 =	simm.s32 $0x1200;
	v4 =	vadd.s32 v1, v4  }
0x1d3: {  	[tilespmem:s15], [sflag:$0x1] =	stream.indirect_vreg.gather [hbm4b:s8+s30], $0x80, v5, vm0, $0xb8;
	[tilespmem:$0x18200] =	vst v63  }
0x1d4: {  	s16 =	simm.s32 $0x1A00  }
0x1d5: {  	[tilespmem:s16], [sflag:$0x1] =	stream.indirect_vreg.gather [hbm4b:s9+s30], $0x80, v5, vm0, $0xb8;
	[tilespmem:$0x18200] =	vst v63  }
0x1d6: {  	s17 =	simm.s32 $0x2200  }
0x1d7: {  	[tilespmem:s17], [sflag:$0x1] =	stream.indirect_vreg.gather [hbm4b:s1+s30], $0x80, v4, vm0, $0xb8;
	[tilespmem:$0x18200] =	vst v63  }
0x1d8: {  	s18 =	simm.s32 $0x2A00  }
0x1d9: {  	[tilespmem:s18], [sflag:$0x1] =	stream.indirect_vreg.gather [hbm4b:s7+s30], $0x80, v4, vm0, $0xb8;
	[tilespmem:$0x18200] =	vst v63  }
0x1da: {  	s6 =	simm.s32 $0x3200  }
0x1db: {  	[tilespmem:s6], [sflag:$0x1] =	stream.indirect_vreg.gather [hbm4b:s8+s30], $0x80, v4, vm0, $0xb8;
	[tilespmem:$0x18200] =	vst v63  }
0x1dc: {  	s13 =	simm.s32 $0x3A00  }
0x1dd: {  	[tilespmem:s13], [sflag:$0x1] =	stream.indirect_vreg.gather [hbm4b:s9+s30], $0x80, v4, vm0, $0xb8;
	[tilespmem:$0x18200] =	vst v63  }
0x1de: {  	v4 =	vld [tilespmem:$0x70];
	_ =	sdelay $0x4  }
0x1df: {  	v5 =	vshll.u32 v4, $0x3  }
0x1e0: {  	v4 =	vand.u32 $0x7, v4;
	v5 =	vand.u32 $0xFFFFFFC0, v5  }
0x1e1: {  	v4 =	vor.u32 v4, v5  }
0x1e2: {  	v5 =	vperm.xlane v4, v0;
	_ =	sdelay $0x1  }
0x1e3: {  	v5 =	vadd.s32 v1, v5;
	_ =	sdelay $0x3  }
0x1e4: {  	s14 =	simm.s32 $0x4200  }
0x1e5: {  	[tilespmem:s14], [sflag:$0x1] =	stream.indirect_vreg.gather [hbm4b:s1+s30], $0x80, v5, vm0, $0xb8;
	[tilespmem:$0x18200] =	vst v63  }
0x1e6: {  	s15 =	simm.s32 $0x4A00;
	v4 =	vperm.xlane v4, v2  }
0x1e7: {  	[tilespmem:s15], [sflag:$0x1] =	stream.indirect_vreg.gather [hbm4b:s7+s30], $0x80, v5, vm0, $0xb8;
	[tilespmem:$0x18200] =	vst v63  }
0x1e8: {  	s16 =	simm.s32 $0x5200;
	v4 =	vadd.s32 v1, v4  }
0x1e9: {  	[tilespmem:s16], [sflag:$0x1] =	stream.indirect_vreg.gather [hbm4b:s8+s30], $0x80, v5, vm0, $0xb8;
	[tilespmem:$0x18200] =	vst v63  }
0x1ea: {  	s17 =	simm.s32 $0x5A00  }
0x1eb: {  	[tilespmem:s17], [sflag:$0x1] =	stream.indirect_vreg.gather [hbm4b:s9+s30], $0x80, v5, vm0, $0xb8;
	[tilespmem:$0x18200] =	vst v63  }
0x1ec: {  	s18 =	simm.s32 $0x6200  }
0x1ed: {  	[tilespmem:s18], [sflag:$0x1] =	stream.indirect_vreg.gather [hbm4b:s1+s30], $0x80, v4, vm0, $0xb8;
	[tilespmem:$0x18200] =	vst v63  }
0x1ee: {  	s6 =	simm.s32 $0x6A00  }
0x1ef: {  	[tilespmem:s6], [sflag:$0x1] =	stream.indirect_vreg.gather [hbm4b:s7+s30], $0x80, v4, vm0, $0xb8;
	[tilespmem:$0x18200] =	vst v63  }
0x1f0: {  	s13 =	simm.s32 $0x7200  }
0x1f1: {  	[tilespmem:s13], [sflag:$0x1] =	stream.indirect_vreg.gather [hbm4b:s8+s30], $0x80, v4, vm0, $0xb8;
	[tilespmem:$0x18200] =	vst v63  }
0x1f2: {  	s14 =	simm.s32 $0x7A00  }
0x1f3: {  	[tilespmem:s14], [sflag:$0x1] =	stream.indirect_vreg.gather [hbm4b:s9+s30], $0x80, v4, vm0, $0xb8;
	[tilespmem:$0x18200] =	vst v63  }
0x1f4: {  	v4 =	vld [tilespmem:$0x160];
	_ =	sdelay $0x4  }
0x1f5: {  	v5 =	vshll.u32 v4, $0x3  }
0x1f6: {  	v4 =	vand.u32 $0x3, v4;
	v5 =	vand.u32 $0xFFFFFFE0, v5  }
0x1f7: {  	v4 =	vor.u32 v4, v5  }
0x1f8: {  	v5 =	vperm.xlane v4, v0;
	_ =	sdelay $0x1  }
0x1f9: {  	v5 =	vadd.s32 v3, v5;
	_ =	sdelay $0x3  }
0x1fa: {  	s15 =	simm.s32 $0x10200  }
0x1fb: {  	[tilespmem:s15], [sflag:$0x2] =	stream.indirect_vreg.gather [hbm4b:s2+s30], $0x80, v5, vm0, $0xb8;
	[tilespmem:$0x18200] =	vst v63  }
0x1fc: {  	s16 =	simm.s32 $0x10A00;
	v4 =	vperm.xlane v4, v2  }
0x1fd: {  	[tilespmem:s16], [sflag:$0x2] =	stream.indirect_vreg.gather [hbm4b:s10+s30], $0x80, v5, vm0, $0xb8;
	[tilespmem:$0x18200] =	vst v63  }
0x1fe: {  	s17 =	simm.s32 $0x11200;
	v4 =	vadd.s32 v3, v4  }
0x1ff: {  	[tilespmem:s17], [sflag:$0x2] =	stream.indirect_vreg.gather [hbm4b:s11+s30], $0x80, v5, vm0, $0xb8;
	[tilespmem:$0x18200] =	vst v63  }
0x200: {  	s18 =	simm.s32 $0x11A00  }
0x201: {  	[tilespmem:s18], [sflag:$0x2] =	stream.indirect_vreg.gather [hbm4b:s12+s30], $0x80, v5, vm0, $0xb8;
	[tilespmem:$0x18200] =	vst v63  }
0x202: {  	s6 =	simm.s32 $0x12200  }
0x203: {  	[tilespmem:s6], [sflag:$0x2] =	stream.indirect_vreg.gather [hbm4b:s2+s30], $0x80, v4, vm0, $0xb8;
	[tilespmem:$0x18200] =	vst v63  }
0x204: {  	s13 =	simm.s32 $0x12A00  }
0x205: {  	[tilespmem:s13], [sflag:$0x2] =	stream.indirect_vreg.gather [hbm4b:s10+s30], $0x80, v4, vm0, $0xb8;
	[tilespmem:$0x18200] =	vst v63  }
0x206: {  	s14 =	simm.s32 $0x13200  }
0x207: {  	[tilespmem:s14], [sflag:$0x2] =	stream.indirect_vreg.gather [hbm4b:s11+s30], $0x80, v4, vm0, $0xb8;
	[tilespmem:$0x18200] =	vst v63  }
0x208: {  	s15 =	simm.s32 $0x13A00  }
0x209: {  	[tilespmem:s15], [sflag:$0x2] =	stream.indirect_vreg.gather [hbm4b:s12+s30], $0x80, v4, vm0, $0xb8;
	[tilespmem:$0x18200] =	vst v63  }
0x20a: {  	v4 =	vld [tilespmem:$0x170];
	_ =	sdelay $0x4  }
0x20b: {  	v5 =	vshll.u32 v4, $0x3  }
0x20c: {  	v4 =	vand.u32 $0x3, v4;
	v5 =	vand.u32 $0xFFFFFFE0, v5  }
0x20d: {  	v4 =	vor.u32 v4, v5  }
0x20e: {  	v5 =	vperm.xlane v4, v0;
	_ =	sdelay $0x1  }
0x20f: {  	v5 =	vadd.s32 v3, v5;
	_ =	sdelay $0x3  }
0x210: {  	s16 =	simm.s32 $0x14200  }
0x211: {  	[tilespmem:s16], [sflag:$0x2] =	stream.indirect_vreg.gather [hbm4b:s2+s30], $0x80, v5, vm0, $0xb8;
	[tilespmem:$0x18200] =	vst v63  }
0x212: {  	s17 =	simm.s32 $0x14A00;
	v4 =	vperm.xlane v4, v2  }
0x213: {  	[tilespmem:s17], [sflag:$0x2] =	stream.indirect_vreg.gather [hbm4b:s10+s30], $0x80, v5, vm0, $0xb8;
	[tilespmem:$0x18200] =	vst v63  }
0x214: {  	v4 =	vadd.s32 v3, v4  }
0x215: {  	[tilespmem:s19], [sflag:$0x2] =	stream.indirect_vreg.gather [hbm4b:s11+s30], $0x80, v5, vm0, $0xb8;
	[tilespmem:$0x18200] =	vst v63  }
0x216: {  	_ = 	snop  }
0x217: {  	[tilespmem:s20], [sflag:$0x2] =	stream.indirect_vreg.gather [hbm4b:s12+s30], $0x80, v5, vm0, $0xb8;
	[tilespmem:$0x18200] =	vst v63  }
0x218: {  	_ = 	snop  }
0x219: {  	[tilespmem:s21], [sflag:$0x2] =	stream.indirect_vreg.gather [hbm4b:s2+s30], $0x80, v4, vm0, $0xb8;
	[tilespmem:$0x18200] =	vst v63  }
0x21a: {  	_ = 	snop  }
0x21b: {  	[tilespmem:s22], [sflag:$0x2] =	stream.indirect_vreg.gather [hbm4b:s10+s30], $0x80, v4, vm0, $0xb8;
	[tilespmem:$0x18200] =	vst v63  }
0x21c: {  	_ = 	snop  }
0x21d: {  	[tilespmem:s23], [sflag:$0x2] =	stream.indirect_vreg.gather [hbm4b:s11+s30], $0x80, v4, vm0, $0xb8;
	[tilespmem:$0x18200] =	vst v63  }
0x21e: {  	_ = 	snop  }
0x21f: {  	[tilespmem:s24], [sflag:$0x2] =	stream.indirect_vreg.gather [hbm4b:s12+s30], $0x80, v4, vm0, $0xb8;
	[tilespmem:$0x18200] =	vst v63  }
0x220: {  	s18 =	rddreg [dreg:$0xf]  }
0x221: {  	[tilespmem:s25], [sflag:$0x3] =	stream.linear.gather [hbm4b:s18+s30], $0x8000, $0x38;
	[tilespmem:$0x18200] =	vst v63  }
0x222: {  	_ =	swait.ge [sflag:s0], $0x8000  }
0x223: {  	[sflag:s0] =	ssyncset.done $0x0  }
0x224: {  	[sflag:s0] =	ssyncadd.s32 $0xFFFF8000  }
0x225: {  	_ =	swait.ge [sflag:s3], $0x8000  }
0x226: {  	[sflag:s3] =	ssyncset.done $0x0  }
0x227: {  	[sflag:s3] =	ssyncadd.s32 $0xFFFF8000  }
0x228: {  	_ =	swait.ge [sflag:s26], $0x8000  }
0x229: {  	[sflag:s26] =	ssyncset.done $0x0  }
0x22a: {  	s13 =	simm.s32 $0x0;
	[sflag:s26] =	ssyncadd.s32 $0xFFFF8000  }
.LBB2_14:
0x22b: {  	s5 =	sshll.u32 s13, $0xA;
	s6 =	sshll.u32 s13, $0x7  }
0x22c: {  	s5 =	sand.u32 $0x6000, s5;
	s6 =	sand.u32 $0x380, s6  }
0x22d: {  	s18 =	sand.u32 $0x40, s30;
	s5 =	sor.u32 s5, s6  }
0x22e: {  	s14 =	sand.u32 $0x1C00, s30;
	s6 =	sor.u32 s18, s5  }
0x22f: {  	s14 =	sor.u32 s14, s6  }
0x230: {  	v6 =	vld [tilespmem:s14+$0x10200]  }
0x231: {  	v5 =	vld [tilespmem:s14+$0x10210]  }
0x232: {  	v7 =	vld [tilespmem:s14+$0x8200]  }
0x233: {  	v4 =	vld [tilespmem:s14+$0x8210]  }
0x234: {  	v12 =	vld [tilespmem:s14+$0x200]  }
0x235: {  	v11 =	vld [tilespmem:s14+$0x210]  }
0x236: {  	v10 =	vld [tilespmem:s14+$0x220]  }
0x237: {  	v9 =	vld [tilespmem:s14+$0x230]  }
0x238: {  	s15 =	simm.s32 $0x40;
	s16 =	simm.s32 $0x0;
	s6 =	simm.s32 $0x0;
	v8 =	vld [tilespmem:s14+$0x8220]  }
.LBB2_15:
0x239: {  	s17 =	sand.u32 $0x40, s15;
	v12 =	vmul.f32 $3.200000000e+01, v12;
	v13 =	vld [tilespmem:s14+$0x8230];
	s16 =	sadd.s32 $0x200, s16  }
0x23a: {  	s18 =	sand.u32 $0x1C00, s16;
	s17 =	sor.u32 s17, s5;
	v11 =	vmul.f32 $3.200000000e+01, v11;
	v14 =	vld [tilespmem:s14+$0x10220]  }
0x23b: {  	s17 =	sor.u32 s18, s17;
	v7 =	vadd.f32 v7, v12;
	v10 =	vmul.f32 $3.200000000e+01, v10;
	v15 =	vld [tilespmem:s14+$0x10230]  }
0x23c: {  	v16 =	vld [tilespmem:s17+$0x10200];
	v4 =	vadd.f32 v4, v11;
	v9 =	vmul.f32 $3.200000000e+01, v9  }
0x23d: {  	v17 =	vld [tilespmem:s17+$0x10210];
	v6 =	vadd.f32 v6, v7;
	v8 =	vadd.f32 v8, v10  }
0x23e: {  	s6 =	sadd.s32 $0x4, s6;
	v7 =	vld [tilespmem:s17+$0x8200];
	v5 =	vadd.f32 v5, v4;
	v9 =	vadd.f32 v13, v9  }
0x23f: {  	p0 =	slt.u32 s6, $0x3C;
	v4 =	vld [tilespmem:s17+$0x8210];
	[tilespmem:s14+$0x200] =	vst v6;
	v8 =	vadd.f32 v14, v8  }
.Ltmp6:
0x240: {  	v12 =	vld [tilespmem:s17+$0x200];
	[tilespmem:s14+$0x210] =	vst v5;
	v9 =	vadd.f32 v15, v9;
	(pc) =	sbr.rel @p0 .LBB2_15-.Ltmp6, $4  }
0x241: {  	v11 =	vld [tilespmem:s17+$0x210];
	[tilespmem:s14+$0x220] =	vst v8;
	v6 =	vmov v16  }
0x242: {  	v10 =	vld [tilespmem:s17+$0x220];
	[tilespmem:s14+$0x230] =	vst v9;
	v5 =	vmov v17;
	s14 =	smov.u32 s17  }
0x243: {  	v9 =	vld [tilespmem:s14+$0x230]  }
0x244: {  	s15 =	sadd.s32 $0x40, s15;
	v8 =	vld [tilespmem:s14+$0x8220]  }
0x245: {  	v12 =	vmul.f32 $3.200000000e+01, v12;
	v13 =	vld [tilespmem:s14+$0x8230]  }
0x246: {  	v14 =	vld [tilespmem:s14+$0x10220];
	v11 =	vmul.f32 $3.200000000e+01, v11  }
0x247: {  	v61 =	vld [tilespmem:s14+$0x10230];
	v7 =	vadd.f32 v7, v12;
	v10 =	vmul.f32 $3.200000000e+01, v10  }
0x248: {  	s13 =	sadd.s32 $0x1, s13;
	v4 =	vadd.f32 v4, v11;
	v9 =	vmul.f32 $3.200000000e+01, v9  }
0x249: {  	p0 =	sne.s32 s13, $0x20;
	v6 =	vadd.f32 v6, v7;
	v62 =	vadd.f32 v8, v10  }
.Ltmp7:
0x24a: {  	v4 =	vadd.f32 v5, v4;
	v5 =	vadd.f32 v13, v9;
	(pc) =	sbr.rel @p0 .LBB2_14-.Ltmp7, $4  }
0x24b: {  	[tilespmem:s14+$0x200] =	vst v6;
	v63 =	vadd.f32 v14, v62  }
0x24c: {  	[tilespmem:s14+$0x210] =	vst v4;
	v4 =	vadd.f32 v61, v5  }
0x24d: {  	[tilespmem:s14+$0x220] =	vst v63  }
0x24e: {  	[tilespmem:s14+$0x230] =	vst v4  }
0x24f: {  	s30 =	simm.s32 $0x0;
	s5 =	rddreg [dreg:$0x10]  }
0x250: {  	[hbm4b:s5+s30] =	stream.linear.scatter [tilespmem:s31], [sflag:$0x4], $0x8000, $0x38;
	[tilespmem:$0x18200] =	vst v63  }
0x251: {  	_ =	swait.ge [sflag:s28], $0x8000  }
0x252: {  	[sflag:s28] =	ssyncset.done $0x0  }
0x253: {  	[sflag:s28] =	ssyncadd.s32 $0xFFFF8000  }
0x254: {  	v4 =	vld [tilespmem:$0x80];
	_ =	sdelay $0x4  }
0x255: {  	v5 =	vshll.u32 v4, $0x3  }
0x256: {  	v4 =	vand.u32 $0x7, v4;
	v5 =	vand.u32 $0xFFFFFFC0, v5  }
0x257: {  	v4 =	vor.u32 v4, v5  }
0x258: {  	v5 =	vperm.xlane v4, v0;
	_ =	sdelay $0x1  }
0x259: {  	v5 =	vadd.s32 v1, v5;
	_ =	sdelay $0x4  }
0x25a: {  	[tilespmem:s31], [sflag:$0x1] =	stream.indirect_vreg.gather [hbm4b:s1+s30], $0x80, v5, vm0, $0xb8;
	[tilespmem:$0x18200] =	vst v63  }
0x25b: {  	s14 =	simm.s32 $0xA00;
	v4 =	vperm.xlane v4, v2  }
0x25c: {  	[tilespmem:s14], [sflag:$0x1] =	stream.indirect_vreg.gather [hbm4b:s7+s30], $0x80, v5, vm0, $0xb8;
	[tilespmem:$0x18200] =	vst v63  }
0x25d: {  	s15 =	simm.s32 $0x1200;
	v4 =	vadd.s32 v1, v4  }
0x25e: {  	[tilespmem:s15], [sflag:$0x1] =	stream.indirect_vreg.gather [hbm4b:s8+s30], $0x80, v5, vm0, $0xb8;
	[tilespmem:$0x18200] =	vst v63  }
0x25f: {  	s16 =	simm.s32 $0x1A00  }
0x260: {  	[tilespmem:s16], [sflag:$0x1] =	stream.indirect_vreg.gather [hbm4b:s9+s30], $0x80, v5, vm0, $0xb8;
	[tilespmem:$0x18200] =	vst v63  }
0x261: {  	s17 =	simm.s32 $0x2200  }
0x262: {  	[tilespmem:s17], [sflag:$0x1] =	stream.indirect_vreg.gather [hbm4b:s1+s30], $0x80, v4, vm0, $0xb8;
	[tilespmem:$0x18200] =	vst v63  }
0x263: {  	s18 =	simm.s32 $0x2A00  }
0x264: {  	[tilespmem:s18], [sflag:$0x1] =	stream.indirect_vreg.gather [hbm4b:s7+s30], $0x80, v4, vm0, $0xb8;
	[tilespmem:$0x18200] =	vst v63  }
0x265: {  	s6 =	simm.s32 $0x3200  }
0x266: {  	[tilespmem:s6], [sflag:$0x1] =	stream.indirect_vreg.gather [hbm4b:s8+s30], $0x80, v4, vm0, $0xb8;
	[tilespmem:$0x18200] =	vst v63  }
0x267: {  	s13 =	simm.s32 $0x3A00  }
0x268: {  	[tilespmem:s13], [sflag:$0x1] =	stream.indirect_vreg.gather [hbm4b:s9+s30], $0x80, v4, vm0, $0xb8;
	[tilespmem:$0x18200] =	vst v63  }
0x269: {  	v4 =	vld [tilespmem:$0x90];
	_ =	sdelay $0x4  }
0x26a: {  	v5 =	vshll.u32 v4, $0x3  }
0x26b: {  	v4 =	vand.u32 $0x7, v4;
	v5 =	vand.u32 $0xFFFFFFC0, v5  }
0x26c: {  	v4 =	vor.u32 v4, v5  }
0x26d: {  	v5 =	vperm.xlane v4, v0;
	_ =	sdelay $0x1  }
0x26e: {  	v5 =	vadd.s32 v1, v5;
	_ =	sdelay $0x3  }
0x26f: {  	s14 =	simm.s32 $0x4200  }
0x270: {  	[tilespmem:s14], [sflag:$0x1] =	stream.indirect_vreg.gather [hbm4b:s1+s30], $0x80, v5, vm0, $0xb8;
	[tilespmem:$0x18200] =	vst v63  }
0x271: {  	s15 =	simm.s32 $0x4A00;
	v4 =	vperm.xlane v4, v2  }
0x272: {  	[tilespmem:s15], [sflag:$0x1] =	stream.indirect_vreg.gather [hbm4b:s7+s30], $0x80, v5, vm0, $0xb8;
	[tilespmem:$0x18200] =	vst v63  }
0x273: {  	s16 =	simm.s32 $0x5200;
	v4 =	vadd.s32 v1, v4  }
0x274: {  	[tilespmem:s16], [sflag:$0x1] =	stream.indirect_vreg.gather [hbm4b:s8+s30], $0x80, v5, vm0, $0xb8;
	[tilespmem:$0x18200] =	vst v63  }
0x275: {  	s17 =	simm.s32 $0x5A00  }
0x276: {  	[tilespmem:s17], [sflag:$0x1] =	stream.indirect_vreg.gather [hbm4b:s9+s30], $0x80, v5, vm0, $0xb8;
	[tilespmem:$0x18200] =	vst v63  }
0x277: {  	s18 =	simm.s32 $0x6200  }
0x278: {  	[tilespmem:s18], [sflag:$0x1] =	stream.indirect_vreg.gather [hbm4b:s1+s30], $0x80, v4, vm0, $0xb8;
	[tilespmem:$0x18200] =	vst v63  }
0x279: {  	s6 =	simm.s32 $0x6A00  }
0x27a: {  	[tilespmem:s6], [sflag:$0x1] =	stream.indirect_vreg.gather [hbm4b:s7+s30], $0x80, v4, vm0, $0xb8;
	[tilespmem:$0x18200] =	vst v63  }
0x27b: {  	s13 =	simm.s32 $0x7200  }
0x27c: {  	[tilespmem:s13], [sflag:$0x1] =	stream.indirect_vreg.gather [hbm4b:s8+s30], $0x80, v4, vm0, $0xb8;
	[tilespmem:$0x18200] =	vst v63  }
0x27d: {  	s14 =	simm.s32 $0x7A00  }
0x27e: {  	[tilespmem:s14], [sflag:$0x1] =	stream.indirect_vreg.gather [hbm4b:s9+s30], $0x80, v4, vm0, $0xb8;
	[tilespmem:$0x18200] =	vst v63  }
0x27f: {  	v4 =	vld [tilespmem:$0x180];
	_ =	sdelay $0x4  }
0x280: {  	v5 =	vshll.u32 v4, $0x3  }
0x281: {  	v4 =	vand.u32 $0x3, v4;
	v5 =	vand.u32 $0xFFFFFFE0, v5  }
0x282: {  	v4 =	vor.u32 v4, v5  }
0x283: {  	v5 =	vperm.xlane v4, v0;
	_ =	sdelay $0x1  }
0x284: {  	v5 =	vadd.s32 v3, v5;
	_ =	sdelay $0x3  }
0x285: {  	s15 =	simm.s32 $0x10200  }
0x286: {  	[tilespmem:s15], [sflag:$0x2] =	stream.indirect_vreg.gather [hbm4b:s2+s30], $0x80, v5, vm0, $0xb8;
	[tilespmem:$0x18200] =	vst v63  }
0x287: {  	s16 =	simm.s32 $0x10A00;
	v4 =	vperm.xlane v4, v2  }
0x288: {  	[tilespmem:s16], [sflag:$0x2] =	stream.indirect_vreg.gather [hbm4b:s10+s30], $0x80, v5, vm0, $0xb8;
	[tilespmem:$0x18200] =	vst v63  }
0x289: {  	s17 =	simm.s32 $0x11200;
	v4 =	vadd.s32 v3, v4  }
0x28a: {  	[tilespmem:s17], [sflag:$0x2] =	stream.indirect_vreg.gather [hbm4b:s11+s30], $0x80, v5, vm0, $0xb8;
	[tilespmem:$0x18200] =	vst v63  }
0x28b: {  	s18 =	simm.s32 $0x11A00  }
0x28c: {  	[tilespmem:s18], [sflag:$0x2] =	stream.indirect_vreg.gather [hbm4b:s12+s30], $0x80, v5, vm0, $0xb8;
	[tilespmem:$0x18200] =	vst v63  }
0x28d: {  	s6 =	simm.s32 $0x12200  }
0x28e: {  	[tilespmem:s6], [sflag:$0x2] =	stream.indirect_vreg.gather [hbm4b:s2+s30], $0x80, v4, vm0, $0xb8;
	[tilespmem:$0x18200] =	vst v63  }
0x28f: {  	s13 =	simm.s32 $0x12A00  }
0x290: {  	[tilespmem:s13], [sflag:$0x2] =	stream.indirect_vreg.gather [hbm4b:s10+s30], $0x80, v4, vm0, $0xb8;
	[tilespmem:$0x18200] =	vst v63  }
0x291: {  	s14 =	simm.s32 $0x13200  }
0x292: {  	[tilespmem:s14], [sflag:$0x2] =	stream.indirect_vreg.gather [hbm4b:s11+s30], $0x80, v4, vm0, $0xb8;
	[tilespmem:$0x18200] =	vst v63  }
0x293: {  	s15 =	simm.s32 $0x13A00  }
0x294: {  	[tilespmem:s15], [sflag:$0x2] =	stream.indirect_vreg.gather [hbm4b:s12+s30], $0x80, v4, vm0, $0xb8;
	[tilespmem:$0x18200] =	vst v63  }
0x295: {  	v4 =	vld [tilespmem:$0x190];
	_ =	sdelay $0x4  }
0x296: {  	v5 =	vshll.u32 v4, $0x3  }
0x297: {  	v4 =	vand.u32 $0x3, v4;
	v5 =	vand.u32 $0xFFFFFFE0, v5  }
0x298: {  	v4 =	vor.u32 v4, v5  }
0x299: {  	v5 =	vperm.xlane v4, v0;
	_ =	sdelay $0x1  }
0x29a: {  	v5 =	vadd.s32 v3, v5;
	_ =	sdelay $0x3  }
0x29b: {  	s16 =	simm.s32 $0x14200  }
0x29c: {  	[tilespmem:s16], [sflag:$0x2] =	stream.indirect_vreg.gather [hbm4b:s2+s30], $0x80, v5, vm0, $0xb8;
	[tilespmem:$0x18200] =	vst v63  }
0x29d: {  	s17 =	simm.s32 $0x14A00;
	v4 =	vperm.xlane v4, v2  }
0x29e: {  	[tilespmem:s17], [sflag:$0x2] =	stream.indirect_vreg.gather [hbm4b:s10+s30], $0x80, v5, vm0, $0xb8;
	[tilespmem:$0x18200] =	vst v63  }
0x29f: {  	v4 =	vadd.s32 v3, v4  }
0x2a0: {  	[tilespmem:s19], [sflag:$0x2] =	stream.indirect_vreg.gather [hbm4b:s11+s30], $0x80, v5, vm0, $0xb8;
	[tilespmem:$0x18200] =	vst v63  }
0x2a1: {  	_ = 	snop  }
0x2a2: {  	[tilespmem:s20], [sflag:$0x2] =	stream.indirect_vreg.gather [hbm4b:s12+s30], $0x80, v5, vm0, $0xb8;
	[tilespmem:$0x18200] =	vst v63  }
0x2a3: {  	_ = 	snop  }
0x2a4: {  	[tilespmem:s21], [sflag:$0x2] =	stream.indirect_vreg.gather [hbm4b:s2+s30], $0x80, v4, vm0, $0xb8;
	[tilespmem:$0x18200] =	vst v63  }
0x2a5: {  	_ = 	snop  }
0x2a6: {  	[tilespmem:s22], [sflag:$0x2] =	stream.indirect_vreg.gather [hbm4b:s10+s30], $0x80, v4, vm0, $0xb8;
	[tilespmem:$0x18200] =	vst v63  }
0x2a7: {  	_ = 	snop  }
0x2a8: {  	[tilespmem:s23], [sflag:$0x2] =	stream.indirect_vreg.gather [hbm4b:s11+s30], $0x80, v4, vm0, $0xb8;
	[tilespmem:$0x18200] =	vst v63  }
0x2a9: {  	_ = 	snop  }
0x2aa: {  	[tilespmem:s24], [sflag:$0x2] =	stream.indirect_vreg.gather [hbm4b:s12+s30], $0x80, v4, vm0, $0xb8;
	[tilespmem:$0x18200] =	vst v63  }
0x2ab: {  	s18 =	rddreg [dreg:$0x11]  }
0x2ac: {  	[tilespmem:s25], [sflag:$0x3] =	stream.linear.gather [hbm4b:s18+s30], $0x8000, $0x38;
	[tilespmem:$0x18200] =	vst v63  }
0x2ad: {  	_ =	swait.ge [sflag:s0], $0x8000  }
0x2ae: {  	[sflag:s0] =	ssyncset.done $0x0  }
0x2af: {  	[sflag:s0] =	ssyncadd.s32 $0xFFFF8000  }
0x2b0: {  	_ =	swait.ge [sflag:s3], $0x8000  }
0x2b1: {  	[sflag:s3] =	ssyncset.done $0x0  }
0x2b2: {  	[sflag:s3] =	ssyncadd.s32 $0xFFFF8000  }
0x2b3: {  	_ =	swait.ge [sflag:s26], $0x8000  }
0x2b4: {  	[sflag:s26] =	ssyncset.done $0x0  }
0x2b5: {  	s13 =	simm.s32 $0x0;
	[sflag:s26] =	ssyncadd.s32 $0xFFFF8000  }
.LBB2_18:
0x2b6: {  	s5 =	sshll.u32 s13, $0xA;
	s6 =	sshll.u32 s13, $0x7  }
0x2b7: {  	s5 =	sand.u32 $0x6000, s5;
	s6 =	sand.u32 $0x380, s6  }
0x2b8: {  	s18 =	sand.u32 $0x40, s30;
	s5 =	sor.u32 s5, s6  }
0x2b9: {  	s14 =	sand.u32 $0x1C00, s30;
	s6 =	sor.u32 s18, s5  }
0x2ba: {  	s14 =	sor.u32 s14, s6  }
0x2bb: {  	v6 =	vld [tilespmem:s14+$0x10200]  }
0x2bc: {  	v5 =	vld [tilespmem:s14+$0x10210]  }
0x2bd: {  	v7 =	vld [tilespmem:s14+$0x8200]  }
0x2be: {  	v4 =	vld [tilespmem:s14+$0x8210]  }
0x2bf: {  	v12 =	vld [tilespmem:s14+$0x200]  }
0x2c0: {  	v11 =	vld [tilespmem:s14+$0x210]  }
0x2c1: {  	v10 =	vld [tilespmem:s14+$0x220]  }
0x2c2: {  	v9 =	vld [tilespmem:s14+$0x230]  }
0x2c3: {  	s15 =	simm.s32 $0x40;
	s16 =	simm.s32 $0x0;
	s6 =	simm.s32 $0x0;
	v8 =	vld [tilespmem:s14+$0x8220]  }
.LBB2_19:
0x2c4: {  	s17 =	sand.u32 $0x40, s15;
	v12 =	vmul.f32 $3.200000000e+01, v12;
	v13 =	vld [tilespmem:s14+$0x8230];
	s16 =	sadd.s32 $0x200, s16  }
0x2c5: {  	s18 =	sand.u32 $0x1C00, s16;
	s17 =	sor.u32 s17, s5;
	v11 =	vmul.f32 $3.200000000e+01, v11;
	v14 =	vld [tilespmem:s14+$0x10220]  }
0x2c6: {  	s17 =	sor.u32 s18, s17;
	v7 =	vadd.f32 v7, v12;
	v10 =	vmul.f32 $3.200000000e+01, v10;
	v15 =	vld [tilespmem:s14+$0x10230]  }
0x2c7: {  	v16 =	vld [tilespmem:s17+$0x10200];
	v4 =	vadd.f32 v4, v11;
	v9 =	vmul.f32 $3.200000000e+01, v9  }
0x2c8: {  	v17 =	vld [tilespmem:s17+$0x10210];
	v6 =	vadd.f32 v6, v7;
	v8 =	vadd.f32 v8, v10  }
0x2c9: {  	s6 =	sadd.s32 $0x4, s6;
	v7 =	vld [tilespmem:s17+$0x8200];
	v5 =	vadd.f32 v5, v4;
	v9 =	vadd.f32 v13, v9  }
0x2ca: {  	p0 =	slt.u32 s6, $0x3C;
	v4 =	vld [tilespmem:s17+$0x8210];
	[tilespmem:s14+$0x200] =	vst v6;
	v8 =	vadd.f32 v14, v8  }
.Ltmp8:
0x2cb: {  	v12 =	vld [tilespmem:s17+$0x200];
	[tilespmem:s14+$0x210] =	vst v5;
	v9 =	vadd.f32 v15, v9;
	(pc) =	sbr.rel @p0 .LBB2_19-.Ltmp8, $4  }
0x2cc: {  	v11 =	vld [tilespmem:s17+$0x210];
	[tilespmem:s14+$0x220] =	vst v8;
	v6 =	vmov v16  }
0x2cd: {  	v10 =	vld [tilespmem:s17+$0x220];
	[tilespmem:s14+$0x230] =	vst v9;
	v5 =	vmov v17;
	s14 =	smov.u32 s17  }
0x2ce: {  	v9 =	vld [tilespmem:s14+$0x230]  }
0x2cf: {  	s15 =	sadd.s32 $0x40, s15;
	v8 =	vld [tilespmem:s14+$0x8220]  }
0x2d0: {  	v12 =	vmul.f32 $3.200000000e+01, v12;
	v13 =	vld [tilespmem:s14+$0x8230]  }
0x2d1: {  	v14 =	vld [tilespmem:s14+$0x10220];
	v11 =	vmul.f32 $3.200000000e+01, v11  }
0x2d2: {  	v61 =	vld [tilespmem:s14+$0x10230];
	v7 =	vadd.f32 v7, v12;
	v10 =	vmul.f32 $3.200000000e+01, v10  }
0x2d3: {  	s13 =	sadd.s32 $0x1, s13;
	v4 =	vadd.f32 v4, v11;
	v9 =	vmul.f32 $3.200000000e+01, v9  }
0x2d4: {  	p0 =	sne.s32 s13, $0x20;
	v6 =	vadd.f32 v6, v7;
	v62 =	vadd.f32 v8, v10  }
.Ltmp9:
0x2d5: {  	v4 =	vadd.f32 v5, v4;
	v5 =	vadd.f32 v13, v9;
	(pc) =	sbr.rel @p0 .LBB2_18-.Ltmp9, $4  }
0x2d6: {  	[tilespmem:s14+$0x200] =	vst v6;
	v63 =	vadd.f32 v14, v62  }
0x2d7: {  	[tilespmem:s14+$0x210] =	vst v4;
	v4 =	vadd.f32 v61, v5  }
0x2d8: {  	[tilespmem:s14+$0x220] =	vst v63  }
0x2d9: {  	[tilespmem:s14+$0x230] =	vst v4  }
0x2da: {  	s30 =	simm.s32 $0x0;
	s5 =	rddreg [dreg:$0x12]  }
0x2db: {  	[hbm4b:s5+s30] =	stream.linear.scatter [tilespmem:s31], [sflag:$0x4], $0x8000, $0x38;
	[tilespmem:$0x18200] =	vst v63  }
0x2dc: {  	_ =	swait.ge [sflag:s28], $0x8000  }
0x2dd: {  	[sflag:s28] =	ssyncset.done $0x0  }
0x2de: {  	[sflag:s28] =	ssyncadd.s32 $0xFFFF8000  }
0x2df: {  	v4 =	vld [tilespmem:$0xA0];
	_ =	sdelay $0x4  }
0x2e0: {  	v5 =	vshll.u32 v4, $0x3  }
0x2e1: {  	v4 =	vand.u32 $0x7, v4;
	v5 =	vand.u32 $0xFFFFFFC0, v5  }
0x2e2: {  	v4 =	vor.u32 v4, v5  }
0x2e3: {  	v5 =	vperm.xlane v4, v0;
	_ =	sdelay $0x1  }
0x2e4: {  	v5 =	vadd.s32 v1, v5;
	_ =	sdelay $0x4  }
0x2e5: {  	[tilespmem:s31], [sflag:$0x1] =	stream.indirect_vreg.gather [hbm4b:s1+s30], $0x80, v5, vm0, $0xb8;
	[tilespmem:$0x18200] =	vst v63  }
0x2e6: {  	s14 =	simm.s32 $0xA00;
	v4 =	vperm.xlane v4, v2  }
0x2e7: {  	[tilespmem:s14], [sflag:$0x1] =	stream.indirect_vreg.gather [hbm4b:s7+s30], $0x80, v5, vm0, $0xb8;
	[tilespmem:$0x18200] =	vst v63  }
0x2e8: {  	s15 =	simm.s32 $0x1200;
	v4 =	vadd.s32 v1, v4  }
0x2e9: {  	[tilespmem:s15], [sflag:$0x1] =	stream.indirect_vreg.gather [hbm4b:s8+s30], $0x80, v5, vm0, $0xb8;
	[tilespmem:$0x18200] =	vst v63  }
0x2ea: {  	s16 =	simm.s32 $0x1A00  }
0x2eb: {  	[tilespmem:s16], [sflag:$0x1] =	stream.indirect_vreg.gather [hbm4b:s9+s30], $0x80, v5, vm0, $0xb8;
	[tilespmem:$0x18200] =	vst v63  }
0x2ec: {  	s17 =	simm.s32 $0x2200  }
0x2ed: {  	[tilespmem:s17], [sflag:$0x1] =	stream.indirect_vreg.gather [hbm4b:s1+s30], $0x80, v4, vm0, $0xb8;
	[tilespmem:$0x18200] =	vst v63  }
0x2ee: {  	s18 =	simm.s32 $0x2A00  }
0x2ef: {  	[tilespmem:s18], [sflag:$0x1] =	stream.indirect_vreg.gather [hbm4b:s7+s30], $0x80, v4, vm0, $0xb8;
	[tilespmem:$0x18200] =	vst v63  }
0x2f0: {  	s6 =	simm.s32 $0x3200  }
0x2f1: {  	[tilespmem:s6], [sflag:$0x1] =	stream.indirect_vreg.gather [hbm4b:s8+s30], $0x80, v4, vm0, $0xb8;
	[tilespmem:$0x18200] =	vst v63  }
0x2f2: {  	s13 =	simm.s32 $0x3A00  }
0x2f3: {  	[tilespmem:s13], [sflag:$0x1] =	stream.indirect_vreg.gather [hbm4b:s9+s30], $0x80, v4, vm0, $0xb8;
	[tilespmem:$0x18200] =	vst v63  }
0x2f4: {  	v4 =	vld [tilespmem:$0xB0];
	_ =	sdelay $0x4  }
0x2f5: {  	v5 =	vshll.u32 v4, $0x3  }
0x2f6: {  	v4 =	vand.u32 $0x7, v4;
	v5 =	vand.u32 $0xFFFFFFC0, v5  }
0x2f7: {  	v4 =	vor.u32 v4, v5  }
0x2f8: {  	v5 =	vperm.xlane v4, v0;
	_ =	sdelay $0x1  }
0x2f9: {  	v5 =	vadd.s32 v1, v5;
	_ =	sdelay $0x3  }
0x2fa: {  	s14 =	simm.s32 $0x4200  }
0x2fb: {  	[tilespmem:s14], [sflag:$0x1] =	stream.indirect_vreg.gather [hbm4b:s1+s30], $0x80, v5, vm0, $0xb8;
	[tilespmem:$0x18200] =	vst v63  }
0x2fc: {  	s15 =	simm.s32 $0x4A00;
	v4 =	vperm.xlane v4, v2  }
0x2fd: {  	[tilespmem:s15], [sflag:$0x1] =	stream.indirect_vreg.gather [hbm4b:s7+s30], $0x80, v5, vm0, $0xb8;
	[tilespmem:$0x18200] =	vst v63  }
0x2fe: {  	s16 =	simm.s32 $0x5200;
	v4 =	vadd.s32 v1, v4  }
0x2ff: {  	[tilespmem:s16], [sflag:$0x1] =	stream.indirect_vreg.gather [hbm4b:s8+s30], $0x80, v5, vm0, $0xb8;
	[tilespmem:$0x18200] =	vst v63  }
0x300: {  	s17 =	simm.s32 $0x5A00  }
0x301: {  	[tilespmem:s17], [sflag:$0x1] =	stream.indirect_vreg.gather [hbm4b:s9+s30], $0x80, v5, vm0, $0xb8;
	[tilespmem:$0x18200] =	vst v63  }
0x302: {  	s18 =	simm.s32 $0x6200  }
0x303: {  	[tilespmem:s18], [sflag:$0x1] =	stream.indirect_vreg.gather [hbm4b:s1+s30], $0x80, v4, vm0, $0xb8;
	[tilespmem:$0x18200] =	vst v63  }
0x304: {  	s6 =	simm.s32 $0x6A00  }
0x305: {  	[tilespmem:s6], [sflag:$0x1] =	stream.indirect_vreg.gather [hbm4b:s7+s30], $0x80, v4, vm0, $0xb8;
	[tilespmem:$0x18200] =	vst v63  }
0x306: {  	s13 =	simm.s32 $0x7200  }
0x307: {  	[tilespmem:s13], [sflag:$0x1] =	stream.indirect_vreg.gather [hbm4b:s8+s30], $0x80, v4, vm0, $0xb8;
	[tilespmem:$0x18200] =	vst v63  }
0x308: {  	s14 =	simm.s32 $0x7A00  }
0x309: {  	[tilespmem:s14], [sflag:$0x1] =	stream.indirect_vreg.gather [hbm4b:s9+s30], $0x80, v4, vm0, $0xb8;
	[tilespmem:$0x18200] =	vst v63  }
0x30a: {  	v4 =	vld [tilespmem:$0x1A0];
	_ =	sdelay $0x4  }
0x30b: {  	v5 =	vshll.u32 v4, $0x3  }
0x30c: {  	v4 =	vand.u32 $0x3, v4;
	v5 =	vand.u32 $0xFFFFFFE0, v5  }
0x30d: {  	v4 =	vor.u32 v4, v5  }
0x30e: {  	v5 =	vperm.xlane v4, v0;
	_ =	sdelay $0x1  }
0x30f: {  	v5 =	vadd.s32 v3, v5;
	_ =	sdelay $0x3  }
0x310: {  	s15 =	simm.s32 $0x10200  }
0x311: {  	[tilespmem:s15], [sflag:$0x2] =	stream.indirect_vreg.gather [hbm4b:s2+s30], $0x80, v5, vm0, $0xb8;
	[tilespmem:$0x18200] =	vst v63  }
0x312: {  	s16 =	simm.s32 $0x10A00;
	v4 =	vperm.xlane v4, v2  }
0x313: {  	[tilespmem:s16], [sflag:$0x2] =	stream.indirect_vreg.gather [hbm4b:s10+s30], $0x80, v5, vm0, $0xb8;
	[tilespmem:$0x18200] =	vst v63  }
0x314: {  	s17 =	simm.s32 $0x11200;
	v4 =	vadd.s32 v3, v4  }
0x315: {  	[tilespmem:s17], [sflag:$0x2] =	stream.indirect_vreg.gather [hbm4b:s11+s30], $0x80, v5, vm0, $0xb8;
	[tilespmem:$0x18200] =	vst v63  }
0x316: {  	s18 =	simm.s32 $0x11A00  }
0x317: {  	[tilespmem:s18], [sflag:$0x2] =	stream.indirect_vreg.gather [hbm4b:s12+s30], $0x80, v5, vm0, $0xb8;
	[tilespmem:$0x18200] =	vst v63  }
0x318: {  	s6 =	simm.s32 $0x12200  }
0x319: {  	[tilespmem:s6], [sflag:$0x2] =	stream.indirect_vreg.gather [hbm4b:s2+s30], $0x80, v4, vm0, $0xb8;
	[tilespmem:$0x18200] =	vst v63  }
0x31a: {  	s13 =	simm.s32 $0x12A00  }
0x31b: {  	[tilespmem:s13], [sflag:$0x2] =	stream.indirect_vreg.gather [hbm4b:s10+s30], $0x80, v4, vm0, $0xb8;
	[tilespmem:$0x18200] =	vst v63  }
0x31c: {  	s14 =	simm.s32 $0x13200  }
0x31d: {  	[tilespmem:s14], [sflag:$0x2] =	stream.indirect_vreg.gather [hbm4b:s11+s30], $0x80, v4, vm0, $0xb8;
	[tilespmem:$0x18200] =	vst v63  }
0x31e: {  	s15 =	simm.s32 $0x13A00  }
0x31f: {  	[tilespmem:s15], [sflag:$0x2] =	stream.indirect_vreg.gather [hbm4b:s12+s30], $0x80, v4, vm0, $0xb8;
	[tilespmem:$0x18200] =	vst v63  }
0x320: {  	v4 =	vld [tilespmem:$0x1B0];
	_ =	sdelay $0x4  }
0x321: {  	v5 =	vshll.u32 v4, $0x3  }
0x322: {  	v4 =	vand.u32 $0x3, v4;
	v5 =	vand.u32 $0xFFFFFFE0, v5  }
0x323: {  	v4 =	vor.u32 v4, v5  }
0x324: {  	v5 =	vperm.xlane v4, v0;
	_ =	sdelay $0x1  }
0x325: {  	v5 =	vadd.s32 v3, v5;
	_ =	sdelay $0x3  }
0x326: {  	s16 =	simm.s32 $0x14200  }
0x327: {  	[tilespmem:s16], [sflag:$0x2] =	stream.indirect_vreg.gather [hbm4b:s2+s30], $0x80, v5, vm0, $0xb8;
	[tilespmem:$0x18200] =	vst v63  }
0x328: {  	s17 =	simm.s32 $0x14A00;
	v4 =	vperm.xlane v4, v2  }
0x329: {  	[tilespmem:s17], [sflag:$0x2] =	stream.indirect_vreg.gather [hbm4b:s10+s30], $0x80, v5, vm0, $0xb8;
	[tilespmem:$0x18200] =	vst v63  }
0x32a: {  	v4 =	vadd.s32 v3, v4  }
0x32b: {  	[tilespmem:s19], [sflag:$0x2] =	stream.indirect_vreg.gather [hbm4b:s11+s30], $0x80, v5, vm0, $0xb8;
	[tilespmem:$0x18200] =	vst v63  }
0x32c: {  	_ = 	snop  }
0x32d: {  	[tilespmem:s20], [sflag:$0x2] =	stream.indirect_vreg.gather [hbm4b:s12+s30], $0x80, v5, vm0, $0xb8;
	[tilespmem:$0x18200] =	vst v63  }
0x32e: {  	_ = 	snop  }
0x32f: {  	[tilespmem:s21], [sflag:$0x2] =	stream.indirect_vreg.gather [hbm4b:s2+s30], $0x80, v4, vm0, $0xb8;
	[tilespmem:$0x18200] =	vst v63  }
0x330: {  	_ = 	snop  }
0x331: {  	[tilespmem:s22], [sflag:$0x2] =	stream.indirect_vreg.gather [hbm4b:s10+s30], $0x80, v4, vm0, $0xb8;
	[tilespmem:$0x18200] =	vst v63  }
0x332: {  	_ = 	snop  }
0x333: {  	[tilespmem:s23], [sflag:$0x2] =	stream.indirect_vreg.gather [hbm4b:s11+s30], $0x80, v4, vm0, $0xb8;
	[tilespmem:$0x18200] =	vst v63  }
0x334: {  	_ = 	snop  }
0x335: {  	[tilespmem:s24], [sflag:$0x2] =	stream.indirect_vreg.gather [hbm4b:s12+s30], $0x80, v4, vm0, $0xb8;
	[tilespmem:$0x18200] =	vst v63  }
0x336: {  	s18 =	rddreg [dreg:$0x13]  }
0x337: {  	[tilespmem:s25], [sflag:$0x3] =	stream.linear.gather [hbm4b:s18+s30], $0x8000, $0x38;
	[tilespmem:$0x18200] =	vst v63  }
0x338: {  	_ =	swait.ge [sflag:s0], $0x8000  }
0x339: {  	[sflag:s0] =	ssyncset.done $0x0  }
0x33a: {  	[sflag:s0] =	ssyncadd.s32 $0xFFFF8000  }
0x33b: {  	_ =	swait.ge [sflag:s3], $0x8000  }
0x33c: {  	[sflag:s3] =	ssyncset.done $0x0  }
0x33d: {  	[sflag:s3] =	ssyncadd.s32 $0xFFFF8000  }
0x33e: {  	_ =	swait.ge [sflag:s26], $0x8000  }
0x33f: {  	[sflag:s26] =	ssyncset.done $0x0  }
0x340: {  	s13 =	simm.s32 $0x0;
	[sflag:s26] =	ssyncadd.s32 $0xFFFF8000  }
.LBB2_22:
0x341: {  	s5 =	sshll.u32 s13, $0xA;
	s6 =	sshll.u32 s13, $0x7  }
0x342: {  	s5 =	sand.u32 $0x6000, s5;
	s6 =	sand.u32 $0x380, s6  }
0x343: {  	s18 =	sand.u32 $0x40, s30;
	s5 =	sor.u32 s5, s6  }
0x344: {  	s14 =	sand.u32 $0x1C00, s30;
	s6 =	sor.u32 s18, s5  }
0x345: {  	s14 =	sor.u32 s14, s6  }
0x346: {  	v6 =	vld [tilespmem:s14+$0x10200]  }
0x347: {  	v5 =	vld [tilespmem:s14+$0x10210]  }
0x348: {  	v7 =	vld [tilespmem:s14+$0x8200]  }
0x349: {  	v4 =	vld [tilespmem:s14+$0x8210]  }
0x34a: {  	v12 =	vld [tilespmem:s14+$0x200]  }
0x34b: {  	v11 =	vld [tilespmem:s14+$0x210]  }
0x34c: {  	v10 =	vld [tilespmem:s14+$0x220]  }
0x34d: {  	v9 =	vld [tilespmem:s14+$0x230]  }
0x34e: {  	s15 =	simm.s32 $0x40;
	s16 =	simm.s32 $0x0;
	s6 =	simm.s32 $0x0;
	v8 =	vld [tilespmem:s14+$0x8220]  }
.LBB2_23:
0x34f: {  	s17 =	sand.u32 $0x40, s15;
	v12 =	vmul.f32 $3.200000000e+01, v12;
	v13 =	vld [tilespmem:s14+$0x8230];
	s16 =	sadd.s32 $0x200, s16  }
0x350: {  	s18 =	sand.u32 $0x1C00, s16;
	s17 =	sor.u32 s17, s5;
	v11 =	vmul.f32 $3.200000000e+01, v11;
	v14 =	vld [tilespmem:s14+$0x10220]  }
0x351: {  	s17 =	sor.u32 s18, s17;
	v7 =	vadd.f32 v7, v12;
	v10 =	vmul.f32 $3.200000000e+01, v10;
	v15 =	vld [tilespmem:s14+$0x10230]  }
0x352: {  	v16 =	vld [tilespmem:s17+$0x10200];
	v4 =	vadd.f32 v4, v11;
	v9 =	vmul.f32 $3.200000000e+01, v9  }
0x353: {  	v17 =	vld [tilespmem:s17+$0x10210];
	v6 =	vadd.f32 v6, v7;
	v8 =	vadd.f32 v8, v10  }
0x354: {  	s6 =	sadd.s32 $0x4, s6;
	v7 =	vld [tilespmem:s17+$0x8200];
	v5 =	vadd.f32 v5, v4;
	v9 =	vadd.f32 v13, v9  }
0x355: {  	p0 =	slt.u32 s6, $0x3C;
	v4 =	vld [tilespmem:s17+$0x8210];
	[tilespmem:s14+$0x200] =	vst v6;
	v8 =	vadd.f32 v14, v8  }
.Ltmp10:
0x356: {  	v12 =	vld [tilespmem:s17+$0x200];
	[tilespmem:s14+$0x210] =	vst v5;
	v9 =	vadd.f32 v15, v9;
	(pc) =	sbr.rel @p0 .LBB2_23-.Ltmp10, $4  }
0x357: {  	v11 =	vld [tilespmem:s17+$0x210];
	[tilespmem:s14+$0x220] =	vst v8;
	v6 =	vmov v16  }
0x358: {  	v10 =	vld [tilespmem:s17+$0x220];
	[tilespmem:s14+$0x230] =	vst v9;
	v5 =	vmov v17;
	s14 =	smov.u32 s17  }
0x359: {  	v9 =	vld [tilespmem:s14+$0x230]  }
0x35a: {  	s15 =	sadd.s32 $0x40, s15;
	v8 =	vld [tilespmem:s14+$0x8220]  }
0x35b: {  	v12 =	vmul.f32 $3.200000000e+01, v12;
	v13 =	vld [tilespmem:s14+$0x8230]  }
0x35c: {  	v14 =	vld [tilespmem:s14+$0x10220];
	v11 =	vmul.f32 $3.200000000e+01, v11  }
0x35d: {  	v61 =	vld [tilespmem:s14+$0x10230];
	v7 =	vadd.f32 v7, v12;
	v10 =	vmul.f32 $3.200000000e+01, v10  }
0x35e: {  	s13 =	sadd.s32 $0x1, s13;
	v4 =	vadd.f32 v4, v11;
	v9 =	vmul.f32 $3.200000000e+01, v9  }
0x35f: {  	p0 =	sne.s32 s13, $0x20;
	v6 =	vadd.f32 v6, v7;
	v62 =	vadd.f32 v8, v10  }
.Ltmp11:
0x360: {  	v4 =	vadd.f32 v5, v4;
	v5 =	vadd.f32 v13, v9;
	(pc) =	sbr.rel @p0 .LBB2_22-.Ltmp11, $4  }
0x361: {  	[tilespmem:s14+$0x200] =	vst v6;
	v63 =	vadd.f32 v14, v62  }
0x362: {  	[tilespmem:s14+$0x210] =	vst v4;
	v4 =	vadd.f32 v61, v5  }
0x363: {  	[tilespmem:s14+$0x220] =	vst v63  }
0x364: {  	[tilespmem:s14+$0x230] =	vst v4  }
0x365: {  	s30 =	simm.s32 $0x0;
	s5 =	rddreg [dreg:$0x14]  }
0x366: {  	[hbm4b:s5+s30] =	stream.linear.scatter [tilespmem:s31], [sflag:$0x4], $0x8000, $0x38;
	[tilespmem:$0x18200] =	vst v63  }
0x367: {  	_ =	swait.ge [sflag:s28], $0x8000  }
0x368: {  	[sflag:s28] =	ssyncset.done $0x0  }
0x369: {  	[sflag:s28] =	ssyncadd.s32 $0xFFFF8000  }
0x36a: {  	v4 =	vld [tilespmem:$0xC0];
	_ =	sdelay $0x4  }
0x36b: {  	v5 =	vshll.u32 v4, $0x3  }
0x36c: {  	v4 =	vand.u32 $0x7, v4;
	v5 =	vand.u32 $0xFFFFFFC0, v5  }
0x36d: {  	v4 =	vor.u32 v4, v5  }
0x36e: {  	v5 =	vperm.xlane v4, v0;
	_ =	sdelay $0x1  }
0x36f: {  	v5 =	vadd.s32 v1, v5;
	_ =	sdelay $0x4  }
0x370: {  	[tilespmem:s31], [sflag:$0x1] =	stream.indirect_vreg.gather [hbm4b:s1+s30], $0x80, v5, vm0, $0xb8;
	[tilespmem:$0x18200] =	vst v63  }
0x371: {  	s14 =	simm.s32 $0xA00;
	v4 =	vperm.xlane v4, v2  }
0x372: {  	[tilespmem:s14], [sflag:$0x1] =	stream.indirect_vreg.gather [hbm4b:s7+s30], $0x80, v5, vm0, $0xb8;
	[tilespmem:$0x18200] =	vst v63  }
0x373: {  	s15 =	simm.s32 $0x1200;
	v4 =	vadd.s32 v1, v4  }
0x374: {  	[tilespmem:s15], [sflag:$0x1] =	stream.indirect_vreg.gather [hbm4b:s8+s30], $0x80, v5, vm0, $0xb8;
	[tilespmem:$0x18200] =	vst v63  }
0x375: {  	s16 =	simm.s32 $0x1A00  }
0x376: {  	[tilespmem:s16], [sflag:$0x1] =	stream.indirect_vreg.gather [hbm4b:s9+s30], $0x80, v5, vm0, $0xb8;
	[tilespmem:$0x18200] =	vst v63  }
0x377: {  	s17 =	simm.s32 $0x2200  }
0x378: {  	[tilespmem:s17], [sflag:$0x1] =	stream.indirect_vreg.gather [hbm4b:s1+s30], $0x80, v4, vm0, $0xb8;
	[tilespmem:$0x18200] =	vst v63  }
0x379: {  	s18 =	simm.s32 $0x2A00  }
0x37a: {  	[tilespmem:s18], [sflag:$0x1] =	stream.indirect_vreg.gather [hbm4b:s7+s30], $0x80, v4, vm0, $0xb8;
	[tilespmem:$0x18200] =	vst v63  }
0x37b: {  	s6 =	simm.s32 $0x3200  }
0x37c: {  	[tilespmem:s6], [sflag:$0x1] =	stream.indirect_vreg.gather [hbm4b:s8+s30], $0x80, v4, vm0, $0xb8;
	[tilespmem:$0x18200] =	vst v63  }
0x37d: {  	s13 =	simm.s32 $0x3A00  }
0x37e: {  	[tilespmem:s13], [sflag:$0x1] =	stream.indirect_vreg.gather [hbm4b:s9+s30], $0x80, v4, vm0, $0xb8;
	[tilespmem:$0x18200] =	vst v63  }
0x37f: {  	v4 =	vld [tilespmem:$0xD0];
	_ =	sdelay $0x4  }
0x380: {  	v5 =	vshll.u32 v4, $0x3  }
0x381: {  	v4 =	vand.u32 $0x7, v4;
	v5 =	vand.u32 $0xFFFFFFC0, v5  }
0x382: {  	v4 =	vor.u32 v4, v5  }
0x383: {  	v5 =	vperm.xlane v4, v0;
	_ =	sdelay $0x1  }
0x384: {  	v5 =	vadd.s32 v1, v5;
	_ =	sdelay $0x3  }
0x385: {  	s14 =	simm.s32 $0x4200  }
0x386: {  	[tilespmem:s14], [sflag:$0x1] =	stream.indirect_vreg.gather [hbm4b:s1+s30], $0x80, v5, vm0, $0xb8;
	[tilespmem:$0x18200] =	vst v63  }
0x387: {  	s15 =	simm.s32 $0x4A00;
	v4 =	vperm.xlane v4, v2  }
0x388: {  	[tilespmem:s15], [sflag:$0x1] =	stream.indirect_vreg.gather [hbm4b:s7+s30], $0x80, v5, vm0, $0xb8;
	[tilespmem:$0x18200] =	vst v63  }
0x389: {  	s16 =	simm.s32 $0x5200;
	v4 =	vadd.s32 v1, v4  }
0x38a: {  	[tilespmem:s16], [sflag:$0x1] =	stream.indirect_vreg.gather [hbm4b:s8+s30], $0x80, v5, vm0, $0xb8;
	[tilespmem:$0x18200] =	vst v63  }
0x38b: {  	s17 =	simm.s32 $0x5A00  }
0x38c: {  	[tilespmem:s17], [sflag:$0x1] =	stream.indirect_vreg.gather [hbm4b:s9+s30], $0x80, v5, vm0, $0xb8;
	[tilespmem:$0x18200] =	vst v63  }
0x38d: {  	s18 =	simm.s32 $0x6200  }
0x38e: {  	[tilespmem:s18], [sflag:$0x1] =	stream.indirect_vreg.gather [hbm4b:s1+s30], $0x80, v4, vm0, $0xb8;
	[tilespmem:$0x18200] =	vst v63  }
0x38f: {  	s6 =	simm.s32 $0x6A00  }
0x390: {  	[tilespmem:s6], [sflag:$0x1] =	stream.indirect_vreg.gather [hbm4b:s7+s30], $0x80, v4, vm0, $0xb8;
	[tilespmem:$0x18200] =	vst v63  }
0x391: {  	s13 =	simm.s32 $0x7200  }
0x392: {  	[tilespmem:s13], [sflag:$0x1] =	stream.indirect_vreg.gather [hbm4b:s8+s30], $0x80, v4, vm0, $0xb8;
	[tilespmem:$0x18200] =	vst v63  }
0x393: {  	s14 =	simm.s32 $0x7A00  }
0x394: {  	[tilespmem:s14], [sflag:$0x1] =	stream.indirect_vreg.gather [hbm4b:s9+s30], $0x80, v4, vm0, $0xb8;
	[tilespmem:$0x18200] =	vst v63  }
0x395: {  	v4 =	vld [tilespmem:$0x1C0];
	_ =	sdelay $0x4  }
0x396: {  	v5 =	vshll.u32 v4, $0x3  }
0x397: {  	v4 =	vand.u32 $0x3, v4;
	v5 =	vand.u32 $0xFFFFFFE0, v5  }
0x398: {  	v4 =	vor.u32 v4, v5  }
0x399: {  	v5 =	vperm.xlane v4, v0;
	_ =	sdelay $0x1  }
0x39a: {  	v5 =	vadd.s32 v3, v5;
	_ =	sdelay $0x3  }
0x39b: {  	s15 =	simm.s32 $0x10200  }
0x39c: {  	[tilespmem:s15], [sflag:$0x2] =	stream.indirect_vreg.gather [hbm4b:s2+s30], $0x80, v5, vm0, $0xb8;
	[tilespmem:$0x18200] =	vst v63  }
0x39d: {  	s16 =	simm.s32 $0x10A00;
	v4 =	vperm.xlane v4, v2  }
0x39e: {  	[tilespmem:s16], [sflag:$0x2] =	stream.indirect_vreg.gather [hbm4b:s10+s30], $0x80, v5, vm0, $0xb8;
	[tilespmem:$0x18200] =	vst v63  }
0x39f: {  	s17 =	simm.s32 $0x11200;
	v4 =	vadd.s32 v3, v4  }
0x3a0: {  	[tilespmem:s17], [sflag:$0x2] =	stream.indirect_vreg.gather [hbm4b:s11+s30], $0x80, v5, vm0, $0xb8;
	[tilespmem:$0x18200] =	vst v63  }
0x3a1: {  	s18 =	simm.s32 $0x11A00  }
0x3a2: {  	[tilespmem:s18], [sflag:$0x2] =	stream.indirect_vreg.gather [hbm4b:s12+s30], $0x80, v5, vm0, $0xb8;
	[tilespmem:$0x18200] =	vst v63  }
0x3a3: {  	s6 =	simm.s32 $0x12200  }
0x3a4: {  	[tilespmem:s6], [sflag:$0x2] =	stream.indirect_vreg.gather [hbm4b:s2+s30], $0x80, v4, vm0, $0xb8;
	[tilespmem:$0x18200] =	vst v63  }
0x3a5: {  	s13 =	simm.s32 $0x12A00  }
0x3a6: {  	[tilespmem:s13], [sflag:$0x2] =	stream.indirect_vreg.gather [hbm4b:s10+s30], $0x80, v4, vm0, $0xb8;
	[tilespmem:$0x18200] =	vst v63  }
0x3a7: {  	s14 =	simm.s32 $0x13200  }
0x3a8: {  	[tilespmem:s14], [sflag:$0x2] =	stream.indirect_vreg.gather [hbm4b:s11+s30], $0x80, v4, vm0, $0xb8;
	[tilespmem:$0x18200] =	vst v63  }
0x3a9: {  	s15 =	simm.s32 $0x13A00  }
0x3aa: {  	[tilespmem:s15], [sflag:$0x2] =	stream.indirect_vreg.gather [hbm4b:s12+s30], $0x80, v4, vm0, $0xb8;
	[tilespmem:$0x18200] =	vst v63  }
0x3ab: {  	v4 =	vld [tilespmem:$0x1D0];
	_ =	sdelay $0x4  }
0x3ac: {  	v5 =	vshll.u32 v4, $0x3  }
0x3ad: {  	v4 =	vand.u32 $0x3, v4;
	v5 =	vand.u32 $0xFFFFFFE0, v5  }
0x3ae: {  	v4 =	vor.u32 v4, v5  }
0x3af: {  	v5 =	vperm.xlane v4, v0;
	_ =	sdelay $0x1  }
0x3b0: {  	v5 =	vadd.s32 v3, v5;
	_ =	sdelay $0x3  }
0x3b1: {  	s16 =	simm.s32 $0x14200  }
0x3b2: {  	[tilespmem:s16], [sflag:$0x2] =	stream.indirect_vreg.gather [hbm4b:s2+s30], $0x80, v5, vm0, $0xb8;
	[tilespmem:$0x18200] =	vst v63  }
0x3b3: {  	s17 =	simm.s32 $0x14A00;
	v4 =	vperm.xlane v4, v2  }
0x3b4: {  	[tilespmem:s17], [sflag:$0x2] =	stream.indirect_vreg.gather [hbm4b:s10+s30], $0x80, v5, vm0, $0xb8;
	[tilespmem:$0x18200] =	vst v63  }
0x3b5: {  	v4 =	vadd.s32 v3, v4  }
0x3b6: {  	[tilespmem:s19], [sflag:$0x2] =	stream.indirect_vreg.gather [hbm4b:s11+s30], $0x80, v5, vm0, $0xb8;
	[tilespmem:$0x18200] =	vst v63  }
0x3b7: {  	_ = 	snop  }
0x3b8: {  	[tilespmem:s20], [sflag:$0x2] =	stream.indirect_vreg.gather [hbm4b:s12+s30], $0x80, v5, vm0, $0xb8;
	[tilespmem:$0x18200] =	vst v63  }
0x3b9: {  	_ = 	snop  }
0x3ba: {  	[tilespmem:s21], [sflag:$0x2] =	stream.indirect_vreg.gather [hbm4b:s2+s30], $0x80, v4, vm0, $0xb8;
	[tilespmem:$0x18200] =	vst v63  }
0x3bb: {  	_ = 	snop  }
0x3bc: {  	[tilespmem:s22], [sflag:$0x2] =	stream.indirect_vreg.gather [hbm4b:s10+s30], $0x80, v4, vm0, $0xb8;
	[tilespmem:$0x18200] =	vst v63  }
0x3bd: {  	_ = 	snop  }
0x3be: {  	[tilespmem:s23], [sflag:$0x2] =	stream.indirect_vreg.gather [hbm4b:s11+s30], $0x80, v4, vm0, $0xb8;
	[tilespmem:$0x18200] =	vst v63  }
0x3bf: {  	_ = 	snop  }
0x3c0: {  	[tilespmem:s24], [sflag:$0x2] =	stream.indirect_vreg.gather [hbm4b:s12+s30], $0x80, v4, vm0, $0xb8;
	[tilespmem:$0x18200] =	vst v63  }
0x3c1: {  	s18 =	rddreg [dreg:$0x16]  }
0x3c2: {  	[tilespmem:s25], [sflag:$0x3] =	stream.linear.gather [hbm4b:s18+s30], $0x8000, $0x38;
	[tilespmem:$0x18200] =	vst v63  }
0x3c3: {  	_ =	swait.ge [sflag:s0], $0x8000  }
0x3c4: {  	[sflag:s0] =	ssyncset.done $0x0  }
0x3c5: {  	[sflag:s0] =	ssyncadd.s32 $0xFFFF8000  }
0x3c6: {  	_ =	swait.ge [sflag:s3], $0x8000  }
0x3c7: {  	[sflag:s3] =	ssyncset.done $0x0  }
0x3c8: {  	[sflag:s3] =	ssyncadd.s32 $0xFFFF8000  }
0x3c9: {  	_ =	swait.ge [sflag:s26], $0x8000  }
0x3ca: {  	[sflag:s26] =	ssyncset.done $0x0  }
0x3cb: {  	s13 =	simm.s32 $0x0;
	[sflag:s26] =	ssyncadd.s32 $0xFFFF8000  }
.LBB2_26:
0x3cc: {  	s5 =	sshll.u32 s13, $0xA;
	s6 =	sshll.u32 s13, $0x7  }
0x3cd: {  	s5 =	sand.u32 $0x6000, s5;
	s6 =	sand.u32 $0x380, s6  }
0x3ce: {  	s18 =	sand.u32 $0x40, s30;
	s5 =	sor.u32 s5, s6  }
0x3cf: {  	s14 =	sand.u32 $0x1C00, s30;
	s6 =	sor.u32 s18, s5  }
0x3d0: {  	s14 =	sor.u32 s14, s6  }
0x3d1: {  	v6 =	vld [tilespmem:s14+$0x10200]  }
0x3d2: {  	v5 =	vld [tilespmem:s14+$0x10210]  }
0x3d3: {  	v7 =	vld [tilespmem:s14+$0x8200]  }
0x3d4: {  	v4 =	vld [tilespmem:s14+$0x8210]  }
0x3d5: {  	v12 =	vld [tilespmem:s14+$0x200]  }
0x3d6: {  	v11 =	vld [tilespmem:s14+$0x210]  }
0x3d7: {  	v10 =	vld [tilespmem:s14+$0x220]  }
0x3d8: {  	v9 =	vld [tilespmem:s14+$0x230]  }
0x3d9: {  	s15 =	simm.s32 $0x40;
	s16 =	simm.s32 $0x0;
	s6 =	simm.s32 $0x0;
	v8 =	vld [tilespmem:s14+$0x8220]  }
.LBB2_27:
0x3da: {  	s17 =	sand.u32 $0x40, s15;
	v12 =	vmul.f32 $3.200000000e+01, v12;
	v13 =	vld [tilespmem:s14+$0x8230];
	s16 =	sadd.s32 $0x200, s16  }
0x3db: {  	s18 =	sand.u32 $0x1C00, s16;
	s17 =	sor.u32 s17, s5;
	v11 =	vmul.f32 $3.200000000e+01, v11;
	v14 =	vld [tilespmem:s14+$0x10220]  }
0x3dc: {  	s17 =	sor.u32 s18, s17;
	v7 =	vadd.f32 v7, v12;
	v10 =	vmul.f32 $3.200000000e+01, v10;
	v15 =	vld [tilespmem:s14+$0x10230]  }
0x3dd: {  	v16 =	vld [tilespmem:s17+$0x10200];
	v4 =	vadd.f32 v4, v11;
	v9 =	vmul.f32 $3.200000000e+01, v9  }
0x3de: {  	v17 =	vld [tilespmem:s17+$0x10210];
	v6 =	vadd.f32 v6, v7;
	v8 =	vadd.f32 v8, v10  }
0x3df: {  	s6 =	sadd.s32 $0x4, s6;
	v7 =	vld [tilespmem:s17+$0x8200];
	v5 =	vadd.f32 v5, v4;
	v9 =	vadd.f32 v13, v9  }
0x3e0: {  	p0 =	slt.u32 s6, $0x3C;
	v4 =	vld [tilespmem:s17+$0x8210];
	[tilespmem:s14+$0x200] =	vst v6;
	v8 =	vadd.f32 v14, v8  }
.Ltmp12:
0x3e1: {  	v12 =	vld [tilespmem:s17+$0x200];
	[tilespmem:s14+$0x210] =	vst v5;
	v9 =	vadd.f32 v15, v9;
	(pc) =	sbr.rel @p0 .LBB2_27-.Ltmp12, $4  }
0x3e2: {  	v11 =	vld [tilespmem:s17+$0x210];
	[tilespmem:s14+$0x220] =	vst v8;
	v6 =	vmov v16  }
0x3e3: {  	v10 =	vld [tilespmem:s17+$0x220];
	[tilespmem:s14+$0x230] =	vst v9;
	v5 =	vmov v17;
	s14 =	smov.u32 s17  }
0x3e4: {  	v9 =	vld [tilespmem:s14+$0x230]  }
0x3e5: {  	s15 =	sadd.s32 $0x40, s15;
	v8 =	vld [tilespmem:s14+$0x8220]  }
0x3e6: {  	v12 =	vmul.f32 $3.200000000e+01, v12;
	v13 =	vld [tilespmem:s14+$0x8230]  }
0x3e7: {  	v14 =	vld [tilespmem:s14+$0x10220];
	v11 =	vmul.f32 $3.200000000e+01, v11  }
0x3e8: {  	v61 =	vld [tilespmem:s14+$0x10230];
	v7 =	vadd.f32 v7, v12;
	v10 =	vmul.f32 $3.200000000e+01, v10  }
0x3e9: {  	s13 =	sadd.s32 $0x1, s13;
	v4 =	vadd.f32 v4, v11;
	v9 =	vmul.f32 $3.200000000e+01, v9  }
0x3ea: {  	p0 =	sne.s32 s13, $0x20;
	v6 =	vadd.f32 v6, v7;
	v62 =	vadd.f32 v8, v10  }
.Ltmp13:
0x3eb: {  	v4 =	vadd.f32 v5, v4;
	v5 =	vadd.f32 v13, v9;
	(pc) =	sbr.rel @p0 .LBB2_26-.Ltmp13, $4  }
0x3ec: {  	[tilespmem:s14+$0x200] =	vst v6;
	v63 =	vadd.f32 v14, v62  }
0x3ed: {  	[tilespmem:s14+$0x210] =	vst v4;
	v4 =	vadd.f32 v61, v5  }
0x3ee: {  	[tilespmem:s14+$0x220] =	vst v63  }
0x3ef: {  	[tilespmem:s14+$0x230] =	vst v4  }
0x3f0: {  	s30 =	simm.s32 $0x0;
	s5 =	rddreg [dreg:$0x17]  }
0x3f1: {  	[hbm4b:s5+s30] =	stream.linear.scatter [tilespmem:s31], [sflag:$0x4], $0x8000, $0x38;
	[tilespmem:$0x18200] =	vst v63  }
0x3f2: {  	_ =	swait.ge [sflag:s28], $0x8000  }
0x3f3: {  	[sflag:s28] =	ssyncset.done $0x0  }
0x3f4: {  	[sflag:s28] =	ssyncadd.s32 $0xFFFF8000  }
0x3f5: {  	v4 =	vld [tilespmem:$0xE0];
	_ =	sdelay $0x4  }
0x3f6: {  	v5 =	vshll.u32 v4, $0x3  }
0x3f7: {  	v4 =	vand.u32 $0x7, v4;
	v5 =	vand.u32 $0xFFFFFFC0, v5  }
0x3f8: {  	v4 =	vor.u32 v4, v5  }
0x3f9: {  	v5 =	vperm.xlane v4, v0;
	_ =	sdelay $0x1  }
0x3fa: {  	v5 =	vadd.s32 v1, v5;
	_ =	sdelay $0x4  }
0x3fb: {  	[tilespmem:s31], [sflag:$0x1] =	stream.indirect_vreg.gather [hbm4b:s1+s30], $0x80, v5, vm0, $0xb8;
	[tilespmem:$0x18200] =	vst v63  }
0x3fc: {  	s14 =	simm.s32 $0xA00;
	v4 =	vperm.xlane v4, v2  }
0x3fd: {  	[tilespmem:s14], [sflag:$0x1] =	stream.indirect_vreg.gather [hbm4b:s7+s30], $0x80, v5, vm0, $0xb8;
	[tilespmem:$0x18200] =	vst v63  }
0x3fe: {  	s15 =	simm.s32 $0x1200;
	v4 =	vadd.s32 v1, v4  }
0x3ff: {  	[tilespmem:s15], [sflag:$0x1] =	stream.indirect_vreg.gather [hbm4b:s8+s30], $0x80, v5, vm0, $0xb8;
	[tilespmem:$0x18200] =	vst v63  }
0x400: {  	s16 =	simm.s32 $0x1A00  }
0x401: {  	[tilespmem:s16], [sflag:$0x1] =	stream.indirect_vreg.gather [hbm4b:s9+s30], $0x80, v5, vm0, $0xb8;
	[tilespmem:$0x18200] =	vst v63  }
0x402: {  	s17 =	simm.s32 $0x2200  }
0x403: {  	[tilespmem:s17], [sflag:$0x1] =	stream.indirect_vreg.gather [hbm4b:s1+s30], $0x80, v4, vm0, $0xb8;
	[tilespmem:$0x18200] =	vst v63  }
0x404: {  	s18 =	simm.s32 $0x2A00  }
0x405: {  	[tilespmem:s18], [sflag:$0x1] =	stream.indirect_vreg.gather [hbm4b:s7+s30], $0x80, v4, vm0, $0xb8;
	[tilespmem:$0x18200] =	vst v63  }
0x406: {  	s6 =	simm.s32 $0x3200  }
0x407: {  	[tilespmem:s6], [sflag:$0x1] =	stream.indirect_vreg.gather [hbm4b:s8+s30], $0x80, v4, vm0, $0xb8;
	[tilespmem:$0x18200] =	vst v63  }
0x408: {  	s13 =	simm.s32 $0x3A00  }
0x409: {  	[tilespmem:s13], [sflag:$0x1] =	stream.indirect_vreg.gather [hbm4b:s9+s30], $0x80, v4, vm0, $0xb8;
	[tilespmem:$0x18200] =	vst v63  }
0x40a: {  	v4 =	vld [tilespmem:$0xF0];
	_ =	sdelay $0x4  }
0x40b: {  	v5 =	vshll.u32 v4, $0x3  }
0x40c: {  	v4 =	vand.u32 $0x7, v4;
	v5 =	vand.u32 $0xFFFFFFC0, v5  }
0x40d: {  	v4 =	vor.u32 v4, v5  }
0x40e: {  	v5 =	vperm.xlane v4, v0;
	_ =	sdelay $0x1  }
0x40f: {  	v5 =	vadd.s32 v1, v5;
	_ =	sdelay $0x3  }
0x410: {  	s14 =	simm.s32 $0x4200  }
0x411: {  	[tilespmem:s14], [sflag:$0x1] =	stream.indirect_vreg.gather [hbm4b:s1+s30], $0x80, v5, vm0, $0xb8;
	[tilespmem:$0x18200] =	vst v63  }
0x412: {  	s15 =	simm.s32 $0x4A00;
	v4 =	vperm.xlane v4, v2  }
0x413: {  	[tilespmem:s15], [sflag:$0x1] =	stream.indirect_vreg.gather [hbm4b:s7+s30], $0x80, v5, vm0, $0xb8;
	[tilespmem:$0x18200] =	vst v63  }
0x414: {  	s16 =	simm.s32 $0x5200;
	v4 =	vadd.s32 v1, v4  }
0x415: {  	[tilespmem:s16], [sflag:$0x1] =	stream.indirect_vreg.gather [hbm4b:s8+s30], $0x80, v5, vm0, $0xb8;
	[tilespmem:$0x18200] =	vst v63  }
0x416: {  	s17 =	simm.s32 $0x5A00  }
0x417: {  	[tilespmem:s17], [sflag:$0x1] =	stream.indirect_vreg.gather [hbm4b:s9+s30], $0x80, v5, vm0, $0xb8;
	[tilespmem:$0x18200] =	vst v63  }
0x418: {  	s18 =	simm.s32 $0x6200  }
0x419: {  	[tilespmem:s18], [sflag:$0x1] =	stream.indirect_vreg.gather [hbm4b:s1+s30], $0x80, v4, vm0, $0xb8;
	[tilespmem:$0x18200] =	vst v63  }
0x41a: {  	s6 =	simm.s32 $0x6A00  }
0x41b: {  	[tilespmem:s6], [sflag:$0x1] =	stream.indirect_vreg.gather [hbm4b:s7+s30], $0x80, v4, vm0, $0xb8;
	[tilespmem:$0x18200] =	vst v63  }
0x41c: {  	s13 =	simm.s32 $0x7200  }
0x41d: {  	[tilespmem:s13], [sflag:$0x1] =	stream.indirect_vreg.gather [hbm4b:s8+s30], $0x80, v4, vm0, $0xb8;
	[tilespmem:$0x18200] =	vst v63  }
0x41e: {  	s14 =	simm.s32 $0x7A00  }
0x41f: {  	[tilespmem:s14], [sflag:$0x1] =	stream.indirect_vreg.gather [hbm4b:s9+s30], $0x80, v4, vm0, $0xb8;
	[tilespmem:$0x18200] =	vst v63  }
0x420: {  	v4 =	vld [tilespmem:$0x1E0];
	_ =	sdelay $0x4  }
0x421: {  	v5 =	vshll.u32 v4, $0x3  }
0x422: {  	v4 =	vand.u32 $0x3, v4;
	v5 =	vand.u32 $0xFFFFFFE0, v5  }
0x423: {  	v4 =	vor.u32 v4, v5  }
0x424: {  	v5 =	vperm.xlane v4, v0;
	_ =	sdelay $0x1  }
0x425: {  	v5 =	vadd.s32 v3, v5;
	_ =	sdelay $0x3  }
0x426: {  	s15 =	simm.s32 $0x10200  }
0x427: {  	[tilespmem:s15], [sflag:$0x2] =	stream.indirect_vreg.gather [hbm4b:s2+s30], $0x80, v5, vm0, $0xb8;
	[tilespmem:$0x18200] =	vst v63  }
0x428: {  	s16 =	simm.s32 $0x10A00;
	v4 =	vperm.xlane v4, v2  }
0x429: {  	[tilespmem:s16], [sflag:$0x2] =	stream.indirect_vreg.gather [hbm4b:s10+s30], $0x80, v5, vm0, $0xb8;
	[tilespmem:$0x18200] =	vst v63  }
0x42a: {  	s17 =	simm.s32 $0x11200;
	v4 =	vadd.s32 v3, v4  }
0x42b: {  	[tilespmem:s17], [sflag:$0x2] =	stream.indirect_vreg.gather [hbm4b:s11+s30], $0x80, v5, vm0, $0xb8;
	[tilespmem:$0x18200] =	vst v63  }
0x42c: {  	s18 =	simm.s32 $0x11A00  }
0x42d: {  	[tilespmem:s18], [sflag:$0x2] =	stream.indirect_vreg.gather [hbm4b:s12+s30], $0x80, v5, vm0, $0xb8;
	[tilespmem:$0x18200] =	vst v63  }
0x42e: {  	s6 =	simm.s32 $0x12200  }
0x42f: {  	[tilespmem:s6], [sflag:$0x2] =	stream.indirect_vreg.gather [hbm4b:s2+s30], $0x80, v4, vm0, $0xb8;
	[tilespmem:$0x18200] =	vst v63  }
0x430: {  	s13 =	simm.s32 $0x12A00  }
0x431: {  	[tilespmem:s13], [sflag:$0x2] =	stream.indirect_vreg.gather [hbm4b:s10+s30], $0x80, v4, vm0, $0xb8;
	[tilespmem:$0x18200] =	vst v63  }
0x432: {  	s14 =	simm.s32 $0x13200  }
0x433: {  	[tilespmem:s14], [sflag:$0x2] =	stream.indirect_vreg.gather [hbm4b:s11+s30], $0x80, v4, vm0, $0xb8;
	[tilespmem:$0x18200] =	vst v63  }
0x434: {  	s15 =	simm.s32 $0x13A00  }
0x435: {  	[tilespmem:s15], [sflag:$0x2] =	stream.indirect_vreg.gather [hbm4b:s12+s30], $0x80, v4, vm0, $0xb8;
	[tilespmem:$0x18200] =	vst v63  }
0x436: {  	v4 =	vld [tilespmem:$0x1F0];
	_ =	sdelay $0x4  }
0x437: {  	v5 =	vshll.u32 v4, $0x3  }
0x438: {  	v4 =	vand.u32 $0x3, v4;
	v5 =	vand.u32 $0xFFFFFFE0, v5  }
0x439: {  	v4 =	vor.u32 v4, v5  }
0x43a: {  	v5 =	vperm.xlane v4, v0;
	_ =	sdelay $0x1  }
0x43b: {  	v5 =	vadd.s32 v3, v5;
	_ =	sdelay $0x3  }
0x43c: {  	s16 =	simm.s32 $0x14200  }
0x43d: {  	[tilespmem:s16], [sflag:$0x2] =	stream.indirect_vreg.gather [hbm4b:s2+s30], $0x80, v5, vm0, $0xb8;
	[tilespmem:$0x18200] =	vst v63  }
0x43e: {  	s17 =	simm.s32 $0x14A00;
	v4 =	vperm.xlane v4, v2  }
0x43f: {  	[tilespmem:s17], [sflag:$0x2] =	stream.indirect_vreg.gather [hbm4b:s10+s30], $0x80, v5, vm0, $0xb8;
	[tilespmem:$0x18200] =	vst v63  }
0x440: {  	v4 =	vadd.s32 v3, v4  }
0x441: {  	[tilespmem:s19], [sflag:$0x2] =	stream.indirect_vreg.gather [hbm4b:s11+s30], $0x80, v5, vm0, $0xb8;
	[tilespmem:$0x18200] =	vst v63  }
0x442: {  	_ = 	snop  }
0x443: {  	[tilespmem:s20], [sflag:$0x2] =	stream.indirect_vreg.gather [hbm4b:s12+s30], $0x80, v5, vm0, $0xb8;
	[tilespmem:$0x18200] =	vst v63  }
0x444: {  	_ = 	snop  }
0x445: {  	[tilespmem:s21], [sflag:$0x2] =	stream.indirect_vreg.gather [hbm4b:s2+s30], $0x80, v4, vm0, $0xb8;
	[tilespmem:$0x18200] =	vst v63  }
0x446: {  	_ = 	snop  }
0x447: {  	[tilespmem:s22], [sflag:$0x2] =	stream.indirect_vreg.gather [hbm4b:s10+s30], $0x80, v4, vm0, $0xb8;
	[tilespmem:$0x18200] =	vst v63  }
0x448: {  	_ = 	snop  }
0x449: {  	[tilespmem:s23], [sflag:$0x2] =	stream.indirect_vreg.gather [hbm4b:s11+s30], $0x80, v4, vm0, $0xb8;
	[tilespmem:$0x18200] =	vst v63  }
0x44a: {  	_ = 	snop  }
0x44b: {  	[tilespmem:s24], [sflag:$0x2] =	stream.indirect_vreg.gather [hbm4b:s12+s30], $0x80, v4, vm0, $0xb8;
	[tilespmem:$0x18200] =	vst v63  }
0x44c: {  	s18 =	rddreg [dreg:$0x18]  }
0x44d: {  	[tilespmem:s25], [sflag:$0x3] =	stream.linear.gather [hbm4b:s18+s30], $0x8000, $0x38;
	[tilespmem:$0x18200] =	vst v63  }
0x44e: {  	_ =	swait.ge [sflag:s0], $0x8000  }
0x44f: {  	[sflag:s0] =	ssyncset.done $0x0  }
0x450: {  	[sflag:s0] =	ssyncadd.s32 $0xFFFF8000  }
0x451: {  	_ =	swait.ge [sflag:s3], $0x8000  }
0x452: {  	[sflag:s3] =	ssyncset.done $0x0  }
0x453: {  	[sflag:s3] =	ssyncadd.s32 $0xFFFF8000  }
0x454: {  	_ =	swait.ge [sflag:s26], $0x8000  }
0x455: {  	[sflag:s26] =	ssyncset.done $0x0  }
0x456: {  	s13 =	simm.s32 $0x0;
	[sflag:s26] =	ssyncadd.s32 $0xFFFF8000  }
.LBB2_30:
0x457: {  	s5 =	sshll.u32 s13, $0xA;
	s6 =	sshll.u32 s13, $0x7  }
0x458: {  	s5 =	sand.u32 $0x6000, s5;
	s6 =	sand.u32 $0x380, s6  }
0x459: {  	s18 =	sand.u32 $0x40, s30;
	s5 =	sor.u32 s5, s6  }
0x45a: {  	s14 =	sand.u32 $0x1C00, s30;
	s6 =	sor.u32 s18, s5  }
0x45b: {  	s14 =	sor.u32 s14, s6  }
0x45c: {  	v6 =	vld [tilespmem:s14+$0x10200]  }
0x45d: {  	v5 =	vld [tilespmem:s14+$0x10210]  }
0x45e: {  	v7 =	vld [tilespmem:s14+$0x8200]  }
0x45f: {  	v4 =	vld [tilespmem:s14+$0x8210]  }
0x460: {  	v12 =	vld [tilespmem:s14+$0x200]  }
0x461: {  	v11 =	vld [tilespmem:s14+$0x210]  }
0x462: {  	v10 =	vld [tilespmem:s14+$0x220]  }
0x463: {  	v9 =	vld [tilespmem:s14+$0x230]  }
0x464: {  	s15 =	simm.s32 $0x40;
	s16 =	simm.s32 $0x0;
	s6 =	simm.s32 $0x0;
	v8 =	vld [tilespmem:s14+$0x8220]  }
.LBB2_31:
0x465: {  	s17 =	sand.u32 $0x40, s15;
	v12 =	vmul.f32 $3.200000000e+01, v12;
	v13 =	vld [tilespmem:s14+$0x8230];
	s16 =	sadd.s32 $0x200, s16  }
0x466: {  	s18 =	sand.u32 $0x1C00, s16;
	s17 =	sor.u32 s17, s5;
	v11 =	vmul.f32 $3.200000000e+01, v11;
	v14 =	vld [tilespmem:s14+$0x10220]  }
0x467: {  	s17 =	sor.u32 s18, s17;
	v7 =	vadd.f32 v7, v12;
	v10 =	vmul.f32 $3.200000000e+01, v10;
	v15 =	vld [tilespmem:s14+$0x10230]  }
0x468: {  	v16 =	vld [tilespmem:s17+$0x10200];
	v4 =	vadd.f32 v4, v11;
	v9 =	vmul.f32 $3.200000000e+01, v9  }
0x469: {  	v17 =	vld [tilespmem:s17+$0x10210];
	v6 =	vadd.f32 v6, v7;
	v8 =	vadd.f32 v8, v10  }
0x46a: {  	s6 =	sadd.s32 $0x4, s6;
	v7 =	vld [tilespmem:s17+$0x8200];
	v5 =	vadd.f32 v5, v4;
	v9 =	vadd.f32 v13, v9  }
0x46b: {  	p0 =	slt.u32 s6, $0x3C;
	v4 =	vld [tilespmem:s17+$0x8210];
	[tilespmem:s14+$0x200] =	vst v6;
	v8 =	vadd.f32 v14, v8  }
.Ltmp14:
0x46c: {  	v12 =	vld [tilespmem:s17+$0x200];
	[tilespmem:s14+$0x210] =	vst v5;
	v9 =	vadd.f32 v15, v9;
	(pc) =	sbr.rel @p0 .LBB2_31-.Ltmp14, $4  }
0x46d: {  	v11 =	vld [tilespmem:s17+$0x210];
	[tilespmem:s14+$0x220] =	vst v8;
	v6 =	vmov v16  }
0x46e: {  	v10 =	vld [tilespmem:s17+$0x220];
	[tilespmem:s14+$0x230] =	vst v9;
	v5 =	vmov v17;
	s14 =	smov.u32 s17  }
0x46f: {  	v9 =	vld [tilespmem:s14+$0x230]  }
0x470: {  	s15 =	sadd.s32 $0x40, s15;
	v8 =	vld [tilespmem:s14+$0x8220]  }
0x471: {  	v12 =	vmul.f32 $3.200000000e+01, v12;
	v13 =	vld [tilespmem:s14+$0x8230]  }
0x472: {  	v14 =	vld [tilespmem:s14+$0x10220];
	v11 =	vmul.f32 $3.200000000e+01, v11  }
0x473: {  	v61 =	vld [tilespmem:s14+$0x10230];
	v7 =	vadd.f32 v7, v12;
	v10 =	vmul.f32 $3.200000000e+01, v10  }
0x474: {  	s13 =	sadd.s32 $0x1, s13;
	v4 =	vadd.f32 v4, v11;
	v9 =	vmul.f32 $3.200000000e+01, v9  }
0x475: {  	p0 =	sne.s32 s13, $0x20;
	v6 =	vadd.f32 v6, v7;
	v62 =	vadd.f32 v8, v10  }
.Ltmp15:
0x476: {  	v4 =	vadd.f32 v5, v4;
	v5 =	vadd.f32 v13, v9;
	(pc) =	sbr.rel @p0 .LBB2_30-.Ltmp15, $4  }
0x477: {  	[tilespmem:s14+$0x200] =	vst v6;
	v63 =	vadd.f32 v14, v62  }
0x478: {  	[tilespmem:s14+$0x210] =	vst v4;
	v4 =	vadd.f32 v61, v5  }
0x479: {  	[tilespmem:s14+$0x220] =	vst v63  }
0x47a: {  	[tilespmem:s14+$0x230] =	vst v4  }
0x47b: {  	s5 =	rddreg [dreg:$0x19]  }
0x47c: {  	[hbm4b:s5+s4] =	stream.linear.scatter [tilespmem:s31], [sflag:$0x4], $0x8000, $0x38;
	[tilespmem:$0x18200] =	vst v63  }
0x47d: {  	_ =	swait.ge [sflag:s28], $0x8000  }
0x47e: {  	s29 =	sadd.s32 $0x1, s29;
	s30 =	rddreg [dreg:$0x15]  }
0x47f: {  	p0 =	sne.s32 s29, s30  }
.Ltmp16:
0x480: {  	_ = 	snop;
	(pc) =	sbr.rel @p0 .LBB2_1-.Ltmp16, $3  }
0x481: {  	_ =	sdelay $0x1  }
0x482: {  	[sflag:s28] =	ssyncset.done $0x0  }
0x483: {  	[sflag:s28] =	ssyncadd.s32 $0xFFFF8000  }
0x484: {  	_ =	sfence.sel $0x180000  }
0x485: {  	[bflag:$0x0] =	sbarrier.arrive $0xFFFF  }
0x486: {  	_ =	strace $0x90000047  }
0x487: {  	s0 =	stileid.u32;
	[bflag:$0x2] =	sbarrier.arrive $0xFFFF  }
0x488: {  	p0 =	sne.s32 s0, $0x0;
	s0 =	rddreg [dreg:$0x6]  }
0x489: {  	s0 =	sadd.s32 @!p0 $0x100000, s0  }
0x48a: {  	[sflag:s0] =	ssyncadd.tile.s32 @!p0 $0x1;
	_ =	shalt  }
.Lfunc_end2:
_tile_overlayer_lowered:
.L_overlay_start_2:
0x48b: {  	(tag) =	ssettag $0x2  }
0x48c: {  	s0 =	rddreg [dreg:$0x0];
	s2 =	stileid.u32  }
0x48d: {  	s1 =	rddreg [dreg:$0x1];
	p0 =	sne.s32 s2, $0x0  }
0x48e: {  	s3 =	rddreg [dreg:$0x2];
	[bflag:$0x3] =	sbarrier.arrive $0xFFFF;
	s2 =	simm.s32 @!p0 $0x1C05  }
0x48f: {  	[timem:s3], [sflag:s2] =	dma.local @!p0 [hbm:s0], s1  }
0x490: {  	s0 =	simm.s32 @!p0 $0x5  }
0x491: {  	_ =	swait.ge @!p0 [sflag:s0], s1  }
0x492: {  	s1 =	ssub.s32 @!p0 $0x0, s1;
	[sflag:s0] =	ssyncset.done @!p0 $0x0  }
0x493: {  	[sflag:s0] =	ssyncadd.s32 @!p0 s1  }
0x494: {  	[bflag:$0x3] =	sbarrier.arrive $0xFFFF  }
0x495: {  	_ =	shalt  }

</sc_bundles>
